<compile_context>
chip_gen: v7x
topology: tpu7x:2x2x1
jax: 0.10.2.dev20260603
libtpu: 0.0.44.dev20260713+nightly
codegen_flags: <defaults>
</compile_context>

<pallas_src>
import jax
import jax.numpy as jnp
from jax import lax
from jax.experimental import pallas as pl
from jax.experimental.pallas import tpu as pltpu
from jax.experimental.pallas import tpu_sc as plsc

_SEQ = 8192
_DIM = 768
_BATCH = 4
_NW = 32
_ROWS_PER_W = _SEQ // _NW
_SUB = 16
_BLK = _SUB * _DIM
_NSB = _ROWS_PER_W // _SUB


def _sc_body(in_hbm, pos_hbm, out_hbm, in_bufs, pos_bufs, in_sems, pos_sems, out_sems):
    c = lax.axis_index("c")
    s = lax.axis_index("s")
    wid = s * 2 + c
    base_row = wid * _ROWS_PER_W

    def in_off(sb, b):
        return (b * _SEQ + base_row + sb * _SUB) * _DIM

    def pos_off(sb):
        return (base_row + sb * _SUB) * _DIM

    def start_pos(sb, p):
        pltpu.async_copy(
            pos_hbm.at[pl.ds(pos_off(sb), _BLK)],
            pos_bufs.at[pl.ds(p * _BLK, _BLK)],
            pos_sems.at[p],
        )

    def wait_pos(sb, p):
        pltpu.make_async_copy(
            pos_hbm.at[pl.ds(pos_off(sb), _BLK)],
            pos_bufs.at[pl.ds(p * _BLK, _BLK)],
            pos_sems.at[p],
        ).wait()

    def start_in(sb, p, b):
        g = p * _BATCH + b
        pltpu.async_copy(
            in_hbm.at[pl.ds(in_off(sb, b), _BLK)],
            in_bufs.at[pl.ds(g * _BLK, _BLK)],
            in_sems.at[g],
        )

    def wait_in(sb, p, b):
        g = p * _BATCH + b
        pltpu.make_async_copy(
            in_hbm.at[pl.ds(in_off(sb, b), _BLK)],
            in_bufs.at[pl.ds(g * _BLK, _BLK)],
            in_sems.at[g],
        ).wait()

    def start_out(sb, p, b):
        g = p * _BATCH + b
        pltpu.async_copy(
            in_bufs.at[pl.ds(g * _BLK, _BLK)],
            out_hbm.at[pl.ds(in_off(sb, b), _BLK)],
            out_sems.at[g],
        )

    def wait_out(sb, p, b):
        g = p * _BATCH + b
        pltpu.make_async_copy(
            in_bufs.at[pl.ds(g * _BLK, _BLK)],
            out_hbm.at[pl.ds(in_off(sb, b), _BLK)],
            out_sems.at[g],
        ).wait()

    for p in range(2):
        start_pos(p, p)
        for b in range(_BATCH):
            start_in(p, p, b)

    def super_iter(k, carry):
        for p in range(2):
            sb = 2 * k + p
            wait_pos(sb, p)
            for b in range(_BATCH):
                g = p * _BATCH + b
                wait_in(sb, p, b)

                def add_iter(i, _, g=g, p=p):
                    dst = pl.ds(g * _BLK + i * 16, 16)
                    src = pl.ds(p * _BLK + i * 16, 16)
                    in_bufs[dst] = in_bufs[dst] + pos_bufs[src]
                    return 0

                lax.fori_loop(0, _BLK // 16, add_iter, 0, unroll=8)
                start_out(sb, p, b)

            @pl.when(2 * k + p + 2 < _NSB)
            def _prefetch(p=p, sb=sb):
                sb2 = sb + 2
                for b in range(_BATCH):
                    wait_out(sb, p, b)
                    start_in(sb2, p, b)
                start_pos(sb2, p)

        return carry

    lax.fori_loop(0, _NSB // 2, super_iter, 0)

    for p in range(2):
        sb = _NSB - 2 + p
        for b in range(_BATCH):
            wait_out(sb, p, b)


def kernel(inputs, pos_table):
    in_flat = inputs.reshape(-1)
    pos_flat = pos_table.reshape(-1)
    mesh = plsc.VectorSubcoreMesh(core_axis_name="c", subcore_axis_name="s")
    out = pl.kernel(
        _sc_body,
        mesh=mesh,
        out_type=jax.ShapeDtypeStruct((_BATCH * _SEQ * _DIM,), jnp.float32),
        scratch_types=[
            pltpu.VMEM((2 * _BATCH * _BLK,), jnp.float32),
            pltpu.VMEM((2 * _BLK,), jnp.float32),
            pltpu.SemaphoreType.DMA((2 * _BATCH,)),
            pltpu.SemaphoreType.DMA((2,)),
            pltpu.SemaphoreType.DMA((2 * _BATCH,)),
        ],
    )(in_flat, pos_flat)
    return out.reshape(inputs.shape)

# --- scband reference (transcript-rebuilt; emitter-appended) ---
"""Pipeline reference for scband-positional-embedding-66898410602578 (READ-ONLY COPY).

The authoritative reference and input builder live on the scoring server;
editing this copy changes nothing except your own understanding.
"""

import jax, jax.numpy as jnp
import numpy as np

SEQUENCE_LENGTH = 8192
OUTPUT_DIM = 768
BATCH = 4

def setup_inputs(seed: int = 0) -> dict:
    key = jax.random.key(seed)
    k1, k2 = jax.random.split(key)
    inputs = jax.random.normal(k1, (BATCH, SEQUENCE_LENGTH, OUTPUT_DIM), dtype=jnp.float32)
    # Keras Embedding default initializer is uniform(-0.05, 0.05)
    pos_table = jax.random.uniform(k2, (SEQUENCE_LENGTH, OUTPUT_DIM), dtype=jnp.float32, minval=-0.05, maxval=0.05)
    return {"inputs": inputs, "pos_table": pos_table}

def reference(inputs, pos_table):
    length = inputs.shape[1]
    positions = jnp.arange(0, length, 1)
    embedded_positions = jnp.take(pos_table, positions, axis=0)
    return inputs + embedded_positions[None, :, :]

if __name__ == "__main__":
    import jax
    _d = setup_inputs()
    print(jax.jit(kernel)(*tuple(_d.values())))

</pallas_src>

<mosaic_0001>
#map = affine_map<(d0, d1) -> (0)>
module attributes {stable_mosaic.version = 14 : i64} {
  func.func @_sc_body(%arg0: i32, %arg1: i32, %arg2: memref<25165824xf32, #tpu.memory_space<hbm>>, %arg3: memref<6291456xf32, #tpu.memory_space<hbm>>, %arg4: memref<25165824xf32, #tpu.memory_space<hbm>>, %arg5: memref<98304xf32, #tpu.memory_space<vmem>>, %arg6: memref<24576xf32, #tpu.memory_space<vmem>>, %arg7: memref<8x!tpu.dma_semaphore, #tpu.memory_space<semaphore_mem>>, %arg8: memref<2x!tpu.dma_semaphore, #tpu.memory_space<semaphore_mem>>, %arg9: memref<8x!tpu.dma_semaphore, #tpu.memory_space<semaphore_mem>>) attributes {dimension_semantics = [#tpu.dimension_semantics<core_parallel>, #tpu.dimension_semantics<subcore_parallel>], iteration_bounds = array<i64: 2, 16>, scalar_prefetch = 0 : i64, scratch_operands = 5 : i64, tpu.core_type = #tpu.core_type<sc_vector_subcore>, window_params = [{transform_indices = #map}, {transform_indices = #map}, {transform_indices = #map}]} {
    %mul3A = arith.constant 2 : i32
    %mul3A_0 = arith.muli %arg1, %mul3A : i32
    %add3A = arith.addi %mul3A_0, %arg0 : i32
    %mul3A_1 = arith.constant 256 : i32
    %mul3A_2 = arith.muli %add3A, %mul3A_1 : i32
    %add3A_3 = arith.constant 0 : i32
    %add3A_4 = arith.addi %mul3A_2, %add3A_3 : i32
    %mul3A_5 = arith.constant 768 : i32
    %mul3A_6 = arith.muli %add3A_4, %mul3A_5 : i32
    %dma_start3A = arith.constant 0 : i32
    %dma_start3A_7 = arith.constant 0 : i32
    %dma_start3A_8 = tpu.memref_slice %arg6[%dma_start3A_7] : memref<24576xf32, #tpu.memory_space<vmem>> -> memref<12288xf32, #tpu.memory_space<vmem>>
    %dma_start3A_9 = tpu.memref_slice %arg3[%mul3A_6] : memref<6291456xf32, #tpu.memory_space<hbm>> -> memref<12288xf32, #tpu.memory_space<hbm>>
    %dma_start3A_10 = tpu.memref_slice %arg8[%dma_start3A] : memref<2x!tpu.dma_semaphore, #tpu.memory_space<semaphore_mem>> -> memref<1x!tpu.dma_semaphore, #tpu.memory_space<semaphore_mem>>
    %dma_start3A_11 = tpu.memref_squeeze %dma_start3A_10 : memref<1x!tpu.dma_semaphore, #tpu.memory_space<semaphore_mem>> -> memref<!tpu.dma_semaphore, #tpu.memory_space<semaphore_mem>>
    %dma_start3A_12 = arith.constant 0 : i32
    %dma_start3A_13 = tpu.memref_slice %arg6[%dma_start3A_12] : memref<24576xf32, #tpu.memory_space<vmem>> -> memref<12288xf32, #tpu.memory_space<vmem>>
    %dma_start3A_14 = tpu.memref_slice %arg3[%mul3A_6] : memref<6291456xf32, #tpu.memory_space<hbm>> -> memref<12288xf32, #tpu.memory_space<hbm>>
    tpu.enqueue_dma source(%dma_start3A_14 : memref<12288xf32, #tpu.memory_space<hbm>>) target(%dma_start3A_13 : memref<12288xf32, #tpu.memory_space<vmem>>) target_semaphore(%dma_start3A_11 : memref<!tpu.dma_semaphore, #tpu.memory_space<semaphore_mem>>)
    %add3A_15 = arith.constant 0 : i32
    %add3A_16 = arith.addi %add3A_15, %mul3A_2 : i32
    %add3A_17 = arith.constant 0 : i32
    %add3A_18 = arith.addi %add3A_16, %add3A_17 : i32
    %mul3A_19 = arith.constant 768 : i32
    %mul3A_20 = arith.muli %add3A_18, %mul3A_19 : i32
    %dma_start3A_21 = arith.constant 0 : i32
    %dma_start3A_22 = arith.constant 0 : i32
    %dma_start3A_23 = tpu.memref_slice %arg5[%dma_start3A_22] : memref<98304xf32, #tpu.memory_space<vmem>> -> memref<12288xf32, #tpu.memory_space<vmem>>
    %dma_start3A_24 = tpu.memref_slice %arg2[%mul3A_20] : memref<25165824xf32, #tpu.memory_space<hbm>> -> memref<12288xf32, #tpu.memory_space<hbm>>
    %dma_start3A_25 = tpu.memref_slice %arg7[%dma_start3A_21] : memref<8x!tpu.dma_semaphore, #tpu.memory_space<semaphore_mem>> -> memref<1x!tpu.dma_semaphore, #tpu.memory_space<semaphore_mem>>
    %dma_start3A_26 = tpu.memref_squeeze %dma_start3A_25 : memref<1x!tpu.dma_semaphore, #tpu.memory_space<semaphore_mem>> -> memref<!tpu.dma_semaphore, #tpu.memory_space<semaphore_mem>>
    %dma_start3A_27 = arith.constant 0 : i32
    %dma_start3A_28 = tpu.memref_slice %arg5[%dma_start3A_27] : memref<98304xf32, #tpu.memory_space<vmem>> -> memref<12288xf32, #tpu.memory_space<vmem>>
    %dma_start3A_29 = tpu.memref_slice %arg2[%mul3A_20] : memref<25165824xf32, #tpu.memory_space<hbm>> -> memref<12288xf32, #tpu.memory_space<hbm>>
    tpu.enqueue_dma source(%dma_start3A_29 : memref<12288xf32, #tpu.memory_space<hbm>>) target(%dma_start3A_28 : memref<12288xf32, #tpu.memory_space<vmem>>) target_semaphore(%dma_start3A_26 : memref<!tpu.dma_semaphore, #tpu.memory_space<semaphore_mem>>)
    %add3A_30 = arith.constant 8192 : i32
    %add3A_31 = arith.addi %add3A_30, %mul3A_2 : i32
    %add3A_32 = arith.constant 0 : i32
    %add3A_33 = arith.addi %add3A_31, %add3A_32 : i32
    %mul3A_34 = arith.constant 768 : i32
    %mul3A_35 = arith.muli %add3A_33, %mul3A_34 : i32
    %dma_start3A_36 = arith.constant 1 : i32
    %dma_start3A_37 = arith.constant 12288 : i32
    %dma_start3A_38 = tpu.memref_slice %arg5[%dma_start3A_37] : memref<98304xf32, #tpu.memory_space<vmem>> -> memref<12288xf32, #tpu.memory_space<vmem>>
    %dma_start3A_39 = tpu.memref_slice %arg2[%mul3A_35] : memref<25165824xf32, #tpu.memory_space<hbm>> -> memref<12288xf32, #tpu.memory_space<hbm>>
    %dma_start3A_40 = tpu.memref_slice %arg7[%dma_start3A_36] : memref<8x!tpu.dma_semaphore, #tpu.memory_space<semaphore_mem>> -> memref<1x!tpu.dma_semaphore, #tpu.memory_space<semaphore_mem>>
    %dma_start3A_41 = tpu.memref_squeeze %dma_start3A_40 : memref<1x!tpu.dma_semaphore, #tpu.memory_space<semaphore_mem>> -> memref<!tpu.dma_semaphore, #tpu.memory_space<semaphore_mem>>
    %dma_start3A_42 = arith.constant 12288 : i32
    %dma_start3A_43 = tpu.memref_slice %arg5[%dma_start3A_42] : memref<98304xf32, #tpu.memory_space<vmem>> -> memref<12288xf32, #tpu.memory_space<vmem>>
    %dma_start3A_44 = tpu.memref_slice %arg2[%mul3A_35] : memref<25165824xf32, #tpu.memory_space<hbm>> -> memref<12288xf32, #tpu.memory_space<hbm>>
    tpu.enqueue_dma source(%dma_start3A_44 : memref<12288xf32, #tpu.memory_space<hbm>>) target(%dma_start3A_43 : memref<12288xf32, #tpu.memory_space<vmem>>) target_semaphore(%dma_start3A_41 : memref<!tpu.dma_semaphore, #tpu.memory_space<semaphore_mem>>)
    %add3A_45 = arith.constant 16384 : i32
    %add3A_46 = arith.addi %add3A_45, %mul3A_2 : i32
    %add3A_47 = arith.constant 0 : i32
    %add3A_48 = arith.addi %add3A_46, %add3A_47 : i32
    %mul3A_49 = arith.constant 768 : i32
    %mul3A_50 = arith.muli %add3A_48, %mul3A_49 : i32
    %dma_start3A_51 = arith.constant 2 : i32
    %dma_start3A_52 = arith.constant 24576 : i32
    %dma_start3A_53 = tpu.memref_slice %arg5[%dma_start3A_52] : memref<98304xf32, #tpu.memory_space<vmem>> -> memref<12288xf32, #tpu.memory_space<vmem>>
    %dma_start3A_54 = tpu.memref_slice %arg2[%mul3A_50] : memref<25165824xf32, #tpu.memory_space<hbm>> -> memref<12288xf32, #tpu.memory_space<hbm>>
    %dma_start3A_55 = tpu.memref_slice %arg7[%dma_start3A_51] : memref<8x!tpu.dma_semaphore, #tpu.memory_space<semaphore_mem>> -> memref<1x!tpu.dma_semaphore, #tpu.memory_space<semaphore_mem>>
    %dma_start3A_56 = tpu.memref_squeeze %dma_start3A_55 : memref<1x!tpu.dma_semaphore, #tpu.memory_space<semaphore_mem>> -> memref<!tpu.dma_semaphore, #tpu.memory_space<semaphore_mem>>
    %dma_start3A_57 = arith.constant 24576 : i32
    %dma_start3A_58 = tpu.memref_slice %arg5[%dma_start3A_57] : memref<98304xf32, #tpu.memory_space<vmem>> -> memref<12288xf32, #tpu.memory_space<vmem>>
    %dma_start3A_59 = tpu.memref_slice %arg2[%mul3A_50] : memref<25165824xf32, #tpu.memory_space<hbm>> -> memref<12288xf32, #tpu.memory_space<hbm>>
    tpu.enqueue_dma source(%dma_start3A_59 : memref<12288xf32, #tpu.memory_space<hbm>>) target(%dma_start3A_58 : memref<12288xf32, #tpu.memory_space<vmem>>) target_semaphore(%dma_start3A_56 : memref<!tpu.dma_semaphore, #tpu.memory_space<semaphore_mem>>)
    %add3A_60 = arith.constant 24576 : i32
    %add3A_61 = arith.addi %add3A_60, %mul3A_2 : i32
    %add3A_62 = arith.constant 0 : i32
    %add3A_63 = arith.addi %add3A_61, %add3A_62 : i32
    %mul3A_64 = arith.constant 768 : i32
    %mul3A_65 = arith.muli %add3A_63, %mul3A_64 : i32
    %dma_start3A_66 = arith.constant 3 : i32
    %dma_start3A_67 = arith.constant 36864 : i32
    %dma_start3A_68 = tpu.memref_slice %arg5[%dma_start3A_67] : memref<98304xf32, #tpu.memory_space<vmem>> -> memref<12288xf32, #tpu.memory_space<vmem>>
    %dma_start3A_69 = tpu.memref_slice %arg2[%mul3A_65] : memref<25165824xf32, #tpu.memory_space<hbm>> -> memref<12288xf32, #tpu.memory_space<hbm>>
    %dma_start3A_70 = tpu.memref_slice %arg7[%dma_start3A_66] : memref<8x!tpu.dma_semaphore, #tpu.memory_space<semaphore_mem>> -> memref<1x!tpu.dma_semaphore, #tpu.memory_space<semaphore_mem>>
    %dma_start3A_71 = tpu.memref_squeeze %dma_start3A_70 : memref<1x!tpu.dma_semaphore, #tpu.memory_space<semaphore_mem>> -> memref<!tpu.dma_semaphore, #tpu.memory_space<semaphore_mem>>
    %dma_start3A_72 = arith.constant 36864 : i32
    %dma_start3A_73 = tpu.memref_slice %arg5[%dma_start3A_72] : memref<98304xf32, #tpu.memory_space<vmem>> -> memref<12288xf32, #tpu.memory_space<vmem>>
    %dma_start3A_74 = tpu.memref_slice %arg2[%mul3A_65] : memref<25165824xf32, #tpu.memory_space<hbm>> -> memref<12288xf32, #tpu.memory_space<hbm>>
    tpu.enqueue_dma source(%dma_start3A_74 : memref<12288xf32, #tpu.memory_space<hbm>>) target(%dma_start3A_73 : memref<12288xf32, #tpu.memory_space<vmem>>) target_semaphore(%dma_start3A_71 : memref<!tpu.dma_semaphore, #tpu.memory_space<semaphore_mem>>)
    %add3A_75 = arith.constant 16 : i32
    %add3A_76 = arith.addi %mul3A_2, %add3A_75 : i32
    %mul3A_77 = arith.constant 768 : i32
    %mul3A_78 = arith.muli %add3A_76, %mul3A_77 : i32
    %dma_start3A_79 = arith.constant 1 : i32
    %dma_start3A_80 = arith.constant 12288 : i32
    %dma_start3A_81 = tpu.memref_slice %arg6[%dma_start3A_80] : memref<24576xf32, #tpu.memory_space<vmem>> -> memref<12288xf32, #tpu.memory_space<vmem>>
    %dma_start3A_82 = tpu.memref_slice %arg3[%mul3A_78] : memref<6291456xf32, #tpu.memory_space<hbm>> -> memref<12288xf32, #tpu.memory_space<hbm>>
    %dma_start3A_83 = tpu.memref_slice %arg8[%dma_start3A_79] : memref<2x!tpu.dma_semaphore, #tpu.memory_space<semaphore_mem>> -> memref<1x!tpu.dma_semaphore, #tpu.memory_space<semaphore_mem>>
    %dma_start3A_84 = tpu.memref_squeeze %dma_start3A_83 : memref<1x!tpu.dma_semaphore, #tpu.memory_space<semaphore_mem>> -> memref<!tpu.dma_semaphore, #tpu.memory_space<semaphore_mem>>
    %dma_start3A_85 = arith.constant 12288 : i32
    %dma_start3A_86 = tpu.memref_slice %arg6[%dma_start3A_85] : memref<24576xf32, #tpu.memory_space<vmem>> -> memref<12288xf32, #tpu.memory_space<vmem>>
    %dma_start3A_87 = tpu.memref_slice %arg3[%mul3A_78] : memref<6291456xf32, #tpu.memory_space<hbm>> -> memref<12288xf32, #tpu.memory_space<hbm>>
    tpu.enqueue_dma source(%dma_start3A_87 : memref<12288xf32, #tpu.memory_space<hbm>>) target(%dma_start3A_86 : memref<12288xf32, #tpu.memory_space<vmem>>) target_semaphore(%dma_start3A_84 : memref<!tpu.dma_semaphore, #tpu.memory_space<semaphore_mem>>)
    %add3A_88 = arith.constant 0 : i32
    %add3A_89 = arith.addi %add3A_88, %mul3A_2 : i32
    %add3A_90 = arith.constant 16 : i32
    %add3A_91 = arith.addi %add3A_89, %add3A_90 : i32
    %mul3A_92 = arith.constant 768 : i32
    %mul3A_93 = arith.muli %add3A_91, %mul3A_92 : i32
    %dma_start3A_94 = arith.constant 4 : i32
    %dma_start3A_95 = arith.constant 49152 : i32
    %dma_start3A_96 = tpu.memref_slice %arg5[%dma_start3A_95] : memref<98304xf32, #tpu.memory_space<vmem>> -> memref<12288xf32, #tpu.memory_space<vmem>>
    %dma_start3A_97 = tpu.memref_slice %arg2[%mul3A_93] : memref<25165824xf32, #tpu.memory_space<hbm>> -> memref<12288xf32, #tpu.memory_space<hbm>>
    %dma_start3A_98 = tpu.memref_slice %arg7[%dma_start3A_94] : memref<8x!tpu.dma_semaphore, #tpu.memory_space<semaphore_mem>> -> memref<1x!tpu.dma_semaphore, #tpu.memory_space<semaphore_mem>>
    %dma_start3A_99 = tpu.memref_squeeze %dma_start3A_98 : memref<1x!tpu.dma_semaphore, #tpu.memory_space<semaphore_mem>> -> memref<!tpu.dma_semaphore, #tpu.memory_space<semaphore_mem>>
    %dma_start3A_100 = arith.constant 49152 : i32
    %dma_start3A_101 = tpu.memref_slice %arg5[%dma_start3A_100] : memref<98304xf32, #tpu.memory_space<vmem>> -> memref<12288xf32, #tpu.memory_space<vmem>>
    %dma_start3A_102 = tpu.memref_slice %arg2[%mul3A_93] : memref<25165824xf32, #tpu.memory_space<hbm>> -> memref<12288xf32, #tpu.memory_space<hbm>>
    tpu.enqueue_dma source(%dma_start3A_102 : memref<12288xf32, #tpu.memory_space<hbm>>) target(%dma_start3A_101 : memref<12288xf32, #tpu.memory_space<vmem>>) target_semaphore(%dma_start3A_99 : memref<!tpu.dma_semaphore, #tpu.memory_space<semaphore_mem>>)
    %add3A_103 = arith.constant 8192 : i32
    %add3A_104 = arith.addi %add3A_103, %mul3A_2 : i32
    %add3A_105 = arith.constant 16 : i32
    %add3A_106 = arith.addi %add3A_104, %add3A_105 : i32
    %mul3A_107 = arith.constant 768 : i32
    %mul3A_108 = arith.muli %add3A_106, %mul3A_107 : i32
    %dma_start3A_109 = arith.constant 5 : i32
    %dma_start3A_110 = arith.constant 61440 : i32
    %dma_start3A_111 = tpu.memref_slice %arg5[%dma_start3A_110] : memref<98304xf32, #tpu.memory_space<vmem>> -> memref<12288xf32, #tpu.memory_space<vmem>>
    %dma_start3A_112 = tpu.memref_slice %arg2[%mul3A_108] : memref<25165824xf32, #tpu.memory_space<hbm>> -> memref<12288xf32, #tpu.memory_space<hbm>>
    %dma_start3A_113 = tpu.memref_slice %arg7[%dma_start3A_109] : memref<8x!tpu.dma_semaphore, #tpu.memory_space<semaphore_mem>> -> memref<1x!tpu.dma_semaphore, #tpu.memory_space<semaphore_mem>>
    %dma_start3A_114 = tpu.memref_squeeze %dma_start3A_113 : memref<1x!tpu.dma_semaphore, #tpu.memory_space<semaphore_mem>> -> memref<!tpu.dma_semaphore, #tpu.memory_space<semaphore_mem>>
    %dma_start3A_115 = arith.constant 61440 : i32
    %dma_start3A_116 = tpu.memref_slice %arg5[%dma_start3A_115] : memref<98304xf32, #tpu.memory_space<vmem>> -> memref<12288xf32, #tpu.memory_space<vmem>>
    %dma_start3A_117 = tpu.memref_slice %arg2[%mul3A_108] : memref<25165824xf32, #tpu.memory_space<hbm>> -> memref<12288xf32, #tpu.memory_space<hbm>>
    tpu.enqueue_dma source(%dma_start3A_117 : memref<12288xf32, #tpu.memory_space<hbm>>) target(%dma_start3A_116 : memref<12288xf32, #tpu.memory_space<vmem>>) target_semaphore(%dma_start3A_114 : memref<!tpu.dma_semaphore, #tpu.memory_space<semaphore_mem>>)
    %add3A_118 = arith.constant 16384 : i32
    %add3A_119 = arith.addi %add3A_118, %mul3A_2 : i32
    %add3A_120 = arith.constant 16 : i32
    %add3A_121 = arith.addi %add3A_119, %add3A_120 : i32
    %mul3A_122 = arith.constant 768 : i32
    %mul3A_123 = arith.muli %add3A_121, %mul3A_122 : i32
    %dma_start3A_124 = arith.constant 6 : i32
    %dma_start3A_125 = arith.constant 73728 : i32
    %dma_start3A_126 = tpu.memref_slice %arg5[%dma_start3A_125] : memref<98304xf32, #tpu.memory_space<vmem>> -> memref<12288xf32, #tpu.memory_space<vmem>>
    %dma_start3A_127 = tpu.memref_slice %arg2[%mul3A_123] : memref<25165824xf32, #tpu.memory_space<hbm>> -> memref<12288xf32, #tpu.memory_space<hbm>>
    %dma_start3A_128 = tpu.memref_slice %arg7[%dma_start3A_124] : memref<8x!tpu.dma_semaphore, #tpu.memory_space<semaphore_mem>> -> memref<1x!tpu.dma_semaphore, #tpu.memory_space<semaphore_mem>>
    %dma_start3A_129 = tpu.memref_squeeze %dma_start3A_128 : memref<1x!tpu.dma_semaphore, #tpu.memory_space<semaphore_mem>> -> memref<!tpu.dma_semaphore, #tpu.memory_space<semaphore_mem>>
    %dma_start3A_130 = arith.constant 73728 : i32
    %dma_start3A_131 = tpu.memref_slice %arg5[%dma_start3A_130] : memref<98304xf32, #tpu.memory_space<vmem>> -> memref<12288xf32, #tpu.memory_space<vmem>>
    %dma_start3A_132 = tpu.memref_slice %arg2[%mul3A_123] : memref<25165824xf32, #tpu.memory_space<hbm>> -> memref<12288xf32, #tpu.memory_space<hbm>>
    tpu.enqueue_dma source(%dma_start3A_132 : memref<12288xf32, #tpu.memory_space<hbm>>) target(%dma_start3A_131 : memref<12288xf32, #tpu.memory_space<vmem>>) target_semaphore(%dma_start3A_129 : memref<!tpu.dma_semaphore, #tpu.memory_space<semaphore_mem>>)
    %add3A_133 = arith.constant 24576 : i32
    %add3A_134 = arith.addi %add3A_133, %mul3A_2 : i32
    %add3A_135 = arith.constant 16 : i32
    %add3A_136 = arith.addi %add3A_134, %add3A_135 : i32
    %mul3A_137 = arith.constant 768 : i32
    %mul3A_138 = arith.muli %add3A_136, %mul3A_137 : i32
    %dma_start3A_139 = arith.constant 7 : i32
    %dma_start3A_140 = arith.constant 86016 : i32
    %dma_start3A_141 = tpu.memref_slice %arg5[%dma_start3A_140] : memref<98304xf32, #tpu.memory_space<vmem>> -> memref<12288xf32, #tpu.memory_space<vmem>>
    %dma_start3A_142 = tpu.memref_slice %arg2[%mul3A_138] : memref<25165824xf32, #tpu.memory_space<hbm>> -> memref<12288xf32, #tpu.memory_space<hbm>>
    %dma_start3A_143 = tpu.memref_slice %arg7[%dma_start3A_139] : memref<8x!tpu.dma_semaphore, #tpu.memory_space<semaphore_mem>> -> memref<1x!tpu.dma_semaphore, #tpu.memory_space<semaphore_mem>>
    %dma_start3A_144 = tpu.memref_squeeze %dma_start3A_143 : memref<1x!tpu.dma_semaphore, #tpu.memory_space<semaphore_mem>> -> memref<!tpu.dma_semaphore, #tpu.memory_space<semaphore_mem>>
    %dma_start3A_145 = arith.constant 86016 : i32
    %dma_start3A_146 = tpu.memref_slice %arg5[%dma_start3A_145] : memref<98304xf32, #tpu.memory_space<vmem>> -> memref<12288xf32, #tpu.memory_space<vmem>>
    %dma_start3A_147 = tpu.memref_slice %arg2[%mul3A_138] : memref<25165824xf32, #tpu.memory_space<hbm>> -> memref<12288xf32, #tpu.memory_space<hbm>>
    tpu.enqueue_dma source(%dma_start3A_147 : memref<12288xf32, #tpu.memory_space<hbm>>) target(%dma_start3A_146 : memref<12288xf32, #tpu.memory_space<vmem>>) target_semaphore(%dma_start3A_144 : memref<!tpu.dma_semaphore, #tpu.memory_space<semaphore_mem>>)
    %scan3A = arith.constant 0 : i32
    %scan3A_148 = arith.constant 0 : i32
    %scan3A_149 = arith.constant 8 : i32
    %scan3A_150 = arith.addi %scan3A_148, %scan3A_149 : i32
    %scan3A_151 = arith.constant 1 : i32
    scf.for %scan3A_272 = %scan3A_148 to %scan3A_150 step %scan3A_151  : i32 {
      %mul3A_273 = arith.constant 2 : i32
      %mul3A_274 = arith.muli %mul3A_273, %scan3A_272 : i32
      %add3A_275 = arith.constant 0 : i32
      %add3A_276 = arith.addi %mul3A_274, %add3A_275 : i32
      %mul3A_277 = arith.constant 16 : i32
      %mul3A_278 = arith.muli %add3A_276, %mul3A_277 : i32
      %add3A_279 = arith.addi %mul3A_2, %mul3A_278 : i32
      %mul3A_280 = arith.constant 768 : i32
      %mul3A_281 = arith.muli %add3A_279, %mul3A_280 : i32
      %dma_wait3A_282 = arith.constant 0 : i32
      %dma_wait3A_283 = arith.constant 0 : i32
      %dma_wait3A_284 = tpu.memref_slice %arg6[%dma_wait3A_283] : memref<24576xf32, #tpu.memory_space<vmem>> -> memref<12288xf32, #tpu.memory_space<vmem>>
      %dma_wait3A_285 = tpu.memref_slice %arg3[%mul3A_281] : memref<6291456xf32, #tpu.memory_space<hbm>> -> memref<12288xf32, #tpu.memory_space<hbm>>
      %dma_wait3A_286 = tpu.memref_slice %arg8[%dma_wait3A_282] : memref<2x!tpu.dma_semaphore, #tpu.memory_space<semaphore_mem>> -> memref<1x!tpu.dma_semaphore, #tpu.memory_space<semaphore_mem>>
      %dma_wait3A_287 = tpu.memref_squeeze %dma_wait3A_286 : memref<1x!tpu.dma_semaphore, #tpu.memory_space<semaphore_mem>> -> memref<!tpu.dma_semaphore, #tpu.memory_space<semaphore_mem>>
      %dma_wait3A_288 = arith.constant 0 : i32
      %dma_wait3A_289 = tpu.memref_slice %arg6[%dma_wait3A_288] : memref<24576xf32, #tpu.memory_space<vmem>> -> memref<12288xf32, #tpu.memory_space<vmem>>
      %dma_wait3A_290 = tpu.memref_slice %arg3[%mul3A_281] : memref<6291456xf32, #tpu.memory_space<hbm>> -> memref<12288xf32, #tpu.memory_space<hbm>>
      tpu.wait_dma2 semaphore(%dma_wait3A_287 : memref<!tpu.dma_semaphore, #tpu.memory_space<semaphore_mem>>) src(%dma_wait3A_290 : memref<12288xf32, #tpu.memory_space<hbm>>) dst(%dma_wait3A_289 : memref<12288xf32, #tpu.memory_space<vmem>>)
      %add3A_291 = arith.constant 0 : i32
      %add3A_292 = arith.addi %add3A_291, %mul3A_2 : i32
      %mul3A_293 = arith.constant 16 : i32
      %mul3A_294 = arith.muli %add3A_276, %mul3A_293 : i32
      %add3A_295 = arith.addi %add3A_292, %mul3A_294 : i32
      %mul3A_296 = arith.constant 768 : i32
      %mul3A_297 = arith.muli %add3A_295, %mul3A_296 : i32
      %dma_wait3A_298 = arith.constant 0 : i32
      %dma_wait3A_299 = arith.constant 0 : i32
      %dma_wait3A_300 = tpu.memref_slice %arg5[%dma_wait3A_299] : memref<98304xf32, #tpu.memory_space<vmem>> -> memref<12288xf32, #tpu.memory_space<vmem>>
      %dma_wait3A_301 = tpu.memref_slice %arg2[%mul3A_297] : memref<25165824xf32, #tpu.memory_space<hbm>> -> memref<12288xf32, #tpu.memory_space<hbm>>
      %dma_wait3A_302 = tpu.memref_slice %arg7[%dma_wait3A_298] : memref<8x!tpu.dma_semaphore, #tpu.memory_space<semaphore_mem>> -> memref<1x!tpu.dma_semaphore, #tpu.memory_space<semaphore_mem>>
      %dma_wait3A_303 = tpu.memref_squeeze %dma_wait3A_302 : memref<1x!tpu.dma_semaphore, #tpu.memory_space<semaphore_mem>> -> memref<!tpu.dma_semaphore, #tpu.memory_space<semaphore_mem>>
      %dma_wait3A_304 = arith.constant 0 : i32
      %dma_wait3A_305 = tpu.memref_slice %arg5[%dma_wait3A_304] : memref<98304xf32, #tpu.memory_space<vmem>> -> memref<12288xf32, #tpu.memory_space<vmem>>
      %dma_wait3A_306 = tpu.memref_slice %arg2[%mul3A_297] : memref<25165824xf32, #tpu.memory_space<hbm>> -> memref<12288xf32, #tpu.memory_space<hbm>>
      tpu.wait_dma2 semaphore(%dma_wait3A_303 : memref<!tpu.dma_semaphore, #tpu.memory_space<semaphore_mem>>) src(%dma_wait3A_306 : memref<12288xf32, #tpu.memory_space<hbm>>) dst(%dma_wait3A_305 : memref<12288xf32, #tpu.memory_space<vmem>>)
      %scan3A_307 = arith.constant 0 : i32
      %scan3A_308 = arith.constant 0 : i32
      %scan3A_309 = arith.constant 768 : i32
      %scan3A_310 = arith.addi %scan3A_308, %scan3A_309 : i32
      %scan3A_311 = arith.constant 8 : i32
      %scan3A_312 = scf.for %scan3A_640 = %scan3A_308 to %scan3A_310 step %scan3A_311 iter_args(%scan3A_641 = %scan3A_307) -> (i32)  : i32 {
        %mul3A_642 = arith.constant 16 : i32
        %mul3A_643 = arith.muli %scan3A_640, %mul3A_642 : i32
        %add3A_644 = arith.constant 0 : i32
        %add3A_645 = arith.addi %add3A_644, %mul3A_643 : i32
        %mul3A_646 = arith.constant 16 : i32
        %mul3A_647 = arith.muli %scan3A_640, %mul3A_646 : i32
        %add3A_648 = arith.constant 0 : i32
        %add3A_649 = arith.addi %add3A_648, %mul3A_647 : i32
        %get3A = arith.index_cast %add3A_645 : i32 to index
        %get3A_650 = tpu.vector_load %arg5[%get3A] {strides = array<i32>} : memref<98304xf32, #tpu.memory_space<vmem>>, vector<16xf32>,
        %get3A_651 = vector.shape_cast %get3A_650 : vector<16xf32> to vector<16xf32>
        %get3A_652 = arith.index_cast %add3A_649 : i32 to index
        %get3A_653 = tpu.vector_load %arg6[%get3A_652] {strides = array<i32>} : memref<24576xf32, #tpu.memory_space<vmem>>, vector<16xf32>,
        %get3A_654 = vector.shape_cast %get3A_653 : vector<16xf32> to vector<16xf32>
        %add3A_655 = arith.addf %get3A_651, %get3A_654 : vector<16xf32>
        %swap3A = arith.index_cast %add3A_645 : i32 to index
        %swap3A_656 = tpu.vector_load %arg5[%swap3A] {strides = array<i32>} : memref<98304xf32, #tpu.memory_space<vmem>>, vector<16xf32>,
        %swap3A_657 = vector.shape_cast %swap3A_656 : vector<16xf32> to vector<16xf32>
        %swap3A_658 = vector.shape_cast %add3A_655 : vector<16xf32> to vector<16xf32>
        tpu.vector_store %arg5[%swap3A], %swap3A_658 {strides = array<i32>} : memref<98304xf32, #tpu.memory_space<vmem>>, vector<16xf32>,
        %scan3A_659 = arith.constant 0 : i32
        %scan3A_660 = arith.constant 1 : i32
        %scan3A_661 = arith.addi %scan3A_640, %scan3A_660 : i32
        %mul3A_662 = arith.constant 16 : i32
        %mul3A_663 = arith.muli %scan3A_661, %mul3A_662 : i32
        %add3A_664 = arith.constant 0 : i32
        %add3A_665 = arith.addi %add3A_664, %mul3A_663 : i32
        %mul3A_666 = arith.constant 16 : i32
        %mul3A_667 = arith.muli %scan3A_661, %mul3A_666 : i32
        %add3A_668 = arith.constant 0 : i32
        %add3A_669 = arith.addi %add3A_668, %mul3A_667 : i32
        %get3A_670 = arith.index_cast %add3A_665 : i32 to index
        %get3A_671 = tpu.vector_load %arg5[%get3A_670] {strides = array<i32>} : memref<98304xf32, #tpu.memory_space<vmem>>, vector<16xf32>,
        %get3A_672 = vector.shape_cast %get3A_671 : vector<16xf32> to vector<16xf32>
        %get3A_673 = arith.index_cast %add3A_669 : i32 to index
        %get3A_674 = tpu.vector_load %arg6[%get3A_673] {strides = array<i32>} : memref<24576xf32, #tpu.memory_space<vmem>>, vector<16xf32>,
        %get3A_675 = vector.shape_cast %get3A_674 : vector<16xf32> to vector<16xf32>
        %add3A_676 = arith.addf %get3A_672, %get3A_675 : vector<16xf32>
        %swap3A_677 = arith.index_cast %add3A_665 : i32 to index
        %swap3A_678 = tpu.vector_load %arg5[%swap3A_677] {strides = array<i32>} : memref<98304xf32, #tpu.memory_space<vmem>>, vector<16xf32>,
        %swap3A_679 = vector.shape_cast %swap3A_678 : vector<16xf32> to vector<16xf32>
        %swap3A_680 = vector.shape_cast %add3A_676 : vector<16xf32> to vector<16xf32>
        tpu.vector_store %arg5[%swap3A_677], %swap3A_680 {strides = array<i32>} : memref<98304xf32, #tpu.memory_space<vmem>>, vector<16xf32>,
        %scan3A_681 = arith.constant 0 : i32
        %scan3A_682 = arith.constant 2 : i32
        %scan3A_683 = arith.addi %scan3A_640, %scan3A_682 : i32
        %mul3A_684 = arith.constant 16 : i32
        %mul3A_685 = arith.muli %scan3A_683, %mul3A_684 : i32
        %add3A_686 = arith.constant 0 : i32
        %add3A_687 = arith.addi %add3A_686, %mul3A_685 : i32
        %mul3A_688 = arith.constant 16 : i32
        %mul3A_689 = arith.muli %scan3A_683, %mul3A_688 : i32
        %add3A_690 = arith.constant 0 : i32
        %add3A_691 = arith.addi %add3A_690, %mul3A_689 : i32
        %get3A_692 = arith.index_cast %add3A_687 : i32 to index
        %get3A_693 = tpu.vector_load %arg5[%get3A_692] {strides = array<i32>} : memref<98304xf32, #tpu.memory_space<vmem>>, vector<16xf32>,
        %get3A_694 = vector.shape_cast %get3A_693 : vector<16xf32> to vector<16xf32>
        %get3A_695 = arith.index_cast %add3A_691 : i32 to index
        %get3A_696 = tpu.vector_load %arg6[%get3A_695] {strides = array<i32>} : memref<24576xf32, #tpu.memory_space<vmem>>, vector<16xf32>,
        %get3A_697 = vector.shape_cast %get3A_696 : vector<16xf32> to vector<16xf32>
        %add3A_698 = arith.addf %get3A_694, %get3A_697 : vector<16xf32>
        %swap3A_699 = arith.index_cast %add3A_687 : i32 to index
        %swap3A_700 = tpu.vector_load %arg5[%swap3A_699] {strides = array<i32>} : memref<98304xf32, #tpu.memory_space<vmem>>, vector<16xf32>,
        %swap3A_701 = vector.shape_cast %swap3A_700 : vector<16xf32> to vector<16xf32>
        %swap3A_702 = vector.shape_cast %add3A_698 : vector<16xf32> to vector<16xf32>
        tpu.vector_store %arg5[%swap3A_699], %swap3A_702 {strides = array<i32>} : memref<98304xf32, #tpu.memory_space<vmem>>, vector<16xf32>,
        %scan3A_703 = arith.constant 0 : i32
        %scan3A_704 = arith.constant 3 : i32
        %scan3A_705 = arith.addi %scan3A_640, %scan3A_704 : i32
        %mul3A_706 = arith.constant 16 : i32
        %mul3A_707 = arith.muli %scan3A_705, %mul3A_706 : i32
        %add3A_708 = arith.constant 0 : i32
        %add3A_709 = arith.addi %add3A_708, %mul3A_707 : i32
        %mul3A_710 = arith.constant 16 : i32
        %mul3A_711 = arith.muli %scan3A_705, %mul3A_710 : i32
        %add3A_712 = arith.constant 0 : i32
        %add3A_713 = arith.addi %add3A_712, %mul3A_711 : i32
        %get3A_714 = arith.index_cast %add3A_709 : i32 to index
        %get3A_715 = tpu.vector_load %arg5[%get3A_714] {strides = array<i32>} : memref<98304xf32, #tpu.memory_space<vmem>>, vector<16xf32>,
        %get3A_716 = vector.shape_cast %get3A_715 : vector<16xf32> to vector<16xf32>
        %get3A_717 = arith.index_cast %add3A_713 : i32 to index
        %get3A_718 = tpu.vector_load %arg6[%get3A_717] {strides = array<i32>} : memref<24576xf32, #tpu.memory_space<vmem>>, vector<16xf32>,
        %get3A_719 = vector.shape_cast %get3A_718 : vector<16xf32> to vector<16xf32>
        %add3A_720 = arith.addf %get3A_716, %get3A_719 : vector<16xf32>
        %swap3A_721 = arith.index_cast %add3A_709 : i32 to index
        %swap3A_722 = tpu.vector_load %arg5[%swap3A_721] {strides = array<i32>} : memref<98304xf32, #tpu.memory_space<vmem>>, vector<16xf32>,
        %swap3A_723 = vector.shape_cast %swap3A_722 : vector<16xf32> to vector<16xf32>
        %swap3A_724 = vector.shape_cast %add3A_720 : vector<16xf32> to vector<16xf32>
        tpu.vector_store %arg5[%swap3A_721], %swap3A_724 {strides = array<i32>} : memref<98304xf32, #tpu.memory_space<vmem>>, vector<16xf32>,
        %scan3A_725 = arith.constant 0 : i32
        %scan3A_726 = arith.constant 4 : i32
        %scan3A_727 = arith.addi %scan3A_640, %scan3A_726 : i32
        %mul3A_728 = arith.constant 16 : i32
        %mul3A_729 = arith.muli %scan3A_727, %mul3A_728 : i32
        %add3A_730 = arith.constant 0 : i32
        %add3A_731 = arith.addi %add3A_730, %mul3A_729 : i32
        %mul3A_732 = arith.constant 16 : i32
        %mul3A_733 = arith.muli %scan3A_727, %mul3A_732 : i32
        %add3A_734 = arith.constant 0 : i32
        %add3A_735 = arith.addi %add3A_734, %mul3A_733 : i32
        %get3A_736 = arith.index_cast %add3A_731 : i32 to index
        %get3A_737 = tpu.vector_load %arg5[%get3A_736] {strides = array<i32>} : memref<98304xf32, #tpu.memory_space<vmem>>, vector<16xf32>,
        %get3A_738 = vector.shape_cast %get3A_737 : vector<16xf32> to vector<16xf32>
        %get3A_739 = arith.index_cast %add3A_735 : i32 to index
        %get3A_740 = tpu.vector_load %arg6[%get3A_739] {strides = array<i32>} : memref<24576xf32, #tpu.memory_space<vmem>>, vector<16xf32>,
        %get3A_741 = vector.shape_cast %get3A_740 : vector<16xf32> to vector<16xf32>
        %add3A_742 = arith.addf %get3A_738, %get3A_741 : vector<16xf32>
        %swap3A_743 = arith.index_cast %add3A_731 : i32 to index
        %swap3A_744 = tpu.vector_load %arg5[%swap3A_743] {strides = array<i32>} : memref<98304xf32, #tpu.memory_space<vmem>>, vector<16xf32>,
        %swap3A_745 = vector.shape_cast %swap3A_744 : vector<16xf32> to vector<16xf32>
        %swap3A_746 = vector.shape_cast %add3A_742 : vector<16xf32> to vector<16xf32>
        tpu.vector_store %arg5[%swap3A_743], %swap3A_746 {strides = array<i32>} : memref<98304xf32, #tpu.memory_space<vmem>>, vector<16xf32>,
        %scan3A_747 = arith.constant 0 : i32
        %scan3A_748 = arith.constant 5 : i32
        %scan3A_749 = arith.addi %scan3A_640, %scan3A_748 : i32
        %mul3A_750 = arith.constant 16 : i32
        %mul3A_751 = arith.muli %scan3A_749, %mul3A_750 : i32
        %add3A_752 = arith.constant 0 : i32
        %add3A_753 = arith.addi %add3A_752, %mul3A_751 : i32
        %mul3A_754 = arith.constant 16 : i32
        %mul3A_755 = arith.muli %scan3A_749, %mul3A_754 : i32
        %add3A_756 = arith.constant 0 : i32
        %add3A_757 = arith.addi %add3A_756, %mul3A_755 : i32
        %get3A_758 = arith.index_cast %add3A_753 : i32 to index
        %get3A_759 = tpu.vector_load %arg5[%get3A_758] {strides = array<i32>} : memref<98304xf32, #tpu.memory_space<vmem>>, vector<16xf32>,
        %get3A_760 = vector.shape_cast %get3A_759 : vector<16xf32> to vector<16xf32>
        %get3A_761 = arith.index_cast %add3A_757 : i32 to index
        %get3A_762 = tpu.vector_load %arg6[%get3A_761] {strides = array<i32>} : memref<24576xf32, #tpu.memory_space<vmem>>, vector<16xf32>,
        %get3A_763 = vector.shape_cast %get3A_762 : vector<16xf32> to vector<16xf32>
        %add3A_764 = arith.addf %get3A_760, %get3A_763 : vector<16xf32>
        %swap3A_765 = arith.index_cast %add3A_753 : i32 to index
        %swap3A_766 = tpu.vector_load %arg5[%swap3A_765] {strides = array<i32>} : memref<98304xf32, #tpu.memory_space<vmem>>, vector<16xf32>,
        %swap3A_767 = vector.shape_cast %swap3A_766 : vector<16xf32> to vector<16xf32>
        %swap3A_768 = vector.shape_cast %add3A_764 : vector<16xf32> to vector<16xf32>
        tpu.vector_store %arg5[%swap3A_765], %swap3A_768 {strides = array<i32>} : memref<98304xf32, #tpu.memory_space<vmem>>, vector<16xf32>,
        %scan3A_769 = arith.constant 0 : i32
        %scan3A_770 = arith.constant 6 : i32
        %scan3A_771 = arith.addi %scan3A_640, %scan3A_770 : i32
        %mul3A_772 = arith.constant 16 : i32
        %mul3A_773 = arith.muli %scan3A_771, %mul3A_772 : i32
        %add3A_774 = arith.constant 0 : i32
        %add3A_775 = arith.addi %add3A_774, %mul3A_773 : i32
        %mul3A_776 = arith.constant 16 : i32
        %mul3A_777 = arith.muli %scan3A_771, %mul3A_776 : i32
        %add3A_778 = arith.constant 0 : i32
        %add3A_779 = arith.addi %add3A_778, %mul3A_777 : i32
        %get3A_780 = arith.index_cast %add3A_775 : i32 to index
        %get3A_781 = tpu.vector_load %arg5[%get3A_780] {strides = array<i32>} : memref<98304xf32, #tpu.memory_space<vmem>>, vector<16xf32>,
        %get3A_782 = vector.shape_cast %get3A_781 : vector<16xf32> to vector<16xf32>
        %get3A_783 = arith.index_cast %add3A_779 : i32 to index
        %get3A_784 = tpu.vector_load %arg6[%get3A_783] {strides = array<i32>} : memref<24576xf32, #tpu.memory_space<vmem>>, vector<16xf32>,
        %get3A_785 = vector.shape_cast %get3A_784 : vector<16xf32> to vector<16xf32>
        %add3A_786 = arith.addf %get3A_782, %get3A_785 : vector<16xf32>
        %swap3A_787 = arith.index_cast %add3A_775 : i32 to index
        %swap3A_788 = tpu.vector_load %arg5[%swap3A_787] {strides = array<i32>} : memref<98304xf32, #tpu.memory_space<vmem>>, vector<16xf32>,
        %swap3A_789 = vector.shape_cast %swap3A_788 : vector<16xf32> to vector<16xf32>
        %swap3A_790 = vector.shape_cast %add3A_786 : vector<16xf32> to vector<16xf32>
        tpu.vector_store %arg5[%swap3A_787], %swap3A_790 {strides = array<i32>} : memref<98304xf32, #tpu.memory_space<vmem>>, vector<16xf32>,
        %scan3A_791 = arith.constant 0 : i32
        %scan3A_792 = arith.constant 7 : i32
        %scan3A_793 = arith.addi %scan3A_640, %scan3A_792 : i32
        %mul3A_794 = arith.constant 16 : i32
        %mul3A_795 = arith.muli %scan3A_793, %mul3A_794 : i32
        %add3A_796 = arith.constant 0 : i32
        %add3A_797 = arith.addi %add3A_796, %mul3A_795 : i32
        %mul3A_798 = arith.constant 16 : i32
        %mul3A_799 = arith.muli %scan3A_793, %mul3A_798 : i32
        %add3A_800 = arith.constant 0 : i32
        %add3A_801 = arith.addi %add3A_800, %mul3A_799 : i32
        %get3A_802 = arith.index_cast %add3A_797 : i32 to index
        %get3A_803 = tpu.vector_load %arg5[%get3A_802] {strides = array<i32>} : memref<98304xf32, #tpu.memory_space<vmem>>, vector<16xf32>,
        %get3A_804 = vector.shape_cast %get3A_803 : vector<16xf32> to vector<16xf32>
        %get3A_805 = arith.index_cast %add3A_801 : i32 to index
        %get3A_806 = tpu.vector_load %arg6[%get3A_805] {strides = array<i32>} : memref<24576xf32, #tpu.memory_space<vmem>>, vector<16xf32>,
        %get3A_807 = vector.shape_cast %get3A_806 : vector<16xf32> to vector<16xf32>
        %add3A_808 = arith.addf %get3A_804, %get3A_807 : vector<16xf32>
        %swap3A_809 = arith.index_cast %add3A_797 : i32 to index
        %swap3A_810 = tpu.vector_load %arg5[%swap3A_809] {strides = array<i32>} : memref<98304xf32, #tpu.memory_space<vmem>>, vector<16xf32>,
        %swap3A_811 = vector.shape_cast %swap3A_810 : vector<16xf32> to vector<16xf32>
        %swap3A_812 = vector.shape_cast %add3A_808 : vector<16xf32> to vector<16xf32>
        tpu.vector_store %arg5[%swap3A_809], %swap3A_812 {strides = array<i32>} : memref<98304xf32, #tpu.memory_space<vmem>>, vector<16xf32>,
        %scan3A_813 = arith.constant 0 : i32
        scf.yield %scan3A_813 : i32
      }
      %scan3A_313 = arith.constant 768 : i32
      %add3A_314 = arith.constant 0 : i32
      %add3A_315 = arith.addi %add3A_314, %mul3A_2 : i32
      %mul3A_316 = arith.constant 16 : i32
      %mul3A_317 = arith.muli %add3A_276, %mul3A_316 : i32
      %add3A_318 = arith.addi %add3A_315, %mul3A_317 : i32
      %mul3A_319 = arith.constant 768 : i32
      %mul3A_320 = arith.muli %add3A_318, %mul3A_319 : i32
      %dma_start3A_321 = arith.constant 0 : i32
      %dma_start3A_322 = arith.constant 0 : i32
      %dma_start3A_323 = tpu.memref_slice %arg5[%dma_start3A_322] : memref<98304xf32, #tpu.memory_space<vmem>> -> memref<12288xf32, #tpu.memory_space<vmem>>
      %dma_start3A_324 = tpu.memref_slice %arg4[%mul3A_320] : memref<25165824xf32, #tpu.memory_space<hbm>> -> memref<12288xf32, #tpu.memory_space<hbm>>
      %dma_start3A_325 = tpu.memref_slice %arg9[%dma_start3A_321] : memref<8x!tpu.dma_semaphore, #tpu.memory_space<semaphore_mem>> -> memref<1x!tpu.dma_semaphore, #tpu.memory_space<semaphore_mem>>
      %dma_start3A_326 = tpu.memref_squeeze %dma_start3A_325 : memref<1x!tpu.dma_semaphore, #tpu.memory_space<semaphore_mem>> -> memref<!tpu.dma_semaphore, #tpu.memory_space<semaphore_mem>>
      %dma_start3A_327 = tpu.memref_slice %arg4[%mul3A_320] : memref<25165824xf32, #tpu.memory_space<hbm>> -> memref<12288xf32, #tpu.memory_space<hbm>>
      %dma_start3A_328 = arith.constant 0 : i32
      %dma_start3A_329 = tpu.memref_slice %arg5[%dma_start3A_328] : memref<98304xf32, #tpu.memory_space<vmem>> -> memref<12288xf32, #tpu.memory_space<vmem>>
      tpu.enqueue_dma source(%dma_start3A_329 : memref<12288xf32, #tpu.memory_space<vmem>>) target(%dma_start3A_327 : memref<12288xf32, #tpu.memory_space<hbm>>) target_semaphore(%dma_start3A_326 : memref<!tpu.dma_semaphore, #tpu.memory_space<semaphore_mem>>)
      %add3A_330 = arith.constant 8192 : i32
      %add3A_331 = arith.addi %add3A_330, %mul3A_2 : i32
      %mul3A_332 = arith.constant 16 : i32
      %mul3A_333 = arith.muli %add3A_276, %mul3A_332 : i32
      %add3A_334 = arith.addi %add3A_331, %mul3A_333 : i32
      %mul3A_335 = arith.constant 768 : i32
      %mul3A_336 = arith.muli %add3A_334, %mul3A_335 : i32
      %dma_wait3A_337 = arith.constant 1 : i32
      %dma_wait3A_338 = arith.constant 12288 : i32
      %dma_wait3A_339 = tpu.memref_slice %arg5[%dma_wait3A_338] : memref<98304xf32, #tpu.memory_space<vmem>> -> memref<12288xf32, #tpu.memory_space<vmem>>
      %dma_wait3A_340 = tpu.memref_slice %arg2[%mul3A_336] : memref<25165824xf32, #tpu.memory_space<hbm>> -> memref<12288xf32, #tpu.memory_space<hbm>>
      %dma_wait3A_341 = tpu.memref_slice %arg7[%dma_wait3A_337] : memref<8x!tpu.dma_semaphore, #tpu.memory_space<semaphore_mem>> -> memref<1x!tpu.dma_semaphore, #tpu.memory_space<semaphore_mem>>
      %dma_wait3A_342 = tpu.memref_squeeze %dma_wait3A_341 : memref<1x!tpu.dma_semaphore, #tpu.memory_space<semaphore_mem>> -> memref<!tpu.dma_semaphore, #tpu.memory_space<semaphore_mem>>
      %dma_wait3A_343 = arith.constant 12288 : i32
      %dma_wait3A_344 = tpu.memref_slice %arg5[%dma_wait3A_343] : memref<98304xf32, #tpu.memory_space<vmem>> -> memref<12288xf32, #tpu.memory_space<vmem>>
      %dma_wait3A_345 = tpu.memref_slice %arg2[%mul3A_336] : memref<25165824xf32, #tpu.memory_space<hbm>> -> memref<12288xf32, #tpu.memory_space<hbm>>
      tpu.wait_dma2 semaphore(%dma_wait3A_342 : memref<!tpu.dma_semaphore, #tpu.memory_space<semaphore_mem>>) src(%dma_wait3A_345 : memref<12288xf32, #tpu.memory_space<hbm>>) dst(%dma_wait3A_344 : memref<12288xf32, #tpu.memory_space<vmem>>)
      %scan3A_346 = arith.constant 0 : i32
      %scan3A_347 = arith.constant 0 : i32
      %scan3A_348 = arith.constant 768 : i32
      %scan3A_349 = arith.addi %scan3A_347, %scan3A_348 : i32
      %scan3A_350 = arith.constant 8 : i32
      %scan3A_351 = scf.for %scan3A_640 = %scan3A_347 to %scan3A_349 step %scan3A_350 iter_args(%scan3A_641 = %scan3A_346) -> (i32)  : i32 {
        %mul3A_642 = arith.constant 16 : i32
        %mul3A_643 = arith.muli %scan3A_640, %mul3A_642 : i32
        %add3A_644 = arith.constant 12288 : i32
        %add3A_645 = arith.addi %add3A_644, %mul3A_643 : i32
        %mul3A_646 = arith.constant 16 : i32
        %mul3A_647 = arith.muli %scan3A_640, %mul3A_646 : i32
        %add3A_648 = arith.constant 0 : i32
        %add3A_649 = arith.addi %add3A_648, %mul3A_647 : i32
        %get3A = arith.index_cast %add3A_645 : i32 to index
        %get3A_650 = tpu.vector_load %arg5[%get3A] {strides = array<i32>} : memref<98304xf32, #tpu.memory_space<vmem>>, vector<16xf32>,
        %get3A_651 = vector.shape_cast %get3A_650 : vector<16xf32> to vector<16xf32>
        %get3A_652 = arith.index_cast %add3A_649 : i32 to index
        %get3A_653 = tpu.vector_load %arg6[%get3A_652] {strides = array<i32>} : memref<24576xf32, #tpu.memory_space<vmem>>, vector<16xf32>,
        %get3A_654 = vector.shape_cast %get3A_653 : vector<16xf32> to vector<16xf32>
        %add3A_655 = arith.addf %get3A_651, %get3A_654 : vector<16xf32>
        %swap3A = arith.index_cast %add3A_645 : i32 to index
        %swap3A_656 = tpu.vector_load %arg5[%swap3A] {strides = array<i32>} : memref<98304xf32, #tpu.memory_space<vmem>>, vector<16xf32>,
        %swap3A_657 = vector.shape_cast %swap3A_656 : vector<16xf32> to vector<16xf32>
        %swap3A_658 = vector.shape_cast %add3A_655 : vector<16xf32> to vector<16xf32>
        tpu.vector_store %arg5[%swap3A], %swap3A_658 {strides = array<i32>} : memref<98304xf32, #tpu.memory_space<vmem>>, vector<16xf32>,
        %scan3A_659 = arith.constant 0 : i32
        %scan3A_660 = arith.constant 1 : i32
        %scan3A_661 = arith.addi %scan3A_640, %scan3A_660 : i32
        %mul3A_662 = arith.constant 16 : i32
        %mul3A_663 = arith.muli %scan3A_661, %mul3A_662 : i32
        %add3A_664 = arith.constant 12288 : i32
        %add3A_665 = arith.addi %add3A_664, %mul3A_663 : i32
        %mul3A_666 = arith.constant 16 : i32
        %mul3A_667 = arith.muli %scan3A_661, %mul3A_666 : i32
        %add3A_668 = arith.constant 0 : i32
        %add3A_669 = arith.addi %add3A_668, %mul3A_667 : i32
        %get3A_670 = arith.index_cast %add3A_665 : i32 to index
        %get3A_671 = tpu.vector_load %arg5[%get3A_670] {strides = array<i32>} : memref<98304xf32, #tpu.memory_space<vmem>>, vector<16xf32>,
        %get3A_672 = vector.shape_cast %get3A_671 : vector<16xf32> to vector<16xf32>
        %get3A_673 = arith.index_cast %add3A_669 : i32 to index
        %get3A_674 = tpu.vector_load %arg6[%get3A_673] {strides = array<i32>} : memref<24576xf32, #tpu.memory_space<vmem>>, vector<16xf32>,
        %get3A_675 = vector.shape_cast %get3A_674 : vector<16xf32> to vector<16xf32>
        %add3A_676 = arith.addf %get3A_672, %get3A_675 : vector<16xf32>
        %swap3A_677 = arith.index_cast %add3A_665 : i32 to index
        %swap3A_678 = tpu.vector_load %arg5[%swap3A_677] {strides = array<i32>} : memref<98304xf32, #tpu.memory_space<vmem>>, vector<16xf32>,
        %swap3A_679 = vector.shape_cast %swap3A_678 : vector<16xf32> to vector<16xf32>
        %swap3A_680 = vector.shape_cast %add3A_676 : vector<16xf32> to vector<16xf32>
        tpu.vector_store %arg5[%swap3A_677], %swap3A_680 {strides = array<i32>} : memref<98304xf32, #tpu.memory_space<vmem>>, vector<16xf32>,
        %scan3A_681 = arith.constant 0 : i32
        %scan3A_682 = arith.constant 2 : i32
        %scan3A_683 = arith.addi %scan3A_640, %scan3A_682 : i32
        %mul3A_684 = arith.constant 16 : i32
        %mul3A_685 = arith.muli %scan3A_683, %mul3A_684 : i32
        %add3A_686 = arith.constant 12288 : i32
        %add3A_687 = arith.addi %add3A_686, %mul3A_685 : i32
        %mul3A_688 = arith.constant 16 : i32
        %mul3A_689 = arith.muli %scan3A_683, %mul3A_688 : i32
        %add3A_690 = arith.constant 0 : i32
        %add3A_691 = arith.addi %add3A_690, %mul3A_689 : i32
        %get3A_692 = arith.index_cast %add3A_687 : i32 to index
        %get3A_693 = tpu.vector_load %arg5[%get3A_692] {strides = array<i32>} : memref<98304xf32, #tpu.memory_space<vmem>>, vector<16xf32>,
        %get3A_694 = vector.shape_cast %get3A_693 : vector<16xf32> to vector<16xf32>
        %get3A_695 = arith.index_cast %add3A_691 : i32 to index
        %get3A_696 = tpu.vector_load %arg6[%get3A_695] {strides = array<i32>} : memref<24576xf32, #tpu.memory_space<vmem>>, vector<16xf32>,
        %get3A_697 = vector.shape_cast %get3A_696 : vector<16xf32> to vector<16xf32>
        %add3A_698 = arith.addf %get3A_694, %get3A_697 : vector<16xf32>
        %swap3A_699 = arith.index_cast %add3A_687 : i32 to index
        %swap3A_700 = tpu.vector_load %arg5[%swap3A_699] {strides = array<i32>} : memref<98304xf32, #tpu.memory_space<vmem>>, vector<16xf32>,
        %swap3A_701 = vector.shape_cast %swap3A_700 : vector<16xf32> to vector<16xf32>
        %swap3A_702 = vector.shape_cast %add3A_698 : vector<16xf32> to vector<16xf32>
        tpu.vector_store %arg5[%swap3A_699], %swap3A_702 {strides = array<i32>} : memref<98304xf32, #tpu.memory_space<vmem>>, vector<16xf32>,
        %scan3A_703 = arith.constant 0 : i32
        %scan3A_704 = arith.constant 3 : i32
        %scan3A_705 = arith.addi %scan3A_640, %scan3A_704 : i32
        %mul3A_706 = arith.constant 16 : i32
        %mul3A_707 = arith.muli %scan3A_705, %mul3A_706 : i32
        %add3A_708 = arith.constant 12288 : i32
        %add3A_709 = arith.addi %add3A_708, %mul3A_707 : i32
        %mul3A_710 = arith.constant 16 : i32
        %mul3A_711 = arith.muli %scan3A_705, %mul3A_710 : i32
        %add3A_712 = arith.constant 0 : i32
        %add3A_713 = arith.addi %add3A_712, %mul3A_711 : i32
        %get3A_714 = arith.index_cast %add3A_709 : i32 to index
        %get3A_715 = tpu.vector_load %arg5[%get3A_714] {strides = array<i32>} : memref<98304xf32, #tpu.memory_space<vmem>>, vector<16xf32>,
        %get3A_716 = vector.shape_cast %get3A_715 : vector<16xf32> to vector<16xf32>
        %get3A_717 = arith.index_cast %add3A_713 : i32 to index
        %get3A_718 = tpu.vector_load %arg6[%get3A_717] {strides = array<i32>} : memref<24576xf32, #tpu.memory_space<vmem>>, vector<16xf32>,
        %get3A_719 = vector.shape_cast %get3A_718 : vector<16xf32> to vector<16xf32>
        %add3A_720 = arith.addf %get3A_716, %get3A_719 : vector<16xf32>
        %swap3A_721 = arith.index_cast %add3A_709 : i32 to index
        %swap3A_722 = tpu.vector_load %arg5[%swap3A_721] {strides = array<i32>} : memref<98304xf32, #tpu.memory_space<vmem>>, vector<16xf32>,
        %swap3A_723 = vector.shape_cast %swap3A_722 : vector<16xf32> to vector<16xf32>
        %swap3A_724 = vector.shape_cast %add3A_720 : vector<16xf32> to vector<16xf32>
        tpu.vector_store %arg5[%swap3A_721], %swap3A_724 {strides = array<i32>} : memref<98304xf32, #tpu.memory_space<vmem>>, vector<16xf32>,
        %scan3A_725 = arith.constant 0 : i32
        %scan3A_726 = arith.constant 4 : i32
        %scan3A_727 = arith.addi %scan3A_640, %scan3A_726 : i32
        %mul3A_728 = arith.constant 16 : i32
        %mul3A_729 = arith.muli %scan3A_727, %mul3A_728 : i32
        %add3A_730 = arith.constant 12288 : i32
        %add3A_731 = arith.addi %add3A_730, %mul3A_729 : i32
        %mul3A_732 = arith.constant 16 : i32
        %mul3A_733 = arith.muli %scan3A_727, %mul3A_732 : i32
        %add3A_734 = arith.constant 0 : i32
        %add3A_735 = arith.addi %add3A_734, %mul3A_733 : i32
        %get3A_736 = arith.index_cast %add3A_731 : i32 to index
        %get3A_737 = tpu.vector_load %arg5[%get3A_736] {strides = array<i32>} : memref<98304xf32, #tpu.memory_space<vmem>>, vector<16xf32>,
        %get3A_738 = vector.shape_cast %get3A_737 : vector<16xf32> to vector<16xf32>
        %get3A_739 = arith.index_cast %add3A_735 : i32 to index
        %get3A_740 = tpu.vector_load %arg6[%get3A_739] {strides = array<i32>} : memref<24576xf32, #tpu.memory_space<vmem>>, vector<16xf32>,
        %get3A_741 = vector.shape_cast %get3A_740 : vector<16xf32> to vector<16xf32>
        %add3A_742 = arith.addf %get3A_738, %get3A_741 : vector<16xf32>
        %swap3A_743 = arith.index_cast %add3A_731 : i32 to index
        %swap3A_744 = tpu.vector_load %arg5[%swap3A_743] {strides = array<i32>} : memref<98304xf32, #tpu.memory_space<vmem>>, vector<16xf32>,
        %swap3A_745 = vector.shape_cast %swap3A_744 : vector<16xf32> to vector<16xf32>
        %swap3A_746 = vector.shape_cast %add3A_742 : vector<16xf32> to vector<16xf32>
        tpu.vector_store %arg5[%swap3A_743], %swap3A_746 {strides = array<i32>} : memref<98304xf32, #tpu.memory_space<vmem>>, vector<16xf32>,
        %scan3A_747 = arith.constant 0 : i32
        %scan3A_748 = arith.constant 5 : i32
        %scan3A_749 = arith.addi %scan3A_640, %scan3A_748 : i32
        %mul3A_750 = arith.constant 16 : i32
        %mul3A_751 = arith.muli %scan3A_749, %mul3A_750 : i32
        %add3A_752 = arith.constant 12288 : i32
        %add3A_753 = arith.addi %add3A_752, %mul3A_751 : i32
        %mul3A_754 = arith.constant 16 : i32
        %mul3A_755 = arith.muli %scan3A_749, %mul3A_754 : i32
        %add3A_756 = arith.constant 0 : i32
        %add3A_757 = arith.addi %add3A_756, %mul3A_755 : i32
        %get3A_758 = arith.index_cast %add3A_753 : i32 to index
        %get3A_759 = tpu.vector_load %arg5[%get3A_758] {strides = array<i32>} : memref<98304xf32, #tpu.memory_space<vmem>>, vector<16xf32>,
        %get3A_760 = vector.shape_cast %get3A_759 : vector<16xf32> to vector<16xf32>
        %get3A_761 = arith.index_cast %add3A_757 : i32 to index
        %get3A_762 = tpu.vector_load %arg6[%get3A_761] {strides = array<i32>} : memref<24576xf32, #tpu.memory_space<vmem>>, vector<16xf32>,
        %get3A_763 = vector.shape_cast %get3A_762 : vector<16xf32> to vector<16xf32>
        %add3A_764 = arith.addf %get3A_760, %get3A_763 : vector<16xf32>
        %swap3A_765 = arith.index_cast %add3A_753 : i32 to index
        %swap3A_766 = tpu.vector_load %arg5[%swap3A_765] {strides = array<i32>} : memref<98304xf32, #tpu.memory_space<vmem>>, vector<16xf32>,
        %swap3A_767 = vector.shape_cast %swap3A_766 : vector<16xf32> to vector<16xf32>
        %swap3A_768 = vector.shape_cast %add3A_764 : vector<16xf32> to vector<16xf32>
        tpu.vector_store %arg5[%swap3A_765], %swap3A_768 {strides = array<i32>} : memref<98304xf32, #tpu.memory_space<vmem>>, vector<16xf32>,
        %scan3A_769 = arith.constant 0 : i32
        %scan3A_770 = arith.constant 6 : i32
        %scan3A_771 = arith.addi %scan3A_640, %scan3A_770 : i32
        %mul3A_772 = arith.constant 16 : i32
        %mul3A_773 = arith.muli %scan3A_771, %mul3A_772 : i32
        %add3A_774 = arith.constant 12288 : i32
        %add3A_775 = arith.addi %add3A_774, %mul3A_773 : i32
        %mul3A_776 = arith.constant 16 : i32
        %mul3A_777 = arith.muli %scan3A_771, %mul3A_776 : i32
        %add3A_778 = arith.constant 0 : i32
        %add3A_779 = arith.addi %add3A_778, %mul3A_777 : i32
        %get3A_780 = arith.index_cast %add3A_775 : i32 to index
        %get3A_781 = tpu.vector_load %arg5[%get3A_780] {strides = array<i32>} : memref<98304xf32, #tpu.memory_space<vmem>>, vector<16xf32>,
        %get3A_782 = vector.shape_cast %get3A_781 : vector<16xf32> to vector<16xf32>
        %get3A_783 = arith.index_cast %add3A_779 : i32 to index
        %get3A_784 = tpu.vector_load %arg6[%get3A_783] {strides = array<i32>} : memref<24576xf32, #tpu.memory_space<vmem>>, vector<16xf32>,
        %get3A_785 = vector.shape_cast %get3A_784 : vector<16xf32> to vector<16xf32>
        %add3A_786 = arith.addf %get3A_782, %get3A_785 : vector<16xf32>
        %swap3A_787 = arith.index_cast %add3A_775 : i32 to index
        %swap3A_788 = tpu.vector_load %arg5[%swap3A_787] {strides = array<i32>} : memref<98304xf32, #tpu.memory_space<vmem>>, vector<16xf32>,
        %swap3A_789 = vector.shape_cast %swap3A_788 : vector<16xf32> to vector<16xf32>
        %swap3A_790 = vector.shape_cast %add3A_786 : vector<16xf32> to vector<16xf32>
        tpu.vector_store %arg5[%swap3A_787], %swap3A_790 {strides = array<i32>} : memref<98304xf32, #tpu.memory_space<vmem>>, vector<16xf32>,
        %scan3A_791 = arith.constant 0 : i32
        %scan3A_792 = arith.constant 7 : i32
        %scan3A_793 = arith.addi %scan3A_640, %scan3A_792 : i32
        %mul3A_794 = arith.constant 16 : i32
        %mul3A_795 = arith.muli %scan3A_793, %mul3A_794 : i32
        %add3A_796 = arith.constant 12288 : i32
        %add3A_797 = arith.addi %add3A_796, %mul3A_795 : i32
        %mul3A_798 = arith.constant 16 : i32
        %mul3A_799 = arith.muli %scan3A_793, %mul3A_798 : i32
        %add3A_800 = arith.constant 0 : i32
        %add3A_801 = arith.addi %add3A_800, %mul3A_799 : i32
        %get3A_802 = arith.index_cast %add3A_797 : i32 to index
        %get3A_803 = tpu.vector_load %arg5[%get3A_802] {strides = array<i32>} : memref<98304xf32, #tpu.memory_space<vmem>>, vector<16xf32>,
        %get3A_804 = vector.shape_cast %get3A_803 : vector<16xf32> to vector<16xf32>
        %get3A_805 = arith.index_cast %add3A_801 : i32 to index
        %get3A_806 = tpu.vector_load %arg6[%get3A_805] {strides = array<i32>} : memref<24576xf32, #tpu.memory_space<vmem>>, vector<16xf32>,
        %get3A_807 = vector.shape_cast %get3A_806 : vector<16xf32> to vector<16xf32>
        %add3A_808 = arith.addf %get3A_804, %get3A_807 : vector<16xf32>
        %swap3A_809 = arith.index_cast %add3A_797 : i32 to index
        %swap3A_810 = tpu.vector_load %arg5[%swap3A_809] {strides = array<i32>} : memref<98304xf32, #tpu.memory_space<vmem>>, vector<16xf32>,
        %swap3A_811 = vector.shape_cast %swap3A_810 : vector<16xf32> to vector<16xf32>
        %swap3A_812 = vector.shape_cast %add3A_808 : vector<16xf32> to vector<16xf32>
        tpu.vector_store %arg5[%swap3A_809], %swap3A_812 {strides = array<i32>} : memref<98304xf32, #tpu.memory_space<vmem>>, vector<16xf32>,
        %scan3A_813 = arith.constant 0 : i32
        scf.yield %scan3A_813 : i32
      }
      %scan3A_352 = arith.constant 768 : i32
      %add3A_353 = arith.constant 8192 : i32
      %add3A_354 = arith.addi %add3A_353, %mul3A_2 : i32
      %mul3A_355 = arith.constant 16 : i32
      %mul3A_356 = arith.muli %add3A_276, %mul3A_355 : i32
      %add3A_357 = arith.addi %add3A_354, %mul3A_356 : i32
      %mul3A_358 = arith.constant 768 : i32
      %mul3A_359 = arith.muli %add3A_357, %mul3A_358 : i32
      %dma_start3A_360 = arith.constant 1 : i32
      %dma_start3A_361 = arith.constant 12288 : i32
      %dma_start3A_362 = tpu.memref_slice %arg5[%dma_start3A_361] : memref<98304xf32, #tpu.memory_space<vmem>> -> memref<12288xf32, #tpu.memory_space<vmem>>
      %dma_start3A_363 = tpu.memref_slice %arg4[%mul3A_359] : memref<25165824xf32, #tpu.memory_space<hbm>> -> memref<12288xf32, #tpu.memory_space<hbm>>
      %dma_start3A_364 = tpu.memref_slice %arg9[%dma_start3A_360] : memref<8x!tpu.dma_semaphore, #tpu.memory_space<semaphore_mem>> -> memref<1x!tpu.dma_semaphore, #tpu.memory_space<semaphore_mem>>
      %dma_start3A_365 = tpu.memref_squeeze %dma_start3A_364 : memref<1x!tpu.dma_semaphore, #tpu.memory_space<semaphore_mem>> -> memref<!tpu.dma_semaphore, #tpu.memory_space<semaphore_mem>>
      %dma_start3A_366 = tpu.memref_slice %arg4[%mul3A_359] : memref<25165824xf32, #tpu.memory_space<hbm>> -> memref<12288xf32, #tpu.memory_space<hbm>>
      %dma_start3A_367 = arith.constant 12288 : i32
      %dma_start3A_368 = tpu.memref_slice %arg5[%dma_start3A_367] : memref<98304xf32, #tpu.memory_space<vmem>> -> memref<12288xf32, #tpu.memory_space<vmem>>
      tpu.enqueue_dma source(%dma_start3A_368 : memref<12288xf32, #tpu.memory_space<vmem>>) target(%dma_start3A_366 : memref<12288xf32, #tpu.memory_space<hbm>>) target_semaphore(%dma_start3A_365 : memref<!tpu.dma_semaphore, #tpu.memory_space<semaphore_mem>>)
      %add3A_369 = arith.constant 16384 : i32
      %add3A_370 = arith.addi %add3A_369, %mul3A_2 : i32
      %mul3A_371 = arith.constant 16 : i32
      %mul3A_372 = arith.muli %add3A_276, %mul3A_371 : i32
      %add3A_373 = arith.addi %add3A_370, %mul3A_372 : i32
      %mul3A_374 = arith.constant 768 : i32
      %mul3A_375 = arith.muli %add3A_373, %mul3A_374 : i32
      %dma_wait3A_376 = arith.constant 2 : i32
      %dma_wait3A_377 = arith.constant 24576 : i32
      %dma_wait3A_378 = tpu.memref_slice %arg5[%dma_wait3A_377] : memref<98304xf32, #tpu.memory_space<vmem>> -> memref<12288xf32, #tpu.memory_space<vmem>>
      %dma_wait3A_379 = tpu.memref_slice %arg2[%mul3A_375] : memref<25165824xf32, #tpu.memory_space<hbm>> -> memref<12288xf32, #tpu.memory_space<hbm>>
      %dma_wait3A_380 = tpu.memref_slice %arg7[%dma_wait3A_376] : memref<8x!tpu.dma_semaphore, #tpu.memory_space<semaphore_mem>> -> memref<1x!tpu.dma_semaphore, #tpu.memory_space<semaphore_mem>>
      %dma_wait3A_381 = tpu.memref_squeeze %dma_wait3A_380 : memref<1x!tpu.dma_semaphore, #tpu.memory_space<semaphore_mem>> -> memref<!tpu.dma_semaphore, #tpu.memory_space<semaphore_mem>>
      %dma_wait3A_382 = arith.constant 24576 : i32
      %dma_wait3A_383 = tpu.memref_slice %arg5[%dma_wait3A_382] : memref<98304xf32, #tpu.memory_space<vmem>> -> memref<12288xf32, #tpu.memory_space<vmem>>
      %dma_wait3A_384 = tpu.memref_slice %arg2[%mul3A_375] : memref<25165824xf32, #tpu.memory_space<hbm>> -> memref<12288xf32, #tpu.memory_space<hbm>>
      tpu.wait_dma2 semaphore(%dma_wait3A_381 : memref<!tpu.dma_semaphore, #tpu.memory_space<semaphore_mem>>) src(%dma_wait3A_384 : memref<12288xf32, #tpu.memory_space<hbm>>) dst(%dma_wait3A_383 : memref<12288xf32, #tpu.memory_space<vmem>>)
      %scan3A_385 = arith.constant 0 : i32
      %scan3A_386 = arith.constant 0 : i32
      %scan3A_387 = arith.constant 768 : i32
      %scan3A_388 = arith.addi %scan3A_386, %scan3A_387 : i32
      %scan3A_389 = arith.constant 8 : i32
      %scan3A_390 = scf.for %scan3A_640 = %scan3A_386 to %scan3A_388 step %scan3A_389 iter_args(%scan3A_641 = %scan3A_385) -> (i32)  : i32 {
        %mul3A_642 = arith.constant 16 : i32
        %mul3A_643 = arith.muli %scan3A_640, %mul3A_642 : i32
        %add3A_644 = arith.constant 24576 : i32
        %add3A_645 = arith.addi %add3A_644, %mul3A_643 : i32
        %mul3A_646 = arith.constant 16 : i32
        %mul3A_647 = arith.muli %scan3A_640, %mul3A_646 : i32
        %add3A_648 = arith.constant 0 : i32
        %add3A_649 = arith.addi %add3A_648, %mul3A_647 : i32
        %get3A = arith.index_cast %add3A_645 : i32 to index
        %get3A_650 = tpu.vector_load %arg5[%get3A] {strides = array<i32>} : memref<98304xf32, #tpu.memory_space<vmem>>, vector<16xf32>,
        %get3A_651 = vector.shape_cast %get3A_650 : vector<16xf32> to vector<16xf32>
        %get3A_652 = arith.index_cast %add3A_649 : i32 to index
        %get3A_653 = tpu.vector_load %arg6[%get3A_652] {strides = array<i32>} : memref<24576xf32, #tpu.memory_space<vmem>>, vector<16xf32>,
        %get3A_654 = vector.shape_cast %get3A_653 : vector<16xf32> to vector<16xf32>
        %add3A_655 = arith.addf %get3A_651, %get3A_654 : vector<16xf32>
        %swap3A = arith.index_cast %add3A_645 : i32 to index
        %swap3A_656 = tpu.vector_load %arg5[%swap3A] {strides = array<i32>} : memref<98304xf32, #tpu.memory_space<vmem>>, vector<16xf32>,
        %swap3A_657 = vector.shape_cast %swap3A_656 : vector<16xf32> to vector<16xf32>
        %swap3A_658 = vector.shape_cast %add3A_655 : vector<16xf32> to vector<16xf32>
        tpu.vector_store %arg5[%swap3A], %swap3A_658 {strides = array<i32>} : memref<98304xf32, #tpu.memory_space<vmem>>, vector<16xf32>,
        %scan3A_659 = arith.constant 0 : i32
        %scan3A_660 = arith.constant 1 : i32
        %scan3A_661 = arith.addi %scan3A_640, %scan3A_660 : i32
        %mul3A_662 = arith.constant 16 : i32
        %mul3A_663 = arith.muli %scan3A_661, %mul3A_662 : i32
        %add3A_664 = arith.constant 24576 : i32
        %add3A_665 = arith.addi %add3A_664, %mul3A_663 : i32
        %mul3A_666 = arith.constant 16 : i32
        %mul3A_667 = arith.muli %scan3A_661, %mul3A_666 : i32
        %add3A_668 = arith.constant 0 : i32
        %add3A_669 = arith.addi %add3A_668, %mul3A_667 : i32
        %get3A_670 = arith.index_cast %add3A_665 : i32 to index
        %get3A_671 = tpu.vector_load %arg5[%get3A_670] {strides = array<i32>} : memref<98304xf32, #tpu.memory_space<vmem>>, vector<16xf32>,
        %get3A_672 = vector.shape_cast %get3A_671 : vector<16xf32> to vector<16xf32>
        %get3A_673 = arith.index_cast %add3A_669 : i32 to index
        %get3A_674 = tpu.vector_load %arg6[%get3A_673] {strides = array<i32>} : memref<24576xf32, #tpu.memory_space<vmem>>, vector<16xf32>,
        %get3A_675 = vector.shape_cast %get3A_674 : vector<16xf32> to vector<16xf32>
        %add3A_676 = arith.addf %get3A_672, %get3A_675 : vector<16xf32>
        %swap3A_677 = arith.index_cast %add3A_665 : i32 to index
        %swap3A_678 = tpu.vector_load %arg5[%swap3A_677] {strides = array<i32>} : memref<98304xf32, #tpu.memory_space<vmem>>, vector<16xf32>,
        %swap3A_679 = vector.shape_cast %swap3A_678 : vector<16xf32> to vector<16xf32>
        %swap3A_680 = vector.shape_cast %add3A_676 : vector<16xf32> to vector<16xf32>
        tpu.vector_store %arg5[%swap3A_677], %swap3A_680 {strides = array<i32>} : memref<98304xf32, #tpu.memory_space<vmem>>, vector<16xf32>,
        %scan3A_681 = arith.constant 0 : i32
        %scan3A_682 = arith.constant 2 : i32
        %scan3A_683 = arith.addi %scan3A_640, %scan3A_682 : i32
        %mul3A_684 = arith.constant 16 : i32
        %mul3A_685 = arith.muli %scan3A_683, %mul3A_684 : i32
        %add3A_686 = arith.constant 24576 : i32
        %add3A_687 = arith.addi %add3A_686, %mul3A_685 : i32
        %mul3A_688 = arith.constant 16 : i32
        %mul3A_689 = arith.muli %scan3A_683, %mul3A_688 : i32
        %add3A_690 = arith.constant 0 : i32
        %add3A_691 = arith.addi %add3A_690, %mul3A_689 : i32
        %get3A_692 = arith.index_cast %add3A_687 : i32 to index
        %get3A_693 = tpu.vector_load %arg5[%get3A_692] {strides = array<i32>} : memref<98304xf32, #tpu.memory_space<vmem>>, vector<16xf32>,
        %get3A_694 = vector.shape_cast %get3A_693 : vector<16xf32> to vector<16xf32>
        %get3A_695 = arith.index_cast %add3A_691 : i32 to index
        %get3A_696 = tpu.vector_load %arg6[%get3A_695] {strides = array<i32>} : memref<24576xf32, #tpu.memory_space<vmem>>, vector<16xf32>,
        %get3A_697 = vector.shape_cast %get3A_696 : vector<16xf32> to vector<16xf32>
        %add3A_698 = arith.addf %get3A_694, %get3A_697 : vector<16xf32>
        %swap3A_699 = arith.index_cast %add3A_687 : i32 to index
        %swap3A_700 = tpu.vector_load %arg5[%swap3A_699] {strides = array<i32>} : memref<98304xf32, #tpu.memory_space<vmem>>, vector<16xf32>,
        %swap3A_701 = vector.shape_cast %swap3A_700 : vector<16xf32> to vector<16xf32>
        %swap3A_702 = vector.shape_cast %add3A_698 : vector<16xf32> to vector<16xf32>
        tpu.vector_store %arg5[%swap3A_699], %swap3A_702 {strides = array<i32>} : memref<98304xf32, #tpu.memory_space<vmem>>, vector<16xf32>,
        %scan3A_703 = arith.constant 0 : i32
        %scan3A_704 = arith.constant 3 : i32
        %scan3A_705 = arith.addi %scan3A_640, %scan3A_704 : i32
        %mul3A_706 = arith.constant 16 : i32
        %mul3A_707 = arith.muli %scan3A_705, %mul3A_706 : i32
        %add3A_708 = arith.constant 24576 : i32
        %add3A_709 = arith.addi %add3A_708, %mul3A_707 : i32
        %mul3A_710 = arith.constant 16 : i32
        %mul3A_711 = arith.muli %scan3A_705, %mul3A_710 : i32
        %add3A_712 = arith.constant 0 : i32
        %add3A_713 = arith.addi %add3A_712, %mul3A_711 : i32
        %get3A_714 = arith.index_cast %add3A_709 : i32 to index
        %get3A_715 = tpu.vector_load %arg5[%get3A_714] {strides = array<i32>} : memref<98304xf32, #tpu.memory_space<vmem>>, vector<16xf32>,
        %get3A_716 = vector.shape_cast %get3A_715 : vector<16xf32> to vector<16xf32>
        %get3A_717 = arith.index_cast %add3A_713 : i32 to index
        %get3A_718 = tpu.vector_load %arg6[%get3A_717] {strides = array<i32>} : memref<24576xf32, #tpu.memory_space<vmem>>, vector<16xf32>,
        %get3A_719 = vector.shape_cast %get3A_718 : vector<16xf32> to vector<16xf32>
        %add3A_720 = arith.addf %get3A_716, %get3A_719 : vector<16xf32>
        %swap3A_721 = arith.index_cast %add3A_709 : i32 to index
        %swap3A_722 = tpu.vector_load %arg5[%swap3A_721] {strides = array<i32>} : memref<98304xf32, #tpu.memory_space<vmem>>, vector<16xf32>,
        %swap3A_723 = vector.shape_cast %swap3A_722 : vector<16xf32> to vector<16xf32>
        %swap3A_724 = vector.shape_cast %add3A_720 : vector<16xf32> to vector<16xf32>
        tpu.vector_store %arg5[%swap3A_721], %swap3A_724 {strides = array<i32>} : memref<98304xf32, #tpu.memory_space<vmem>>, vector<16xf32>,
        %scan3A_725 = arith.constant 0 : i32
        %scan3A_726 = arith.constant 4 : i32
        %scan3A_727 = arith.addi %scan3A_640, %scan3A_726 : i32
        %mul3A_728 = arith.constant 16 : i32
        %mul3A_729 = arith.muli %scan3A_727, %mul3A_728 : i32
        %add3A_730 = arith.constant 24576 : i32
        %add3A_731 = arith.addi %add3A_730, %mul3A_729 : i32
        %mul3A_732 = arith.constant 16 : i32
        %mul3A_733 = arith.muli %scan3A_727, %mul3A_732 : i32
        %add3A_734 = arith.constant 0 : i32
        %add3A_735 = arith.addi %add3A_734, %mul3A_733 : i32
        %get3A_736 = arith.index_cast %add3A_731 : i32 to index
        %get3A_737 = tpu.vector_load %arg5[%get3A_736] {strides = array<i32>} : memref<98304xf32, #tpu.memory_space<vmem>>, vector<16xf32>,
        %get3A_738 = vector.shape_cast %get3A_737 : vector<16xf32> to vector<16xf32>
        %get3A_739 = arith.index_cast %add3A_735 : i32 to index
        %get3A_740 = tpu.vector_load %arg6[%get3A_739] {strides = array<i32>} : memref<24576xf32, #tpu.memory_space<vmem>>, vector<16xf32>,
        %get3A_741 = vector.shape_cast %get3A_740 : vector<16xf32> to vector<16xf32>
        %add3A_742 = arith.addf %get3A_738, %get3A_741 : vector<16xf32>
        %swap3A_743 = arith.index_cast %add3A_731 : i32 to index
        %swap3A_744 = tpu.vector_load %arg5[%swap3A_743] {strides = array<i32>} : memref<98304xf32, #tpu.memory_space<vmem>>, vector<16xf32>,
        %swap3A_745 = vector.shape_cast %swap3A_744 : vector<16xf32> to vector<16xf32>
        %swap3A_746 = vector.shape_cast %add3A_742 : vector<16xf32> to vector<16xf32>
        tpu.vector_store %arg5[%swap3A_743], %swap3A_746 {strides = array<i32>} : memref<98304xf32, #tpu.memory_space<vmem>>, vector<16xf32>,
        %scan3A_747 = arith.constant 0 : i32
        %scan3A_748 = arith.constant 5 : i32
        %scan3A_749 = arith.addi %scan3A_640, %scan3A_748 : i32
        %mul3A_750 = arith.constant 16 : i32
        %mul3A_751 = arith.muli %scan3A_749, %mul3A_750 : i32
        %add3A_752 = arith.constant 24576 : i32
        %add3A_753 = arith.addi %add3A_752, %mul3A_751 : i32
        %mul3A_754 = arith.constant 16 : i32
        %mul3A_755 = arith.muli %scan3A_749, %mul3A_754 : i32
        %add3A_756 = arith.constant 0 : i32
        %add3A_757 = arith.addi %add3A_756, %mul3A_755 : i32
        %get3A_758 = arith.index_cast %add3A_753 : i32 to index
        %get3A_759 = tpu.vector_load %arg5[%get3A_758] {strides = array<i32>} : memref<98304xf32, #tpu.memory_space<vmem>>, vector<16xf32>,
        %get3A_760 = vector.shape_cast %get3A_759 : vector<16xf32> to vector<16xf32>
        %get3A_761 = arith.index_cast %add3A_757 : i32 to index
        %get3A_762 = tpu.vector_load %arg6[%get3A_761] {strides = array<i32>} : memref<24576xf32, #tpu.memory_space<vmem>>, vector<16xf32>,
        %get3A_763 = vector.shape_cast %get3A_762 : vector<16xf32> to vector<16xf32>
        %add3A_764 = arith.addf %get3A_760, %get3A_763 : vector<16xf32>
        %swap3A_765 = arith.index_cast %add3A_753 : i32 to index
        %swap3A_766 = tpu.vector_load %arg5[%swap3A_765] {strides = array<i32>} : memref<98304xf32, #tpu.memory_space<vmem>>, vector<16xf32>,
        %swap3A_767 = vector.shape_cast %swap3A_766 : vector<16xf32> to vector<16xf32>
        %swap3A_768 = vector.shape_cast %add3A_764 : vector<16xf32> to vector<16xf32>
        tpu.vector_store %arg5[%swap3A_765], %swap3A_768 {strides = array<i32>} : memref<98304xf32, #tpu.memory_space<vmem>>, vector<16xf32>,
        %scan3A_769 = arith.constant 0 : i32
        %scan3A_770 = arith.constant 6 : i32
        %scan3A_771 = arith.addi %scan3A_640, %scan3A_770 : i32
        %mul3A_772 = arith.constant 16 : i32
        %mul3A_773 = arith.muli %scan3A_771, %mul3A_772 : i32
        %add3A_774 = arith.constant 24576 : i32
        %add3A_775 = arith.addi %add3A_774, %mul3A_773 : i32
        %mul3A_776 = arith.constant 16 : i32
        %mul3A_777 = arith.muli %scan3A_771, %mul3A_776 : i32
        %add3A_778 = arith.constant 0 : i32
        %add3A_779 = arith.addi %add3A_778, %mul3A_777 : i32
        %get3A_780 = arith.index_cast %add3A_775 : i32 to index
        %get3A_781 = tpu.vector_load %arg5[%get3A_780] {strides = array<i32>} : memref<98304xf32, #tpu.memory_space<vmem>>, vector<16xf32>,
        %get3A_782 = vector.shape_cast %get3A_781 : vector<16xf32> to vector<16xf32>
        %get3A_783 = arith.index_cast %add3A_779 : i32 to index
        %get3A_784 = tpu.vector_load %arg6[%get3A_783] {strides = array<i32>} : memref<24576xf32, #tpu.memory_space<vmem>>, vector<16xf32>,
        %get3A_785 = vector.shape_cast %get3A_784 : vector<16xf32> to vector<16xf32>
        %add3A_786 = arith.addf %get3A_782, %get3A_785 : vector<16xf32>
        %swap3A_787 = arith.index_cast %add3A_775 : i32 to index
        %swap3A_788 = tpu.vector_load %arg5[%swap3A_787] {strides = array<i32>} : memref<98304xf32, #tpu.memory_space<vmem>>, vector<16xf32>,
        %swap3A_789 = vector.shape_cast %swap3A_788 : vector<16xf32> to vector<16xf32>
        %swap3A_790 = vector.shape_cast %add3A_786 : vector<16xf32> to vector<16xf32>
        tpu.vector_store %arg5[%swap3A_787], %swap3A_790 {strides = array<i32>} : memref<98304xf32, #tpu.memory_space<vmem>>, vector<16xf32>,
        %scan3A_791 = arith.constant 0 : i32
        %scan3A_792 = arith.constant 7 : i32
        %scan3A_793 = arith.addi %scan3A_640, %scan3A_792 : i32
        %mul3A_794 = arith.constant 16 : i32
        %mul3A_795 = arith.muli %scan3A_793, %mul3A_794 : i32
        %add3A_796 = arith.constant 24576 : i32
        %add3A_797 = arith.addi %add3A_796, %mul3A_795 : i32
        %mul3A_798 = arith.constant 16 : i32
        %mul3A_799 = arith.muli %scan3A_793, %mul3A_798 : i32
        %add3A_800 = arith.constant 0 : i32
        %add3A_801 = arith.addi %add3A_800, %mul3A_799 : i32
        %get3A_802 = arith.index_cast %add3A_797 : i32 to index
        %get3A_803 = tpu.vector_load %arg5[%get3A_802] {strides = array<i32>} : memref<98304xf32, #tpu.memory_space<vmem>>, vector<16xf32>,
        %get3A_804 = vector.shape_cast %get3A_803 : vector<16xf32> to vector<16xf32>
        %get3A_805 = arith.index_cast %add3A_801 : i32 to index
        %get3A_806 = tpu.vector_load %arg6[%get3A_805] {strides = array<i32>} : memref<24576xf32, #tpu.memory_space<vmem>>, vector<16xf32>,
        %get3A_807 = vector.shape_cast %get3A_806 : vector<16xf32> to vector<16xf32>
        %add3A_808 = arith.addf %get3A_804, %get3A_807 : vector<16xf32>
        %swap3A_809 = arith.index_cast %add3A_797 : i32 to index
        %swap3A_810 = tpu.vector_load %arg5[%swap3A_809] {strides = array<i32>} : memref<98304xf32, #tpu.memory_space<vmem>>, vector<16xf32>,
        %swap3A_811 = vector.shape_cast %swap3A_810 : vector<16xf32> to vector<16xf32>
        %swap3A_812 = vector.shape_cast %add3A_808 : vector<16xf32> to vector<16xf32>
        tpu.vector_store %arg5[%swap3A_809], %swap3A_812 {strides = array<i32>} : memref<98304xf32, #tpu.memory_space<vmem>>, vector<16xf32>,
        %scan3A_813 = arith.constant 0 : i32
        scf.yield %scan3A_813 : i32
      }
      %scan3A_391 = arith.constant 768 : i32
      %add3A_392 = arith.constant 16384 : i32
      %add3A_393 = arith.addi %add3A_392, %mul3A_2 : i32
      %mul3A_394 = arith.constant 16 : i32
      %mul3A_395 = arith.muli %add3A_276, %mul3A_394 : i32
      %add3A_396 = arith.addi %add3A_393, %mul3A_395 : i32
      %mul3A_397 = arith.constant 768 : i32
      %mul3A_398 = arith.muli %add3A_396, %mul3A_397 : i32
      %dma_start3A_399 = arith.constant 2 : i32
      %dma_start3A_400 = arith.constant 24576 : i32
      %dma_start3A_401 = tpu.memref_slice %arg5[%dma_start3A_400] : memref<98304xf32, #tpu.memory_space<vmem>> -> memref<12288xf32, #tpu.memory_space<vmem>>
      %dma_start3A_402 = tpu.memref_slice %arg4[%mul3A_398] : memref<25165824xf32, #tpu.memory_space<hbm>> -> memref<12288xf32, #tpu.memory_space<hbm>>
      %dma_start3A_403 = tpu.memref_slice %arg9[%dma_start3A_399] : memref<8x!tpu.dma_semaphore, #tpu.memory_space<semaphore_mem>> -> memref<1x!tpu.dma_semaphore, #tpu.memory_space<semaphore_mem>>
      %dma_start3A_404 = tpu.memref_squeeze %dma_start3A_403 : memref<1x!tpu.dma_semaphore, #tpu.memory_space<semaphore_mem>> -> memref<!tpu.dma_semaphore, #tpu.memory_space<semaphore_mem>>
      %dma_start3A_405 = tpu.memref_slice %arg4[%mul3A_398] : memref<25165824xf32, #tpu.memory_space<hbm>> -> memref<12288xf32, #tpu.memory_space<hbm>>
      %dma_start3A_406 = arith.constant 24576 : i32
      %dma_start3A_407 = tpu.memref_slice %arg5[%dma_start3A_406] : memref<98304xf32, #tpu.memory_space<vmem>> -> memref<12288xf32, #tpu.memory_space<vmem>>
      tpu.enqueue_dma source(%dma_start3A_407 : memref<12288xf32, #tpu.memory_space<vmem>>) target(%dma_start3A_405 : memref<12288xf32, #tpu.memory_space<hbm>>) target_semaphore(%dma_start3A_404 : memref<!tpu.dma_semaphore, #tpu.memory_space<semaphore_mem>>)
      %add3A_408 = arith.constant 24576 : i32
      %add3A_409 = arith.addi %add3A_408, %mul3A_2 : i32
      %mul3A_410 = arith.constant 16 : i32
      %mul3A_411 = arith.muli %add3A_276, %mul3A_410 : i32
      %add3A_412 = arith.addi %add3A_409, %mul3A_411 : i32
      %mul3A_413 = arith.constant 768 : i32
      %mul3A_414 = arith.muli %add3A_412, %mul3A_413 : i32
      %dma_wait3A_415 = arith.constant 3 : i32
      %dma_wait3A_416 = arith.constant 36864 : i32
      %dma_wait3A_417 = tpu.memref_slice %arg5[%dma_wait3A_416] : memref<98304xf32, #tpu.memory_space<vmem>> -> memref<12288xf32, #tpu.memory_space<vmem>>
      %dma_wait3A_418 = tpu.memref_slice %arg2[%mul3A_414] : memref<25165824xf32, #tpu.memory_space<hbm>> -> memref<12288xf32, #tpu.memory_space<hbm>>
      %dma_wait3A_419 = tpu.memref_slice %arg7[%dma_wait3A_415] : memref<8x!tpu.dma_semaphore, #tpu.memory_space<semaphore_mem>> -> memref<1x!tpu.dma_semaphore, #tpu.memory_space<semaphore_mem>>
      %dma_wait3A_420 = tpu.memref_squeeze %dma_wait3A_419 : memref<1x!tpu.dma_semaphore, #tpu.memory_space<semaphore_mem>> -> memref<!tpu.dma_semaphore, #tpu.memory_space<semaphore_mem>>
      %dma_wait3A_421 = arith.constant 36864 : i32
      %dma_wait3A_422 = tpu.memref_slice %arg5[%dma_wait3A_421] : memref<98304xf32, #tpu.memory_space<vmem>> -> memref<12288xf32, #tpu.memory_space<vmem>>
      %dma_wait3A_423 = tpu.memref_slice %arg2[%mul3A_414] : memref<25165824xf32, #tpu.memory_space<hbm>> -> memref<12288xf32, #tpu.memory_space<hbm>>
      tpu.wait_dma2 semaphore(%dma_wait3A_420 : memref<!tpu.dma_semaphore, #tpu.memory_space<semaphore_mem>>) src(%dma_wait3A_423 : memref<12288xf32, #tpu.memory_space<hbm>>) dst(%dma_wait3A_422 : memref<12288xf32, #tpu.memory_space<vmem>>)
      %scan3A_424 = arith.constant 0 : i32
      %scan3A_425 = arith.constant 0 : i32
      %scan3A_426 = arith.constant 768 : i32
      %scan3A_427 = arith.addi %scan3A_425, %scan3A_426 : i32
      %scan3A_428 = arith.constant 8 : i32
      %scan3A_429 = scf.for %scan3A_640 = %scan3A_425 to %scan3A_427 step %scan3A_428 iter_args(%scan3A_641 = %scan3A_424) -> (i32)  : i32 {
        %mul3A_642 = arith.constant 16 : i32
        %mul3A_643 = arith.muli %scan3A_640, %mul3A_642 : i32
        %add3A_644 = arith.constant 36864 : i32
        %add3A_645 = arith.addi %add3A_644, %mul3A_643 : i32
        %mul3A_646 = arith.constant 16 : i32
        %mul3A_647 = arith.muli %scan3A_640, %mul3A_646 : i32
        %add3A_648 = arith.constant 0 : i32
        %add3A_649 = arith.addi %add3A_648, %mul3A_647 : i32
        %get3A = arith.index_cast %add3A_645 : i32 to index
        %get3A_650 = tpu.vector_load %arg5[%get3A] {strides = array<i32>} : memref<98304xf32, #tpu.memory_space<vmem>>, vector<16xf32>,
        %get3A_651 = vector.shape_cast %get3A_650 : vector<16xf32> to vector<16xf32>
        %get3A_652 = arith.index_cast %add3A_649 : i32 to index
        %get3A_653 = tpu.vector_load %arg6[%get3A_652] {strides = array<i32>} : memref<24576xf32, #tpu.memory_space<vmem>>, vector<16xf32>,
        %get3A_654 = vector.shape_cast %get3A_653 : vector<16xf32> to vector<16xf32>
        %add3A_655 = arith.addf %get3A_651, %get3A_654 : vector<16xf32>
        %swap3A = arith.index_cast %add3A_645 : i32 to index
        %swap3A_656 = tpu.vector_load %arg5[%swap3A] {strides = array<i32>} : memref<98304xf32, #tpu.memory_space<vmem>>, vector<16xf32>,
        %swap3A_657 = vector.shape_cast %swap3A_656 : vector<16xf32> to vector<16xf32>
        %swap3A_658 = vector.shape_cast %add3A_655 : vector<16xf32> to vector<16xf32>
        tpu.vector_store %arg5[%swap3A], %swap3A_658 {strides = array<i32>} : memref<98304xf32, #tpu.memory_space<vmem>>, vector<16xf32>,
        %scan3A_659 = arith.constant 0 : i32
        %scan3A_660 = arith.constant 1 : i32
        %scan3A_661 = arith.addi %scan3A_640, %scan3A_660 : i32
        %mul3A_662 = arith.constant 16 : i32
        %mul3A_663 = arith.muli %scan3A_661, %mul3A_662 : i32
        %add3A_664 = arith.constant 36864 : i32
        %add3A_665 = arith.addi %add3A_664, %mul3A_663 : i32
        %mul3A_666 = arith.constant 16 : i32
        %mul3A_667 = arith.muli %scan3A_661, %mul3A_666 : i32
        %add3A_668 = arith.constant 0 : i32
        %add3A_669 = arith.addi %add3A_668, %mul3A_667 : i32
        %get3A_670 = arith.index_cast %add3A_665 : i32 to index
        %get3A_671 = tpu.vector_load %arg5[%get3A_670] {strides = array<i32>} : memref<98304xf32, #tpu.memory_space<vmem>>, vector<16xf32>,
        %get3A_672 = vector.shape_cast %get3A_671 : vector<16xf32> to vector<16xf32>
        %get3A_673 = arith.index_cast %add3A_669 : i32 to index
        %get3A_674 = tpu.vector_load %arg6[%get3A_673] {strides = array<i32>} : memref<24576xf32, #tpu.memory_space<vmem>>, vector<16xf32>,
        %get3A_675 = vector.shape_cast %get3A_674 : vector<16xf32> to vector<16xf32>
        %add3A_676 = arith.addf %get3A_672, %get3A_675 : vector<16xf32>
        %swap3A_677 = arith.index_cast %add3A_665 : i32 to index
        %swap3A_678 = tpu.vector_load %arg5[%swap3A_677] {strides = array<i32>} : memref<98304xf32, #tpu.memory_space<vmem>>, vector<16xf32>,
        %swap3A_679 = vector.shape_cast %swap3A_678 : vector<16xf32> to vector<16xf32>
        %swap3A_680 = vector.shape_cast %add3A_676 : vector<16xf32> to vector<16xf32>
        tpu.vector_store %arg5[%swap3A_677], %swap3A_680 {strides = array<i32>} : memref<98304xf32, #tpu.memory_space<vmem>>, vector<16xf32>,
        %scan3A_681 = arith.constant 0 : i32
        %scan3A_682 = arith.constant 2 : i32
        %scan3A_683 = arith.addi %scan3A_640, %scan3A_682 : i32
        %mul3A_684 = arith.constant 16 : i32
        %mul3A_685 = arith.muli %scan3A_683, %mul3A_684 : i32
        %add3A_686 = arith.constant 36864 : i32
        %add3A_687 = arith.addi %add3A_686, %mul3A_685 : i32
        %mul3A_688 = arith.constant 16 : i32
        %mul3A_689 = arith.muli %scan3A_683, %mul3A_688 : i32
        %add3A_690 = arith.constant 0 : i32
        %add3A_691 = arith.addi %add3A_690, %mul3A_689 : i32
        %get3A_692 = arith.index_cast %add3A_687 : i32 to index
        %get3A_693 = tpu.vector_load %arg5[%get3A_692] {strides = array<i32>} : memref<98304xf32, #tpu.memory_space<vmem>>, vector<16xf32>,
        %get3A_694 = vector.shape_cast %get3A_693 : vector<16xf32> to vector<16xf32>
        %get3A_695 = arith.index_cast %add3A_691 : i32 to index
        %get3A_696 = tpu.vector_load %arg6[%get3A_695] {strides = array<i32>} : memref<24576xf32, #tpu.memory_space<vmem>>, vector<16xf32>,
        %get3A_697 = vector.shape_cast %get3A_696 : vector<16xf32> to vector<16xf32>
        %add3A_698 = arith.addf %get3A_694, %get3A_697 : vector<16xf32>
        %swap3A_699 = arith.index_cast %add3A_687 : i32 to index
        %swap3A_700 = tpu.vector_load %arg5[%swap3A_699] {strides = array<i32>} : memref<98304xf32, #tpu.memory_space<vmem>>, vector<16xf32>,
        %swap3A_701 = vector.shape_cast %swap3A_700 : vector<16xf32> to vector<16xf32>
        %swap3A_702 = vector.shape_cast %add3A_698 : vector<16xf32> to vector<16xf32>
        tpu.vector_store %arg5[%swap3A_699], %swap3A_702 {strides = array<i32>} : memref<98304xf32, #tpu.memory_space<vmem>>, vector<16xf32>,
        %scan3A_703 = arith.constant 0 : i32
        %scan3A_704 = arith.constant 3 : i32
        %scan3A_705 = arith.addi %scan3A_640, %scan3A_704 : i32
        %mul3A_706 = arith.constant 16 : i32
        %mul3A_707 = arith.muli %scan3A_705, %mul3A_706 : i32
        %add3A_708 = arith.constant 36864 : i32
        %add3A_709 = arith.addi %add3A_708, %mul3A_707 : i32
        %mul3A_710 = arith.constant 16 : i32
        %mul3A_711 = arith.muli %scan3A_705, %mul3A_710 : i32
        %add3A_712 = arith.constant 0 : i32
        %add3A_713 = arith.addi %add3A_712, %mul3A_711 : i32
        %get3A_714 = arith.index_cast %add3A_709 : i32 to index
        %get3A_715 = tpu.vector_load %arg5[%get3A_714] {strides = array<i32>} : memref<98304xf32, #tpu.memory_space<vmem>>, vector<16xf32>,
        %get3A_716 = vector.shape_cast %get3A_715 : vector<16xf32> to vector<16xf32>
        %get3A_717 = arith.index_cast %add3A_713 : i32 to index
        %get3A_718 = tpu.vector_load %arg6[%get3A_717] {strides = array<i32>} : memref<24576xf32, #tpu.memory_space<vmem>>, vector<16xf32>,
        %get3A_719 = vector.shape_cast %get3A_718 : vector<16xf32> to vector<16xf32>
        %add3A_720 = arith.addf %get3A_716, %get3A_719 : vector<16xf32>
        %swap3A_721 = arith.index_cast %add3A_709 : i32 to index
        %swap3A_722 = tpu.vector_load %arg5[%swap3A_721] {strides = array<i32>} : memref<98304xf32, #tpu.memory_space<vmem>>, vector<16xf32>,
        %swap3A_723 = vector.shape_cast %swap3A_722 : vector<16xf32> to vector<16xf32>
        %swap3A_724 = vector.shape_cast %add3A_720 : vector<16xf32> to vector<16xf32>
        tpu.vector_store %arg5[%swap3A_721], %swap3A_724 {strides = array<i32>} : memref<98304xf32, #tpu.memory_space<vmem>>, vector<16xf32>,
        %scan3A_725 = arith.constant 0 : i32
        %scan3A_726 = arith.constant 4 : i32
        %scan3A_727 = arith.addi %scan3A_640, %scan3A_726 : i32
        %mul3A_728 = arith.constant 16 : i32
        %mul3A_729 = arith.muli %scan3A_727, %mul3A_728 : i32
        %add3A_730 = arith.constant 36864 : i32
        %add3A_731 = arith.addi %add3A_730, %mul3A_729 : i32
        %mul3A_732 = arith.constant 16 : i32
        %mul3A_733 = arith.muli %scan3A_727, %mul3A_732 : i32
        %add3A_734 = arith.constant 0 : i32
        %add3A_735 = arith.addi %add3A_734, %mul3A_733 : i32
        %get3A_736 = arith.index_cast %add3A_731 : i32 to index
        %get3A_737 = tpu.vector_load %arg5[%get3A_736] {strides = array<i32>} : memref<98304xf32, #tpu.memory_space<vmem>>, vector<16xf32>,
        %get3A_738 = vector.shape_cast %get3A_737 : vector<16xf32> to vector<16xf32>
        %get3A_739 = arith.index_cast %add3A_735 : i32 to index
        %get3A_740 = tpu.vector_load %arg6[%get3A_739] {strides = array<i32>} : memref<24576xf32, #tpu.memory_space<vmem>>, vector<16xf32>,
        %get3A_741 = vector.shape_cast %get3A_740 : vector<16xf32> to vector<16xf32>
        %add3A_742 = arith.addf %get3A_738, %get3A_741 : vector<16xf32>
        %swap3A_743 = arith.index_cast %add3A_731 : i32 to index
        %swap3A_744 = tpu.vector_load %arg5[%swap3A_743] {strides = array<i32>} : memref<98304xf32, #tpu.memory_space<vmem>>, vector<16xf32>,
        %swap3A_745 = vector.shape_cast %swap3A_744 : vector<16xf32> to vector<16xf32>
        %swap3A_746 = vector.shape_cast %add3A_742 : vector<16xf32> to vector<16xf32>
        tpu.vector_store %arg5[%swap3A_743], %swap3A_746 {strides = array<i32>} : memref<98304xf32, #tpu.memory_space<vmem>>, vector<16xf32>,
        %scan3A_747 = arith.constant 0 : i32
        %scan3A_748 = arith.constant 5 : i32
        %scan3A_749 = arith.addi %scan3A_640, %scan3A_748 : i32
        %mul3A_750 = arith.constant 16 : i32
        %mul3A_751 = arith.muli %scan3A_749, %mul3A_750 : i32
        %add3A_752 = arith.constant 36864 : i32
        %add3A_753 = arith.addi %add3A_752, %mul3A_751 : i32
        %mul3A_754 = arith.constant 16 : i32
        %mul3A_755 = arith.muli %scan3A_749, %mul3A_754 : i32
        %add3A_756 = arith.constant 0 : i32
        %add3A_757 = arith.addi %add3A_756, %mul3A_755 : i32
        %get3A_758 = arith.index_cast %add3A_753 : i32 to index
        %get3A_759 = tpu.vector_load %arg5[%get3A_758] {strides = array<i32>} : memref<98304xf32, #tpu.memory_space<vmem>>, vector<16xf32>,
        %get3A_760 = vector.shape_cast %get3A_759 : vector<16xf32> to vector<16xf32>
        %get3A_761 = arith.index_cast %add3A_757 : i32 to index
        %get3A_762 = tpu.vector_load %arg6[%get3A_761] {strides = array<i32>} : memref<24576xf32, #tpu.memory_space<vmem>>, vector<16xf32>,
        %get3A_763 = vector.shape_cast %get3A_762 : vector<16xf32> to vector<16xf32>
        %add3A_764 = arith.addf %get3A_760, %get3A_763 : vector<16xf32>
        %swap3A_765 = arith.index_cast %add3A_753 : i32 to index
        %swap3A_766 = tpu.vector_load %arg5[%swap3A_765] {strides = array<i32>} : memref<98304xf32, #tpu.memory_space<vmem>>, vector<16xf32>,
        %swap3A_767 = vector.shape_cast %swap3A_766 : vector<16xf32> to vector<16xf32>
        %swap3A_768 = vector.shape_cast %add3A_764 : vector<16xf32> to vector<16xf32>
        tpu.vector_store %arg5[%swap3A_765], %swap3A_768 {strides = array<i32>} : memref<98304xf32, #tpu.memory_space<vmem>>, vector<16xf32>,
        %scan3A_769 = arith.constant 0 : i32
        %scan3A_770 = arith.constant 6 : i32
        %scan3A_771 = arith.addi %scan3A_640, %scan3A_770 : i32
        %mul3A_772 = arith.constant 16 : i32
        %mul3A_773 = arith.muli %scan3A_771, %mul3A_772 : i32
        %add3A_774 = arith.constant 36864 : i32
        %add3A_775 = arith.addi %add3A_774, %mul3A_773 : i32
        %mul3A_776 = arith.constant 16 : i32
        %mul3A_777 = arith.muli %scan3A_771, %mul3A_776 : i32
        %add3A_778 = arith.constant 0 : i32
        %add3A_779 = arith.addi %add3A_778, %mul3A_777 : i32
        %get3A_780 = arith.index_cast %add3A_775 : i32 to index
        %get3A_781 = tpu.vector_load %arg5[%get3A_780] {strides = array<i32>} : memref<98304xf32, #tpu.memory_space<vmem>>, vector<16xf32>,
        %get3A_782 = vector.shape_cast %get3A_781 : vector<16xf32> to vector<16xf32>
        %get3A_783 = arith.index_cast %add3A_779 : i32 to index
        %get3A_784 = tpu.vector_load %arg6[%get3A_783] {strides = array<i32>} : memref<24576xf32, #tpu.memory_space<vmem>>, vector<16xf32>,
        %get3A_785 = vector.shape_cast %get3A_784 : vector<16xf32> to vector<16xf32>
        %add3A_786 = arith.addf %get3A_782, %get3A_785 : vector<16xf32>
        %swap3A_787 = arith.index_cast %add3A_775 : i32 to index
        %swap3A_788 = tpu.vector_load %arg5[%swap3A_787] {strides = array<i32>} : memref<98304xf32, #tpu.memory_space<vmem>>, vector<16xf32>,
        %swap3A_789 = vector.shape_cast %swap3A_788 : vector<16xf32> to vector<16xf32>
        %swap3A_790 = vector.shape_cast %add3A_786 : vector<16xf32> to vector<16xf32>
        tpu.vector_store %arg5[%swap3A_787], %swap3A_790 {strides = array<i32>} : memref<98304xf32, #tpu.memory_space<vmem>>, vector<16xf32>,
        %scan3A_791 = arith.constant 0 : i32
        %scan3A_792 = arith.constant 7 : i32
        %scan3A_793 = arith.addi %scan3A_640, %scan3A_792 : i32
        %mul3A_794 = arith.constant 16 : i32
        %mul3A_795 = arith.muli %scan3A_793, %mul3A_794 : i32
        %add3A_796 = arith.constant 36864 : i32
        %add3A_797 = arith.addi %add3A_796, %mul3A_795 : i32
        %mul3A_798 = arith.constant 16 : i32
        %mul3A_799 = arith.muli %scan3A_793, %mul3A_798 : i32
        %add3A_800 = arith.constant 0 : i32
        %add3A_801 = arith.addi %add3A_800, %mul3A_799 : i32
        %get3A_802 = arith.index_cast %add3A_797 : i32 to index
        %get3A_803 = tpu.vector_load %arg5[%get3A_802] {strides = array<i32>} : memref<98304xf32, #tpu.memory_space<vmem>>, vector<16xf32>,
        %get3A_804 = vector.shape_cast %get3A_803 : vector<16xf32> to vector<16xf32>
        %get3A_805 = arith.index_cast %add3A_801 : i32 to index
        %get3A_806 = tpu.vector_load %arg6[%get3A_805] {strides = array<i32>} : memref<24576xf32, #tpu.memory_space<vmem>>, vector<16xf32>,
        %get3A_807 = vector.shape_cast %get3A_806 : vector<16xf32> to vector<16xf32>
        %add3A_808 = arith.addf %get3A_804, %get3A_807 : vector<16xf32>
        %swap3A_809 = arith.index_cast %add3A_797 : i32 to index
        %swap3A_810 = tpu.vector_load %arg5[%swap3A_809] {strides = array<i32>} : memref<98304xf32, #tpu.memory_space<vmem>>, vector<16xf32>,
        %swap3A_811 = vector.shape_cast %swap3A_810 : vector<16xf32> to vector<16xf32>
        %swap3A_812 = vector.shape_cast %add3A_808 : vector<16xf32> to vector<16xf32>
        tpu.vector_store %arg5[%swap3A_809], %swap3A_812 {strides = array<i32>} : memref<98304xf32, #tpu.memory_space<vmem>>, vector<16xf32>,
        %scan3A_813 = arith.constant 0 : i32
        scf.yield %scan3A_813 : i32
      }
      %scan3A_430 = arith.constant 768 : i32
      %add3A_431 = arith.constant 24576 : i32
      %add3A_432 = arith.addi %add3A_431, %mul3A_2 : i32
      %mul3A_433 = arith.constant 16 : i32
      %mul3A_434 = arith.muli %add3A_276, %mul3A_433 : i32
      %add3A_435 = arith.addi %add3A_432, %mul3A_434 : i32
      %mul3A_436 = arith.constant 768 : i32
      %mul3A_437 = arith.muli %add3A_435, %mul3A_436 : i32
      %dma_start3A_438 = arith.constant 3 : i32
      %dma_start3A_439 = arith.constant 36864 : i32
      %dma_start3A_440 = tpu.memref_slice %arg5[%dma_start3A_439] : memref<98304xf32, #tpu.memory_space<vmem>> -> memref<12288xf32, #tpu.memory_space<vmem>>
      %dma_start3A_441 = tpu.memref_slice %arg4[%mul3A_437] : memref<25165824xf32, #tpu.memory_space<hbm>> -> memref<12288xf32, #tpu.memory_space<hbm>>
      %dma_start3A_442 = tpu.memref_slice %arg9[%dma_start3A_438] : memref<8x!tpu.dma_semaphore, #tpu.memory_space<semaphore_mem>> -> memref<1x!tpu.dma_semaphore, #tpu.memory_space<semaphore_mem>>
      %dma_start3A_443 = tpu.memref_squeeze %dma_start3A_442 : memref<1x!tpu.dma_semaphore, #tpu.memory_space<semaphore_mem>> -> memref<!tpu.dma_semaphore, #tpu.memory_space<semaphore_mem>>
      %dma_start3A_444 = tpu.memref_slice %arg4[%mul3A_437] : memref<25165824xf32, #tpu.memory_space<hbm>> -> memref<12288xf32, #tpu.memory_space<hbm>>
      %dma_start3A_445 = arith.constant 36864 : i32
      %dma_start3A_446 = tpu.memref_slice %arg5[%dma_start3A_445] : memref<98304xf32, #tpu.memory_space<vmem>> -> memref<12288xf32, #tpu.memory_space<vmem>>
      tpu.enqueue_dma source(%dma_start3A_446 : memref<12288xf32, #tpu.memory_space<vmem>>) target(%dma_start3A_444 : memref<12288xf32, #tpu.memory_space<hbm>>) target_semaphore(%dma_start3A_443 : memref<!tpu.dma_semaphore, #tpu.memory_space<semaphore_mem>>)
      %mul3A_447 = arith.constant 2 : i32
      %mul3A_448 = arith.muli %mul3A_447, %scan3A_272 : i32
      %add3A_449 = arith.constant 0 : i32
      %add3A_450 = arith.addi %mul3A_448, %add3A_449 : i32
      %add3A_451 = arith.constant 2 : i32
      %add3A_452 = arith.addi %add3A_450, %add3A_451 : i32
      %lt3A = arith.constant 16 : i32
      %lt3A_453 = arith.cmpi slt, %add3A_452, %lt3A : i32
      %convert_element_type3A = arith.extui %lt3A_453 : i1 to i32
      %cond3A = arith.constant 0 : i32
      %cond3A_454 = arith.cmpi ne, %convert_element_type3A, %cond3A : i32
      scf.if %cond3A_454 {
        %add3A_640 = arith.constant 2 : i32
        %add3A_641 = arith.addi %add3A_276, %add3A_640 : i32
        %add3A_642 = arith.constant 0 : i32
        %add3A_643 = arith.addi %add3A_642, %mul3A_2 : i32
        %mul3A_644 = arith.constant 16 : i32
        %mul3A_645 = arith.muli %add3A_276, %mul3A_644 : i32
        %add3A_646 = arith.addi %add3A_643, %mul3A_645 : i32
        %mul3A_647 = arith.constant 768 : i32
        %mul3A_648 = arith.muli %add3A_646, %mul3A_647 : i32
        %dma_wait3A_649 = arith.constant 0 : i32
        %dma_wait3A_650 = arith.constant 0 : i32
        %dma_wait3A_651 = tpu.memref_slice %arg5[%dma_wait3A_650] : memref<98304xf32, #tpu.memory_space<vmem>> -> memref<12288xf32, #tpu.memory_space<vmem>>
        %dma_wait3A_652 = tpu.memref_slice %arg4[%mul3A_648] : memref<25165824xf32, #tpu.memory_space<hbm>> -> memref<12288xf32, #tpu.memory_space<hbm>>
        %dma_wait3A_653 = tpu.memref_slice %arg9[%dma_wait3A_649] : memref<8x!tpu.dma_semaphore, #tpu.memory_space<semaphore_mem>> -> memref<1x!tpu.dma_semaphore, #tpu.memory_space<semaphore_mem>>
        %dma_wait3A_654 = tpu.memref_squeeze %dma_wait3A_653 : memref<1x!tpu.dma_semaphore, #tpu.memory_space<semaphore_mem>> -> memref<!tpu.dma_semaphore, #tpu.memory_space<semaphore_mem>>
        %dma_wait3A_655 = tpu.memref_slice %arg4[%mul3A_648] : memref<25165824xf32, #tpu.memory_space<hbm>> -> memref<12288xf32, #tpu.memory_space<hbm>>
        %dma_wait3A_656 = arith.constant 0 : i32
        %dma_wait3A_657 = tpu.memref_slice %arg5[%dma_wait3A_656] : memref<98304xf32, #tpu.memory_space<vmem>> -> memref<12288xf32, #tpu.memory_space<vmem>>
        tpu.wait_dma2 semaphore(%dma_wait3A_654 : memref<!tpu.dma_semaphore, #tpu.memory_space<semaphore_mem>>) src(%dma_wait3A_657 : memref<12288xf32, #tpu.memory_space<vmem>>) dst(%dma_wait3A_655 : memref<12288xf32, #tpu.memory_space<hbm>>)
        %add3A_658 = arith.constant 0 : i32
        %add3A_659 = arith.addi %add3A_658, %mul3A_2 : i32
        %mul3A_660 = arith.constant 16 : i32
        %mul3A_661 = arith.muli %add3A_641, %mul3A_660 : i32
        %add3A_662 = arith.addi %add3A_659, %mul3A_661 : i32
        %mul3A_663 = arith.constant 768 : i32
        %mul3A_664 = arith.muli %add3A_662, %mul3A_663 : i32
        %dma_start3A_665 = arith.constant 0 : i32
        %dma_start3A_666 = arith.constant 0 : i32
        %dma_start3A_667 = tpu.memref_slice %arg5[%dma_start3A_666] : memref<98304xf32, #tpu.memory_space<vmem>> -> memref<12288xf32, #tpu.memory_space<vmem>>
        %dma_start3A_668 = tpu.memref_slice %arg2[%mul3A_664] : memref<25165824xf32, #tpu.memory_space<hbm>> -> memref<12288xf32, #tpu.memory_space<hbm>>
        %dma_start3A_669 = tpu.memref_slice %arg7[%dma_start3A_665] : memref<8x!tpu.dma_semaphore, #tpu.memory_space<semaphore_mem>> -> memref<1x!tpu.dma_semaphore, #tpu.memory_space<semaphore_mem>>
        %dma_start3A_670 = tpu.memref_squeeze %dma_start3A_669 : memref<1x!tpu.dma_semaphore, #tpu.memory_space<semaphore_mem>> -> memref<!tpu.dma_semaphore, #tpu.memory_space<semaphore_mem>>
        %dma_start3A_671 = arith.constant 0 : i32
        %dma_start3A_672 = tpu.memref_slice %arg5[%dma_start3A_671] : memref<98304xf32, #tpu.memory_space<vmem>> -> memref<12288xf32, #tpu.memory_space<vmem>>
        %dma_start3A_673 = tpu.memref_slice %arg2[%mul3A_664] : memref<25165824xf32, #tpu.memory_space<hbm>> -> memref<12288xf32, #tpu.memory_space<hbm>>
        tpu.enqueue_dma source(%dma_start3A_673 : memref<12288xf32, #tpu.memory_space<hbm>>) target(%dma_start3A_672 : memref<12288xf32, #tpu.memory_space<vmem>>) target_semaphore(%dma_start3A_670 : memref<!tpu.dma_semaphore, #tpu.memory_space<semaphore_mem>>)
        %add3A_674 = arith.constant 8192 : i32
        %add3A_675 = arith.addi %add3A_674, %mul3A_2 : i32
        %mul3A_676 = arith.constant 16 : i32
        %mul3A_677 = arith.muli %add3A_276, %mul3A_676 : i32
        %add3A_678 = arith.addi %add3A_675, %mul3A_677 : i32
        %mul3A_679 = arith.constant 768 : i32
        %mul3A_680 = arith.muli %add3A_678, %mul3A_679 : i32
        %dma_wait3A_681 = arith.constant 1 : i32
        %dma_wait3A_682 = arith.constant 12288 : i32
        %dma_wait3A_683 = tpu.memref_slice %arg5[%dma_wait3A_682] : memref<98304xf32, #tpu.memory_space<vmem>> -> memref<12288xf32, #tpu.memory_space<vmem>>
        %dma_wait3A_684 = tpu.memref_slice %arg4[%mul3A_680] : memref<25165824xf32, #tpu.memory_space<hbm>> -> memref<12288xf32, #tpu.memory_space<hbm>>
        %dma_wait3A_685 = tpu.memref_slice %arg9[%dma_wait3A_681] : memref<8x!tpu.dma_semaphore, #tpu.memory_space<semaphore_mem>> -> memref<1x!tpu.dma_semaphore, #tpu.memory_space<semaphore_mem>>
        %dma_wait3A_686 = tpu.memref_squeeze %dma_wait3A_685 : memref<1x!tpu.dma_semaphore, #tpu.memory_space<semaphore_mem>> -> memref<!tpu.dma_semaphore, #tpu.memory_space<semaphore_mem>>
        %dma_wait3A_687 = tpu.memref_slice %arg4[%mul3A_680] : memref<25165824xf32, #tpu.memory_space<hbm>> -> memref<12288xf32, #tpu.memory_space<hbm>>
        %dma_wait3A_688 = arith.constant 12288 : i32
        %dma_wait3A_689 = tpu.memref_slice %arg5[%dma_wait3A_688] : memref<98304xf32, #tpu.memory_space<vmem>> -> memref<12288xf32, #tpu.memory_space<vmem>>
        tpu.wait_dma2 semaphore(%dma_wait3A_686 : memref<!tpu.dma_semaphore, #tpu.memory_space<semaphore_mem>>) src(%dma_wait3A_689 : memref<12288xf32, #tpu.memory_space<vmem>>) dst(%dma_wait3A_687 : memref<12288xf32, #tpu.memory_space<hbm>>)
        %add3A_690 = arith.constant 8192 : i32
        %add3A_691 = arith.addi %add3A_690, %mul3A_2 : i32
        %mul3A_692 = arith.constant 16 : i32
        %mul3A_693 = arith.muli %add3A_641, %mul3A_692 : i32
        %add3A_694 = arith.addi %add3A_691, %mul3A_693 : i32
        %mul3A_695 = arith.constant 768 : i32
        %mul3A_696 = arith.muli %add3A_694, %mul3A_695 : i32
        %dma_start3A_697 = arith.constant 1 : i32
        %dma_start3A_698 = arith.constant 12288 : i32
        %dma_start3A_699 = tpu.memref_slice %arg5[%dma_start3A_698] : memref<98304xf32, #tpu.memory_space<vmem>> -> memref<12288xf32, #tpu.memory_space<vmem>>
        %dma_start3A_700 = tpu.memref_slice %arg2[%mul3A_696] : memref<25165824xf32, #tpu.memory_space<hbm>> -> memref<12288xf32, #tpu.memory_space<hbm>>
        %dma_start3A_701 = tpu.memref_slice %arg7[%dma_start3A_697] : memref<8x!tpu.dma_semaphore, #tpu.memory_space<semaphore_mem>> -> memref<1x!tpu.dma_semaphore, #tpu.memory_space<semaphore_mem>>
        %dma_start3A_702 = tpu.memref_squeeze %dma_start3A_701 : memref<1x!tpu.dma_semaphore, #tpu.memory_space<semaphore_mem>> -> memref<!tpu.dma_semaphore, #tpu.memory_space<semaphore_mem>>
        %dma_start3A_703 = arith.constant 12288 : i32
        %dma_start3A_704 = tpu.memref_slice %arg5[%dma_start3A_703] : memref<98304xf32, #tpu.memory_space<vmem>> -> memref<12288xf32, #tpu.memory_space<vmem>>
        %dma_start3A_705 = tpu.memref_slice %arg2[%mul3A_696] : memref<25165824xf32, #tpu.memory_space<hbm>> -> memref<12288xf32, #tpu.memory_space<hbm>>
        tpu.enqueue_dma source(%dma_start3A_705 : memref<12288xf32, #tpu.memory_space<hbm>>) target(%dma_start3A_704 : memref<12288xf32, #tpu.memory_space<vmem>>) target_semaphore(%dma_start3A_702 : memref<!tpu.dma_semaphore, #tpu.memory_space<semaphore_mem>>)
        %add3A_706 = arith.constant 16384 : i32
        %add3A_707 = arith.addi %add3A_706, %mul3A_2 : i32
        %mul3A_708 = arith.constant 16 : i32
        %mul3A_709 = arith.muli %add3A_276, %mul3A_708 : i32
        %add3A_710 = arith.addi %add3A_707, %mul3A_709 : i32
        %mul3A_711 = arith.constant 768 : i32
        %mul3A_712 = arith.muli %add3A_710, %mul3A_711 : i32
        %dma_wait3A_713 = arith.constant 2 : i32
        %dma_wait3A_714 = arith.constant 24576 : i32
        %dma_wait3A_715 = tpu.memref_slice %arg5[%dma_wait3A_714] : memref<98304xf32, #tpu.memory_space<vmem>> -> memref<12288xf32, #tpu.memory_space<vmem>>
        %dma_wait3A_716 = tpu.memref_slice %arg4[%mul3A_712] : memref<25165824xf32, #tpu.memory_space<hbm>> -> memref<12288xf32, #tpu.memory_space<hbm>>
        %dma_wait3A_717 = tpu.memref_slice %arg9[%dma_wait3A_713] : memref<8x!tpu.dma_semaphore, #tpu.memory_space<semaphore_mem>> -> memref<1x!tpu.dma_semaphore, #tpu.memory_space<semaphore_mem>>
        %dma_wait3A_718 = tpu.memref_squeeze %dma_wait3A_717 : memref<1x!tpu.dma_semaphore, #tpu.memory_space<semaphore_mem>> -> memref<!tpu.dma_semaphore, #tpu.memory_space<semaphore_mem>>
        %dma_wait3A_719 = tpu.memref_slice %arg4[%mul3A_712] : memref<25165824xf32, #tpu.memory_space<hbm>> -> memref<12288xf32, #tpu.memory_space<hbm>>
        %dma_wait3A_720 = arith.constant 24576 : i32
        %dma_wait3A_721 = tpu.memref_slice %arg5[%dma_wait3A_720] : memref<98304xf32, #tpu.memory_space<vmem>> -> memref<12288xf32, #tpu.memory_space<vmem>>
        tpu.wait_dma2 semaphore(%dma_wait3A_718 : memref<!tpu.dma_semaphore, #tpu.memory_space<semaphore_mem>>) src(%dma_wait3A_721 : memref<12288xf32, #tpu.memory_space<vmem>>) dst(%dma_wait3A_719 : memref<12288xf32, #tpu.memory_space<hbm>>)
        %add3A_722 = arith.constant 16384 : i32
        %add3A_723 = arith.addi %add3A_722, %mul3A_2 : i32
        %mul3A_724 = arith.constant 16 : i32
        %mul3A_725 = arith.muli %add3A_641, %mul3A_724 : i32
        %add3A_726 = arith.addi %add3A_723, %mul3A_725 : i32
        %mul3A_727 = arith.constant 768 : i32
        %mul3A_728 = arith.muli %add3A_726, %mul3A_727 : i32
        %dma_start3A_729 = arith.constant 2 : i32
        %dma_start3A_730 = arith.constant 24576 : i32
        %dma_start3A_731 = tpu.memref_slice %arg5[%dma_start3A_730] : memref<98304xf32, #tpu.memory_space<vmem>> -> memref<12288xf32, #tpu.memory_space<vmem>>
        %dma_start3A_732 = tpu.memref_slice %arg2[%mul3A_728] : memref<25165824xf32, #tpu.memory_space<hbm>> -> memref<12288xf32, #tpu.memory_space<hbm>>
        %dma_start3A_733 = tpu.memref_slice %arg7[%dma_start3A_729] : memref<8x!tpu.dma_semaphore, #tpu.memory_space<semaphore_mem>> -> memref<1x!tpu.dma_semaphore, #tpu.memory_space<semaphore_mem>>
        %dma_start3A_734 = tpu.memref_squeeze %dma_start3A_733 : memref<1x!tpu.dma_semaphore, #tpu.memory_space<semaphore_mem>> -> memref<!tpu.dma_semaphore, #tpu.memory_space<semaphore_mem>>
        %dma_start3A_735 = arith.constant 24576 : i32
        %dma_start3A_736 = tpu.memref_slice %arg5[%dma_start3A_735] : memref<98304xf32, #tpu.memory_space<vmem>> -> memref<12288xf32, #tpu.memory_space<vmem>>
        %dma_start3A_737 = tpu.memref_slice %arg2[%mul3A_728] : memref<25165824xf32, #tpu.memory_space<hbm>> -> memref<12288xf32, #tpu.memory_space<hbm>>
        tpu.enqueue_dma source(%dma_start3A_737 : memref<12288xf32, #tpu.memory_space<hbm>>) target(%dma_start3A_736 : memref<12288xf32, #tpu.memory_space<vmem>>) target_semaphore(%dma_start3A_734 : memref<!tpu.dma_semaphore, #tpu.memory_space<semaphore_mem>>)
        %add3A_738 = arith.constant 24576 : i32
        %add3A_739 = arith.addi %add3A_738, %mul3A_2 : i32
        %mul3A_740 = arith.constant 16 : i32
        %mul3A_741 = arith.muli %add3A_276, %mul3A_740 : i32
        %add3A_742 = arith.addi %add3A_739, %mul3A_741 : i32
        %mul3A_743 = arith.constant 768 : i32
        %mul3A_744 = arith.muli %add3A_742, %mul3A_743 : i32
        %dma_wait3A_745 = arith.constant 3 : i32
        %dma_wait3A_746 = arith.constant 36864 : i32
        %dma_wait3A_747 = tpu.memref_slice %arg5[%dma_wait3A_746] : memref<98304xf32, #tpu.memory_space<vmem>> -> memref<12288xf32, #tpu.memory_space<vmem>>
        %dma_wait3A_748 = tpu.memref_slice %arg4[%mul3A_744] : memref<25165824xf32, #tpu.memory_space<hbm>> -> memref<12288xf32, #tpu.memory_space<hbm>>
        %dma_wait3A_749 = tpu.memref_slice %arg9[%dma_wait3A_745] : memref<8x!tpu.dma_semaphore, #tpu.memory_space<semaphore_mem>> -> memref<1x!tpu.dma_semaphore, #tpu.memory_space<semaphore_mem>>
        %dma_wait3A_750 = tpu.memref_squeeze %dma_wait3A_749 : memref<1x!tpu.dma_semaphore, #tpu.memory_space<semaphore_mem>> -> memref<!tpu.dma_semaphore, #tpu.memory_space<semaphore_mem>>
        %dma_wait3A_751 = tpu.memref_slice %arg4[%mul3A_744] : memref<25165824xf32, #tpu.memory_space<hbm>> -> memref<12288xf32, #tpu.memory_space<hbm>>
        %dma_wait3A_752 = arith.constant 36864 : i32
        %dma_wait3A_753 = tpu.memref_slice %arg5[%dma_wait3A_752] : memref<98304xf32, #tpu.memory_space<vmem>> -> memref<12288xf32, #tpu.memory_space<vmem>>
        tpu.wait_dma2 semaphore(%dma_wait3A_750 : memref<!tpu.dma_semaphore, #tpu.memory_space<semaphore_mem>>) src(%dma_wait3A_753 : memref<12288xf32, #tpu.memory_space<vmem>>) dst(%dma_wait3A_751 : memref<12288xf32, #tpu.memory_space<hbm>>)
        %add3A_754 = arith.constant 24576 : i32
        %add3A_755 = arith.addi %add3A_754, %mul3A_2 : i32
        %mul3A_756 = arith.constant 16 : i32
        %mul3A_757 = arith.muli %add3A_641, %mul3A_756 : i32
        %add3A_758 = arith.addi %add3A_755, %mul3A_757 : i32
        %mul3A_759 = arith.constant 768 : i32
        %mul3A_760 = arith.muli %add3A_758, %mul3A_759 : i32
        %dma_start3A_761 = arith.constant 3 : i32
        %dma_start3A_762 = arith.constant 36864 : i32
        %dma_start3A_763 = tpu.memref_slice %arg5[%dma_start3A_762] : memref<98304xf32, #tpu.memory_space<vmem>> -> memref<12288xf32, #tpu.memory_space<vmem>>
        %dma_start3A_764 = tpu.memref_slice %arg2[%mul3A_760] : memref<25165824xf32, #tpu.memory_space<hbm>> -> memref<12288xf32, #tpu.memory_space<hbm>>
        %dma_start3A_765 = tpu.memref_slice %arg7[%dma_start3A_761] : memref<8x!tpu.dma_semaphore, #tpu.memory_space<semaphore_mem>> -> memref<1x!tpu.dma_semaphore, #tpu.memory_space<semaphore_mem>>
        %dma_start3A_766 = tpu.memref_squeeze %dma_start3A_765 : memref<1x!tpu.dma_semaphore, #tpu.memory_space<semaphore_mem>> -> memref<!tpu.dma_semaphore, #tpu.memory_space<semaphore_mem>>
        %dma_start3A_767 = arith.constant 36864 : i32
        %dma_start3A_768 = tpu.memref_slice %arg5[%dma_start3A_767] : memref<98304xf32, #tpu.memory_space<vmem>> -> memref<12288xf32, #tpu.memory_space<vmem>>
        %dma_start3A_769 = tpu.memref_slice %arg2[%mul3A_760] : memref<25165824xf32, #tpu.memory_space<hbm>> -> memref<12288xf32, #tpu.memory_space<hbm>>
        tpu.enqueue_dma source(%dma_start3A_769 : memref<12288xf32, #tpu.memory_space<hbm>>) target(%dma_start3A_768 : memref<12288xf32, #tpu.memory_space<vmem>>) target_semaphore(%dma_start3A_766 : memref<!tpu.dma_semaphore, #tpu.memory_space<semaphore_mem>>)
        %mul3A_770 = arith.constant 16 : i32
        %mul3A_771 = arith.muli %add3A_641, %mul3A_770 : i32
        %add3A_772 = arith.addi %mul3A_2, %mul3A_771 : i32
        %mul3A_773 = arith.constant 768 : i32
        %mul3A_774 = arith.muli %add3A_772, %mul3A_773 : i32
        %dma_start3A_775 = arith.constant 0 : i32
        %dma_start3A_776 = arith.constant 0 : i32
        %dma_start3A_777 = tpu.memref_slice %arg6[%dma_start3A_776] : memref<24576xf32, #tpu.memory_space<vmem>> -> memref<12288xf32, #tpu.memory_space<vmem>>
        %dma_start3A_778 = tpu.memref_slice %arg3[%mul3A_774] : memref<6291456xf32, #tpu.memory_space<hbm>> -> memref<12288xf32, #tpu.memory_space<hbm>>
        %dma_start3A_779 = tpu.memref_slice %arg8[%dma_start3A_775] : memref<2x!tpu.dma_semaphore, #tpu.memory_space<semaphore_mem>> -> memref<1x!tpu.dma_semaphore, #tpu.memory_space<semaphore_mem>>
        %dma_start3A_780 = tpu.memref_squeeze %dma_start3A_779 : memref<1x!tpu.dma_semaphore, #tpu.memory_space<semaphore_mem>> -> memref<!tpu.dma_semaphore, #tpu.memory_space<semaphore_mem>>
        %dma_start3A_781 = arith.constant 0 : i32
        %dma_start3A_782 = tpu.memref_slice %arg6[%dma_start3A_781] : memref<24576xf32, #tpu.memory_space<vmem>> -> memref<12288xf32, #tpu.memory_space<vmem>>
        %dma_start3A_783 = tpu.memref_slice %arg3[%mul3A_774] : memref<6291456xf32, #tpu.memory_space<hbm>> -> memref<12288xf32, #tpu.memory_space<hbm>>
        tpu.enqueue_dma source(%dma_start3A_783 : memref<12288xf32, #tpu.memory_space<hbm>>) target(%dma_start3A_782 : memref<12288xf32, #tpu.memory_space<vmem>>) target_semaphore(%dma_start3A_780 : memref<!tpu.dma_semaphore, #tpu.memory_space<semaphore_mem>>)
      } else {
      }
      %mul3A_455 = arith.constant 2 : i32
      %mul3A_456 = arith.muli %mul3A_455, %scan3A_272 : i32
      %add3A_457 = arith.constant 1 : i32
      %add3A_458 = arith.addi %mul3A_456, %add3A_457 : i32
      %mul3A_459 = arith.constant 16 : i32
      %mul3A_460 = arith.muli %add3A_458, %mul3A_459 : i32
      %add3A_461 = arith.addi %mul3A_2, %mul3A_460 : i32
      %mul3A_462 = arith.constant 768 : i32
      %mul3A_463 = arith.muli %add3A_461, %mul3A_462 : i32
      %dma_wait3A_464 = arith.constant 1 : i32
      %dma_wait3A_465 = arith.constant 12288 : i32
      %dma_wait3A_466 = tpu.memref_slice %arg6[%dma_wait3A_465] : memref<24576xf32, #tpu.memory_space<vmem>> -> memref<12288xf32, #tpu.memory_space<vmem>>
      %dma_wait3A_467 = tpu.memref_slice %arg3[%mul3A_463] : memref<6291456xf32, #tpu.memory_space<hbm>> -> memref<12288xf32, #tpu.memory_space<hbm>>
      %dma_wait3A_468 = tpu.memref_slice %arg8[%dma_wait3A_464] : memref<2x!tpu.dma_semaphore, #tpu.memory_space<semaphore_mem>> -> memref<1x!tpu.dma_semaphore, #tpu.memory_space<semaphore_mem>>
      %dma_wait3A_469 = tpu.memref_squeeze %dma_wait3A_468 : memref<1x!tpu.dma_semaphore, #tpu.memory_space<semaphore_mem>> -> memref<!tpu.dma_semaphore, #tpu.memory_space<semaphore_mem>>
      %dma_wait3A_470 = arith.constant 12288 : i32
      %dma_wait3A_471 = tpu.memref_slice %arg6[%dma_wait3A_470] : memref<24576xf32, #tpu.memory_space<vmem>> -> memref<12288xf32, #tpu.memory_space<vmem>>
      %dma_wait3A_472 = tpu.memref_slice %arg3[%mul3A_463] : memref<6291456xf32, #tpu.memory_space<hbm>> -> memref<12288xf32, #tpu.memory_space<hbm>>
      tpu.wait_dma2 semaphore(%dma_wait3A_469 : memref<!tpu.dma_semaphore, #tpu.memory_space<semaphore_mem>>) src(%dma_wait3A_472 : memref<12288xf32, #tpu.memory_space<hbm>>) dst(%dma_wait3A_471 : memref<12288xf32, #tpu.memory_space<vmem>>)
      %add3A_473 = arith.constant 0 : i32
      %add3A_474 = arith.addi %add3A_473, %mul3A_2 : i32
      %mul3A_475 = arith.constant 16 : i32
      %mul3A_476 = arith.muli %add3A_458, %mul3A_475 : i32
      %add3A_477 = arith.addi %add3A_474, %mul3A_476 : i32
      %mul3A_478 = arith.constant 768 : i32
      %mul3A_479 = arith.muli %add3A_477, %mul3A_478 : i32
      %dma_wait3A_480 = arith.constant 4 : i32
      %dma_wait3A_481 = arith.constant 49152 : i32
      %dma_wait3A_482 = tpu.memref_slice %arg5[%dma_wait3A_481] : memref<98304xf32, #tpu.memory_space<vmem>> -> memref<12288xf32, #tpu.memory_space<vmem>>
      %dma_wait3A_483 = tpu.memref_slice %arg2[%mul3A_479] : memref<25165824xf32, #tpu.memory_space<hbm>> -> memref<12288xf32, #tpu.memory_space<hbm>>
      %dma_wait3A_484 = tpu.memref_slice %arg7[%dma_wait3A_480] : memref<8x!tpu.dma_semaphore, #tpu.memory_space<semaphore_mem>> -> memref<1x!tpu.dma_semaphore, #tpu.memory_space<semaphore_mem>>
      %dma_wait3A_485 = tpu.memref_squeeze %dma_wait3A_484 : memref<1x!tpu.dma_semaphore, #tpu.memory_space<semaphore_mem>> -> memref<!tpu.dma_semaphore, #tpu.memory_space<semaphore_mem>>
      %dma_wait3A_486 = arith.constant 49152 : i32
      %dma_wait3A_487 = tpu.memref_slice %arg5[%dma_wait3A_486] : memref<98304xf32, #tpu.memory_space<vmem>> -> memref<12288xf32, #tpu.memory_space<vmem>>
      %dma_wait3A_488 = tpu.memref_slice %arg2[%mul3A_479] : memref<25165824xf32, #tpu.memory_space<hbm>> -> memref<12288xf32, #tpu.memory_space<hbm>>
      tpu.wait_dma2 semaphore(%dma_wait3A_485 : memref<!tpu.dma_semaphore, #tpu.memory_space<semaphore_mem>>) src(%dma_wait3A_488 : memref<12288xf32, #tpu.memory_space<hbm>>) dst(%dma_wait3A_487 : memref<12288xf32, #tpu.memory_space<vmem>>)
      %scan3A_489 = arith.constant 0 : i32
      %scan3A_490 = arith.constant 0 : i32
      %scan3A_491 = arith.constant 768 : i32
      %scan3A_492 = arith.addi %scan3A_490, %scan3A_491 : i32
      %scan3A_493 = arith.constant 8 : i32
      %scan3A_494 = scf.for %scan3A_640 = %scan3A_490 to %scan3A_492 step %scan3A_493 iter_args(%scan3A_641 = %scan3A_489) -> (i32)  : i32 {
        %mul3A_642 = arith.constant 16 : i32
        %mul3A_643 = arith.muli %scan3A_640, %mul3A_642 : i32
        %add3A_644 = arith.constant 49152 : i32
        %add3A_645 = arith.addi %add3A_644, %mul3A_643 : i32
        %mul3A_646 = arith.constant 16 : i32
        %mul3A_647 = arith.muli %scan3A_640, %mul3A_646 : i32
        %add3A_648 = arith.constant 12288 : i32
        %add3A_649 = arith.addi %add3A_648, %mul3A_647 : i32
        %get3A = arith.index_cast %add3A_645 : i32 to index
        %get3A_650 = tpu.vector_load %arg5[%get3A] {strides = array<i32>} : memref<98304xf32, #tpu.memory_space<vmem>>, vector<16xf32>,
        %get3A_651 = vector.shape_cast %get3A_650 : vector<16xf32> to vector<16xf32>
        %get3A_652 = arith.index_cast %add3A_649 : i32 to index
        %get3A_653 = tpu.vector_load %arg6[%get3A_652] {strides = array<i32>} : memref<24576xf32, #tpu.memory_space<vmem>>, vector<16xf32>,
        %get3A_654 = vector.shape_cast %get3A_653 : vector<16xf32> to vector<16xf32>
        %add3A_655 = arith.addf %get3A_651, %get3A_654 : vector<16xf32>
        %swap3A = arith.index_cast %add3A_645 : i32 to index
        %swap3A_656 = tpu.vector_load %arg5[%swap3A] {strides = array<i32>} : memref<98304xf32, #tpu.memory_space<vmem>>, vector<16xf32>,
        %swap3A_657 = vector.shape_cast %swap3A_656 : vector<16xf32> to vector<16xf32>
        %swap3A_658 = vector.shape_cast %add3A_655 : vector<16xf32> to vector<16xf32>
        tpu.vector_store %arg5[%swap3A], %swap3A_658 {strides = array<i32>} : memref<98304xf32, #tpu.memory_space<vmem>>, vector<16xf32>,
        %scan3A_659 = arith.constant 0 : i32
        %scan3A_660 = arith.constant 1 : i32
        %scan3A_661 = arith.addi %scan3A_640, %scan3A_660 : i32
        %mul3A_662 = arith.constant 16 : i32
        %mul3A_663 = arith.muli %scan3A_661, %mul3A_662 : i32
        %add3A_664 = arith.constant 49152 : i32
        %add3A_665 = arith.addi %add3A_664, %mul3A_663 : i32
        %mul3A_666 = arith.constant 16 : i32
        %mul3A_667 = arith.muli %scan3A_661, %mul3A_666 : i32
        %add3A_668 = arith.constant 12288 : i32
        %add3A_669 = arith.addi %add3A_668, %mul3A_667 : i32
        %get3A_670 = arith.index_cast %add3A_665 : i32 to index
        %get3A_671 = tpu.vector_load %arg5[%get3A_670] {strides = array<i32>} : memref<98304xf32, #tpu.memory_space<vmem>>, vector<16xf32>,
        %get3A_672 = vector.shape_cast %get3A_671 : vector<16xf32> to vector<16xf32>
        %get3A_673 = arith.index_cast %add3A_669 : i32 to index
        %get3A_674 = tpu.vector_load %arg6[%get3A_673] {strides = array<i32>} : memref<24576xf32, #tpu.memory_space<vmem>>, vector<16xf32>,
        %get3A_675 = vector.shape_cast %get3A_674 : vector<16xf32> to vector<16xf32>
        %add3A_676 = arith.addf %get3A_672, %get3A_675 : vector<16xf32>
        %swap3A_677 = arith.index_cast %add3A_665 : i32 to index
        %swap3A_678 = tpu.vector_load %arg5[%swap3A_677] {strides = array<i32>} : memref<98304xf32, #tpu.memory_space<vmem>>, vector<16xf32>,
        %swap3A_679 = vector.shape_cast %swap3A_678 : vector<16xf32> to vector<16xf32>
        %swap3A_680 = vector.shape_cast %add3A_676 : vector<16xf32> to vector<16xf32>
        tpu.vector_store %arg5[%swap3A_677], %swap3A_680 {strides = array<i32>} : memref<98304xf32, #tpu.memory_space<vmem>>, vector<16xf32>,
        %scan3A_681 = arith.constant 0 : i32
        %scan3A_682 = arith.constant 2 : i32
        %scan3A_683 = arith.addi %scan3A_640, %scan3A_682 : i32
        %mul3A_684 = arith.constant 16 : i32
        %mul3A_685 = arith.muli %scan3A_683, %mul3A_684 : i32
        %add3A_686 = arith.constant 49152 : i32
        %add3A_687 = arith.addi %add3A_686, %mul3A_685 : i32
        %mul3A_688 = arith.constant 16 : i32
        %mul3A_689 = arith.muli %scan3A_683, %mul3A_688 : i32
        %add3A_690 = arith.constant 12288 : i32
        %add3A_691 = arith.addi %add3A_690, %mul3A_689 : i32
        %get3A_692 = arith.index_cast %add3A_687 : i32 to index
        %get3A_693 = tpu.vector_load %arg5[%get3A_692] {strides = array<i32>} : memref<98304xf32, #tpu.memory_space<vmem>>, vector<16xf32>,
        %get3A_694 = vector.shape_cast %get3A_693 : vector<16xf32> to vector<16xf32>
        %get3A_695 = arith.index_cast %add3A_691 : i32 to index
        %get3A_696 = tpu.vector_load %arg6[%get3A_695] {strides = array<i32>} : memref<24576xf32, #tpu.memory_space<vmem>>, vector<16xf32>,
        %get3A_697 = vector.shape_cast %get3A_696 : vector<16xf32> to vector<16xf32>
        %add3A_698 = arith.addf %get3A_694, %get3A_697 : vector<16xf32>
        %swap3A_699 = arith.index_cast %add3A_687 : i32 to index
        %swap3A_700 = tpu.vector_load %arg5[%swap3A_699] {strides = array<i32>} : memref<98304xf32, #tpu.memory_space<vmem>>, vector<16xf32>,
        %swap3A_701 = vector.shape_cast %swap3A_700 : vector<16xf32> to vector<16xf32>
        %swap3A_702 = vector.shape_cast %add3A_698 : vector<16xf32> to vector<16xf32>
        tpu.vector_store %arg5[%swap3A_699], %swap3A_702 {strides = array<i32>} : memref<98304xf32, #tpu.memory_space<vmem>>, vector<16xf32>,
        %scan3A_703 = arith.constant 0 : i32
        %scan3A_704 = arith.constant 3 : i32
        %scan3A_705 = arith.addi %scan3A_640, %scan3A_704 : i32
        %mul3A_706 = arith.constant 16 : i32
        %mul3A_707 = arith.muli %scan3A_705, %mul3A_706 : i32
        %add3A_708 = arith.constant 49152 : i32
        %add3A_709 = arith.addi %add3A_708, %mul3A_707 : i32
        %mul3A_710 = arith.constant 16 : i32
        %mul3A_711 = arith.muli %scan3A_705, %mul3A_710 : i32
        %add3A_712 = arith.constant 12288 : i32
        %add3A_713 = arith.addi %add3A_712, %mul3A_711 : i32
        %get3A_714 = arith.index_cast %add3A_709 : i32 to index
        %get3A_715 = tpu.vector_load %arg5[%get3A_714] {strides = array<i32>} : memref<98304xf32, #tpu.memory_space<vmem>>, vector<16xf32>,
        %get3A_716 = vector.shape_cast %get3A_715 : vector<16xf32> to vector<16xf32>
        %get3A_717 = arith.index_cast %add3A_713 : i32 to index
        %get3A_718 = tpu.vector_load %arg6[%get3A_717] {strides = array<i32>} : memref<24576xf32, #tpu.memory_space<vmem>>, vector<16xf32>,
        %get3A_719 = vector.shape_cast %get3A_718 : vector<16xf32> to vector<16xf32>
        %add3A_720 = arith.addf %get3A_716, %get3A_719 : vector<16xf32>
        %swap3A_721 = arith.index_cast %add3A_709 : i32 to index
        %swap3A_722 = tpu.vector_load %arg5[%swap3A_721] {strides = array<i32>} : memref<98304xf32, #tpu.memory_space<vmem>>, vector<16xf32>,
        %swap3A_723 = vector.shape_cast %swap3A_722 : vector<16xf32> to vector<16xf32>
        %swap3A_724 = vector.shape_cast %add3A_720 : vector<16xf32> to vector<16xf32>
        tpu.vector_store %arg5[%swap3A_721], %swap3A_724 {strides = array<i32>} : memref<98304xf32, #tpu.memory_space<vmem>>, vector<16xf32>,
        %scan3A_725 = arith.constant 0 : i32
        %scan3A_726 = arith.constant 4 : i32
        %scan3A_727 = arith.addi %scan3A_640, %scan3A_726 : i32
        %mul3A_728 = arith.constant 16 : i32
        %mul3A_729 = arith.muli %scan3A_727, %mul3A_728 : i32
        %add3A_730 = arith.constant 49152 : i32
        %add3A_731 = arith.addi %add3A_730, %mul3A_729 : i32
        %mul3A_732 = arith.constant 16 : i32
        %mul3A_733 = arith.muli %scan3A_727, %mul3A_732 : i32
        %add3A_734 = arith.constant 12288 : i32
        %add3A_735 = arith.addi %add3A_734, %mul3A_733 : i32
        %get3A_736 = arith.index_cast %add3A_731 : i32 to index
        %get3A_737 = tpu.vector_load %arg5[%get3A_736] {strides = array<i32>} : memref<98304xf32, #tpu.memory_space<vmem>>, vector<16xf32>,
        %get3A_738 = vector.shape_cast %get3A_737 : vector<16xf32> to vector<16xf32>
        %get3A_739 = arith.index_cast %add3A_735 : i32 to index
        %get3A_740 = tpu.vector_load %arg6[%get3A_739] {strides = array<i32>} : memref<24576xf32, #tpu.memory_space<vmem>>, vector<16xf32>,
        %get3A_741 = vector.shape_cast %get3A_740 : vector<16xf32> to vector<16xf32>
        %add3A_742 = arith.addf %get3A_738, %get3A_741 : vector<16xf32>
        %swap3A_743 = arith.index_cast %add3A_731 : i32 to index
        %swap3A_744 = tpu.vector_load %arg5[%swap3A_743] {strides = array<i32>} : memref<98304xf32, #tpu.memory_space<vmem>>, vector<16xf32>,
        %swap3A_745 = vector.shape_cast %swap3A_744 : vector<16xf32> to vector<16xf32>
        %swap3A_746 = vector.shape_cast %add3A_742 : vector<16xf32> to vector<16xf32>
        tpu.vector_store %arg5[%swap3A_743], %swap3A_746 {strides = array<i32>} : memref<98304xf32, #tpu.memory_space<vmem>>, vector<16xf32>,
        %scan3A_747 = arith.constant 0 : i32
        %scan3A_748 = arith.constant 5 : i32
        %scan3A_749 = arith.addi %scan3A_640, %scan3A_748 : i32
        %mul3A_750 = arith.constant 16 : i32
        %mul3A_751 = arith.muli %scan3A_749, %mul3A_750 : i32
        %add3A_752 = arith.constant 49152 : i32
        %add3A_753 = arith.addi %add3A_752, %mul3A_751 : i32
        %mul3A_754 = arith.constant 16 : i32
        %mul3A_755 = arith.muli %scan3A_749, %mul3A_754 : i32
        %add3A_756 = arith.constant 12288 : i32
        %add3A_757 = arith.addi %add3A_756, %mul3A_755 : i32
        %get3A_758 = arith.index_cast %add3A_753 : i32 to index
        %get3A_759 = tpu.vector_load %arg5[%get3A_758] {strides = array<i32>} : memref<98304xf32, #tpu.memory_space<vmem>>, vector<16xf32>,
        %get3A_760 = vector.shape_cast %get3A_759 : vector<16xf32> to vector<16xf32>
        %get3A_761 = arith.index_cast %add3A_757 : i32 to index
        %get3A_762 = tpu.vector_load %arg6[%get3A_761] {strides = array<i32>} : memref<24576xf32, #tpu.memory_space<vmem>>, vector<16xf32>,
        %get3A_763 = vector.shape_cast %get3A_762 : vector<16xf32> to vector<16xf32>
        %add3A_764 = arith.addf %get3A_760, %get3A_763 : vector<16xf32>
        %swap3A_765 = arith.index_cast %add3A_753 : i32 to index
        %swap3A_766 = tpu.vector_load %arg5[%swap3A_765] {strides = array<i32>} : memref<98304xf32, #tpu.memory_space<vmem>>, vector<16xf32>,
        %swap3A_767 = vector.shape_cast %swap3A_766 : vector<16xf32> to vector<16xf32>
        %swap3A_768 = vector.shape_cast %add3A_764 : vector<16xf32> to vector<16xf32>
        tpu.vector_store %arg5[%swap3A_765], %swap3A_768 {strides = array<i32>} : memref<98304xf32, #tpu.memory_space<vmem>>, vector<16xf32>,
        %scan3A_769 = arith.constant 0 : i32
        %scan3A_770 = arith.constant 6 : i32
        %scan3A_771 = arith.addi %scan3A_640, %scan3A_770 : i32
        %mul3A_772 = arith.constant 16 : i32
        %mul3A_773 = arith.muli %scan3A_771, %mul3A_772 : i32
        %add3A_774 = arith.constant 49152 : i32
        %add3A_775 = arith.addi %add3A_774, %mul3A_773 : i32
        %mul3A_776 = arith.constant 16 : i32
        %mul3A_777 = arith.muli %scan3A_771, %mul3A_776 : i32
        %add3A_778 = arith.constant 12288 : i32
        %add3A_779 = arith.addi %add3A_778, %mul3A_777 : i32
        %get3A_780 = arith.index_cast %add3A_775 : i32 to index
        %get3A_781 = tpu.vector_load %arg5[%get3A_780] {strides = array<i32>} : memref<98304xf32, #tpu.memory_space<vmem>>, vector<16xf32>,
        %get3A_782 = vector.shape_cast %get3A_781 : vector<16xf32> to vector<16xf32>
        %get3A_783 = arith.index_cast %add3A_779 : i32 to index
        %get3A_784 = tpu.vector_load %arg6[%get3A_783] {strides = array<i32>} : memref<24576xf32, #tpu.memory_space<vmem>>, vector<16xf32>,
        %get3A_785 = vector.shape_cast %get3A_784 : vector<16xf32> to vector<16xf32>
        %add3A_786 = arith.addf %get3A_782, %get3A_785 : vector<16xf32>
        %swap3A_787 = arith.index_cast %add3A_775 : i32 to index
        %swap3A_788 = tpu.vector_load %arg5[%swap3A_787] {strides = array<i32>} : memref<98304xf32, #tpu.memory_space<vmem>>, vector<16xf32>,
        %swap3A_789 = vector.shape_cast %swap3A_788 : vector<16xf32> to vector<16xf32>
        %swap3A_790 = vector.shape_cast %add3A_786 : vector<16xf32> to vector<16xf32>
        tpu.vector_store %arg5[%swap3A_787], %swap3A_790 {strides = array<i32>} : memref<98304xf32, #tpu.memory_space<vmem>>, vector<16xf32>,
        %scan3A_791 = arith.constant 0 : i32
        %scan3A_792 = arith.constant 7 : i32
        %scan3A_793 = arith.addi %scan3A_640, %scan3A_792 : i32
        %mul3A_794 = arith.constant 16 : i32
        %mul3A_795 = arith.muli %scan3A_793, %mul3A_794 : i32
        %add3A_796 = arith.constant 49152 : i32
        %add3A_797 = arith.addi %add3A_796, %mul3A_795 : i32
        %mul3A_798 = arith.constant 16 : i32
        %mul3A_799 = arith.muli %scan3A_793, %mul3A_798 : i32
        %add3A_800 = arith.constant 12288 : i32
        %add3A_801 = arith.addi %add3A_800, %mul3A_799 : i32
        %get3A_802 = arith.index_cast %add3A_797 : i32 to index
        %get3A_803 = tpu.vector_load %arg5[%get3A_802] {strides = array<i32>} : memref<98304xf32, #tpu.memory_space<vmem>>, vector<16xf32>,
        %get3A_804 = vector.shape_cast %get3A_803 : vector<16xf32> to vector<16xf32>
        %get3A_805 = arith.index_cast %add3A_801 : i32 to index
        %get3A_806 = tpu.vector_load %arg6[%get3A_805] {strides = array<i32>} : memref<24576xf32, #tpu.memory_space<vmem>>, vector<16xf32>,
        %get3A_807 = vector.shape_cast %get3A_806 : vector<16xf32> to vector<16xf32>
        %add3A_808 = arith.addf %get3A_804, %get3A_807 : vector<16xf32>
        %swap3A_809 = arith.index_cast %add3A_797 : i32 to index
        %swap3A_810 = tpu.vector_load %arg5[%swap3A_809] {strides = array<i32>} : memref<98304xf32, #tpu.memory_space<vmem>>, vector<16xf32>,
        %swap3A_811 = vector.shape_cast %swap3A_810 : vector<16xf32> to vector<16xf32>
        %swap3A_812 = vector.shape_cast %add3A_808 : vector<16xf32> to vector<16xf32>
        tpu.vector_store %arg5[%swap3A_809], %swap3A_812 {strides = array<i32>} : memref<98304xf32, #tpu.memory_space<vmem>>, vector<16xf32>,
        %scan3A_813 = arith.constant 0 : i32
        scf.yield %scan3A_813 : i32
      }
      %scan3A_495 = arith.constant 768 : i32
      %add3A_496 = arith.constant 0 : i32
      %add3A_497 = arith.addi %add3A_496, %mul3A_2 : i32
      %mul3A_498 = arith.constant 16 : i32
      %mul3A_499 = arith.muli %add3A_458, %mul3A_498 : i32
      %add3A_500 = arith.addi %add3A_497, %mul3A_499 : i32
      %mul3A_501 = arith.constant 768 : i32
      %mul3A_502 = arith.muli %add3A_500, %mul3A_501 : i32
      %dma_start3A_503 = arith.constant 4 : i32
      %dma_start3A_504 = arith.constant 49152 : i32
      %dma_start3A_505 = tpu.memref_slice %arg5[%dma_start3A_504] : memref<98304xf32, #tpu.memory_space<vmem>> -> memref<12288xf32, #tpu.memory_space<vmem>>
      %dma_start3A_506 = tpu.memref_slice %arg4[%mul3A_502] : memref<25165824xf32, #tpu.memory_space<hbm>> -> memref<12288xf32, #tpu.memory_space<hbm>>
      %dma_start3A_507 = tpu.memref_slice %arg9[%dma_start3A_503] : memref<8x!tpu.dma_semaphore, #tpu.memory_space<semaphore_mem>> -> memref<1x!tpu.dma_semaphore, #tpu.memory_space<semaphore_mem>>
      %dma_start3A_508 = tpu.memref_squeeze %dma_start3A_507 : memref<1x!tpu.dma_semaphore, #tpu.memory_space<semaphore_mem>> -> memref<!tpu.dma_semaphore, #tpu.memory_space<semaphore_mem>>
      %dma_start3A_509 = tpu.memref_slice %arg4[%mul3A_502] : memref<25165824xf32, #tpu.memory_space<hbm>> -> memref<12288xf32, #tpu.memory_space<hbm>>
      %dma_start3A_510 = arith.constant 49152 : i32
      %dma_start3A_511 = tpu.memref_slice %arg5[%dma_start3A_510] : memref<98304xf32, #tpu.memory_space<vmem>> -> memref<12288xf32, #tpu.memory_space<vmem>>
      tpu.enqueue_dma source(%dma_start3A_511 : memref<12288xf32, #tpu.memory_space<vmem>>) target(%dma_start3A_509 : memref<12288xf32, #tpu.memory_space<hbm>>) target_semaphore(%dma_start3A_508 : memref<!tpu.dma_semaphore, #tpu.memory_space<semaphore_mem>>)
      %add3A_512 = arith.constant 8192 : i32
      %add3A_513 = arith.addi %add3A_512, %mul3A_2 : i32
      %mul3A_514 = arith.constant 16 : i32
      %mul3A_515 = arith.muli %add3A_458, %mul3A_514 : i32
      %add3A_516 = arith.addi %add3A_513, %mul3A_515 : i32
      %mul3A_517 = arith.constant 768 : i32
      %mul3A_518 = arith.muli %add3A_516, %mul3A_517 : i32
      %dma_wait3A_519 = arith.constant 5 : i32
      %dma_wait3A_520 = arith.constant 61440 : i32
      %dma_wait3A_521 = tpu.memref_slice %arg5[%dma_wait3A_520] : memref<98304xf32, #tpu.memory_space<vmem>> -> memref<12288xf32, #tpu.memory_space<vmem>>
      %dma_wait3A_522 = tpu.memref_slice %arg2[%mul3A_518] : memref<25165824xf32, #tpu.memory_space<hbm>> -> memref<12288xf32, #tpu.memory_space<hbm>>
      %dma_wait3A_523 = tpu.memref_slice %arg7[%dma_wait3A_519] : memref<8x!tpu.dma_semaphore, #tpu.memory_space<semaphore_mem>> -> memref<1x!tpu.dma_semaphore, #tpu.memory_space<semaphore_mem>>
      %dma_wait3A_524 = tpu.memref_squeeze %dma_wait3A_523 : memref<1x!tpu.dma_semaphore, #tpu.memory_space<semaphore_mem>> -> memref<!tpu.dma_semaphore, #tpu.memory_space<semaphore_mem>>
      %dma_wait3A_525 = arith.constant 61440 : i32
      %dma_wait3A_526 = tpu.memref_slice %arg5[%dma_wait3A_525] : memref<98304xf32, #tpu.memory_space<vmem>> -> memref<12288xf32, #tpu.memory_space<vmem>>
      %dma_wait3A_527 = tpu.memref_slice %arg2[%mul3A_518] : memref<25165824xf32, #tpu.memory_space<hbm>> -> memref<12288xf32, #tpu.memory_space<hbm>>
      tpu.wait_dma2 semaphore(%dma_wait3A_524 : memref<!tpu.dma_semaphore, #tpu.memory_space<semaphore_mem>>) src(%dma_wait3A_527 : memref<12288xf32, #tpu.memory_space<hbm>>) dst(%dma_wait3A_526 : memref<12288xf32, #tpu.memory_space<vmem>>)
      %scan3A_528 = arith.constant 0 : i32
      %scan3A_529 = arith.constant 0 : i32
      %scan3A_530 = arith.constant 768 : i32
      %scan3A_531 = arith.addi %scan3A_529, %scan3A_530 : i32
      %scan3A_532 = arith.constant 8 : i32
      %scan3A_533 = scf.for %scan3A_640 = %scan3A_529 to %scan3A_531 step %scan3A_532 iter_args(%scan3A_641 = %scan3A_528) -> (i32)  : i32 {
        %mul3A_642 = arith.constant 16 : i32
        %mul3A_643 = arith.muli %scan3A_640, %mul3A_642 : i32
        %add3A_644 = arith.constant 61440 : i32
        %add3A_645 = arith.addi %add3A_644, %mul3A_643 : i32
        %mul3A_646 = arith.constant 16 : i32
        %mul3A_647 = arith.muli %scan3A_640, %mul3A_646 : i32
        %add3A_648 = arith.constant 12288 : i32
        %add3A_649 = arith.addi %add3A_648, %mul3A_647 : i32
        %get3A = arith.index_cast %add3A_645 : i32 to index
        %get3A_650 = tpu.vector_load %arg5[%get3A] {strides = array<i32>} : memref<98304xf32, #tpu.memory_space<vmem>>, vector<16xf32>,
        %get3A_651 = vector.shape_cast %get3A_650 : vector<16xf32> to vector<16xf32>
        %get3A_652 = arith.index_cast %add3A_649 : i32 to index
        %get3A_653 = tpu.vector_load %arg6[%get3A_652] {strides = array<i32>} : memref<24576xf32, #tpu.memory_space<vmem>>, vector<16xf32>,
        %get3A_654 = vector.shape_cast %get3A_653 : vector<16xf32> to vector<16xf32>
        %add3A_655 = arith.addf %get3A_651, %get3A_654 : vector<16xf32>
        %swap3A = arith.index_cast %add3A_645 : i32 to index
        %swap3A_656 = tpu.vector_load %arg5[%swap3A] {strides = array<i32>} : memref<98304xf32, #tpu.memory_space<vmem>>, vector<16xf32>,
        %swap3A_657 = vector.shape_cast %swap3A_656 : vector<16xf32> to vector<16xf32>
        %swap3A_658 = vector.shape_cast %add3A_655 : vector<16xf32> to vector<16xf32>
        tpu.vector_store %arg5[%swap3A], %swap3A_658 {strides = array<i32>} : memref<98304xf32, #tpu.memory_space<vmem>>, vector<16xf32>,
        %scan3A_659 = arith.constant 0 : i32
        %scan3A_660 = arith.constant 1 : i32
        %scan3A_661 = arith.addi %scan3A_640, %scan3A_660 : i32
        %mul3A_662 = arith.constant 16 : i32
        %mul3A_663 = arith.muli %scan3A_661, %mul3A_662 : i32
        %add3A_664 = arith.constant 61440 : i32
        %add3A_665 = arith.addi %add3A_664, %mul3A_663 : i32
        %mul3A_666 = arith.constant 16 : i32
        %mul3A_667 = arith.muli %scan3A_661, %mul3A_666 : i32
        %add3A_668 = arith.constant 12288 : i32
        %add3A_669 = arith.addi %add3A_668, %mul3A_667 : i32
        %get3A_670 = arith.index_cast %add3A_665 : i32 to index
        %get3A_671 = tpu.vector_load %arg5[%get3A_670] {strides = array<i32>} : memref<98304xf32, #tpu.memory_space<vmem>>, vector<16xf32>,
        %get3A_672 = vector.shape_cast %get3A_671 : vector<16xf32> to vector<16xf32>
        %get3A_673 = arith.index_cast %add3A_669 : i32 to index
        %get3A_674 = tpu.vector_load %arg6[%get3A_673] {strides = array<i32>} : memref<24576xf32, #tpu.memory_space<vmem>>, vector<16xf32>,
        %get3A_675 = vector.shape_cast %get3A_674 : vector<16xf32> to vector<16xf32>
        %add3A_676 = arith.addf %get3A_672, %get3A_675 : vector<16xf32>
        %swap3A_677 = arith.index_cast %add3A_665 : i32 to index
        %swap3A_678 = tpu.vector_load %arg5[%swap3A_677] {strides = array<i32>} : memref<98304xf32, #tpu.memory_space<vmem>>, vector<16xf32>,
        %swap3A_679 = vector.shape_cast %swap3A_678 : vector<16xf32> to vector<16xf32>
        %swap3A_680 = vector.shape_cast %add3A_676 : vector<16xf32> to vector<16xf32>
        tpu.vector_store %arg5[%swap3A_677], %swap3A_680 {strides = array<i32>} : memref<98304xf32, #tpu.memory_space<vmem>>, vector<16xf32>,
        %scan3A_681 = arith.constant 0 : i32
        %scan3A_682 = arith.constant 2 : i32
        %scan3A_683 = arith.addi %scan3A_640, %scan3A_682 : i32
        %mul3A_684 = arith.constant 16 : i32
        %mul3A_685 = arith.muli %scan3A_683, %mul3A_684 : i32
        %add3A_686 = arith.constant 61440 : i32
        %add3A_687 = arith.addi %add3A_686, %mul3A_685 : i32
        %mul3A_688 = arith.constant 16 : i32
        %mul3A_689 = arith.muli %scan3A_683, %mul3A_688 : i32
        %add3A_690 = arith.constant 12288 : i32
        %add3A_691 = arith.addi %add3A_690, %mul3A_689 : i32
        %get3A_692 = arith.index_cast %add3A_687 : i32 to index
        %get3A_693 = tpu.vector_load %arg5[%get3A_692] {strides = array<i32>} : memref<98304xf32, #tpu.memory_space<vmem>>, vector<16xf32>,
        %get3A_694 = vector.shape_cast %get3A_693 : vector<16xf32> to vector<16xf32>
        %get3A_695 = arith.index_cast %add3A_691 : i32 to index
        %get3A_696 = tpu.vector_load %arg6[%get3A_695] {strides = array<i32>} : memref<24576xf32, #tpu.memory_space<vmem>>, vector<16xf32>,
        %get3A_697 = vector.shape_cast %get3A_696 : vector<16xf32> to vector<16xf32>
        %add3A_698 = arith.addf %get3A_694, %get3A_697 : vector<16xf32>
        %swap3A_699 = arith.index_cast %add3A_687 : i32 to index
        %swap3A_700 = tpu.vector_load %arg5[%swap3A_699] {strides = array<i32>} : memref<98304xf32, #tpu.memory_space<vmem>>, vector<16xf32>,
        %swap3A_701 = vector.shape_cast %swap3A_700 : vector<16xf32> to vector<16xf32>
        %swap3A_702 = vector.shape_cast %add3A_698 : vector<16xf32> to vector<16xf32>
        tpu.vector_store %arg5[%swap3A_699], %swap3A_702 {strides = array<i32>} : memref<98304xf32, #tpu.memory_space<vmem>>, vector<16xf32>,
        %scan3A_703 = arith.constant 0 : i32
        %scan3A_704 = arith.constant 3 : i32
        %scan3A_705 = arith.addi %scan3A_640, %scan3A_704 : i32
        %mul3A_706 = arith.constant 16 : i32
        %mul3A_707 = arith.muli %scan3A_705, %mul3A_706 : i32
        %add3A_708 = arith.constant 61440 : i32
        %add3A_709 = arith.addi %add3A_708, %mul3A_707 : i32
        %mul3A_710 = arith.constant 16 : i32
        %mul3A_711 = arith.muli %scan3A_705, %mul3A_710 : i32
        %add3A_712 = arith.constant 12288 : i32
        %add3A_713 = arith.addi %add3A_712, %mul3A_711 : i32
        %get3A_714 = arith.index_cast %add3A_709 : i32 to index
        %get3A_715 = tpu.vector_load %arg5[%get3A_714] {strides = array<i32>} : memref<98304xf32, #tpu.memory_space<vmem>>, vector<16xf32>,
        %get3A_716 = vector.shape_cast %get3A_715 : vector<16xf32> to vector<16xf32>
        %get3A_717 = arith.index_cast %add3A_713 : i32 to index
        %get3A_718 = tpu.vector_load %arg6[%get3A_717] {strides = array<i32>} : memref<24576xf32, #tpu.memory_space<vmem>>, vector<16xf32>,
        %get3A_719 = vector.shape_cast %get3A_718 : vector<16xf32> to vector<16xf32>
        %add3A_720 = arith.addf %get3A_716, %get3A_719 : vector<16xf32>
        %swap3A_721 = arith.index_cast %add3A_709 : i32 to index
        %swap3A_722 = tpu.vector_load %arg5[%swap3A_721] {strides = array<i32>} : memref<98304xf32, #tpu.memory_space<vmem>>, vector<16xf32>,
        %swap3A_723 = vector.shape_cast %swap3A_722 : vector<16xf32> to vector<16xf32>
        %swap3A_724 = vector.shape_cast %add3A_720 : vector<16xf32> to vector<16xf32>
        tpu.vector_store %arg5[%swap3A_721], %swap3A_724 {strides = array<i32>} : memref<98304xf32, #tpu.memory_space<vmem>>, vector<16xf32>,
        %scan3A_725 = arith.constant 0 : i32
        %scan3A_726 = arith.constant 4 : i32
        %scan3A_727 = arith.addi %scan3A_640, %scan3A_726 : i32
        %mul3A_728 = arith.constant 16 : i32
        %mul3A_729 = arith.muli %scan3A_727, %mul3A_728 : i32
        %add3A_730 = arith.constant 61440 : i32
        %add3A_731 = arith.addi %add3A_730, %mul3A_729 : i32
        %mul3A_732 = arith.constant 16 : i32
        %mul3A_733 = arith.muli %scan3A_727, %mul3A_732 : i32
        %add3A_734 = arith.constant 12288 : i32
        %add3A_735 = arith.addi %add3A_734, %mul3A_733 : i32
        %get3A_736 = arith.index_cast %add3A_731 : i32 to index
        %get3A_737 = tpu.vector_load %arg5[%get3A_736] {strides = array<i32>} : memref<98304xf32, #tpu.memory_space<vmem>>, vector<16xf32>,
        %get3A_738 = vector.shape_cast %get3A_737 : vector<16xf32> to vector<16xf32>
        %get3A_739 = arith.index_cast %add3A_735 : i32 to index
        %get3A_740 = tpu.vector_load %arg6[%get3A_739] {strides = array<i32>} : memref<24576xf32, #tpu.memory_space<vmem>>, vector<16xf32>,
        %get3A_741 = vector.shape_cast %get3A_740 : vector<16xf32> to vector<16xf32>
        %add3A_742 = arith.addf %get3A_738, %get3A_741 : vector<16xf32>
        %swap3A_743 = arith.index_cast %add3A_731 : i32 to index
        %swap3A_744 = tpu.vector_load %arg5[%swap3A_743] {strides = array<i32>} : memref<98304xf32, #tpu.memory_space<vmem>>, vector<16xf32>,
        %swap3A_745 = vector.shape_cast %swap3A_744 : vector<16xf32> to vector<16xf32>
        %swap3A_746 = vector.shape_cast %add3A_742 : vector<16xf32> to vector<16xf32>
        tpu.vector_store %arg5[%swap3A_743], %swap3A_746 {strides = array<i32>} : memref<98304xf32, #tpu.memory_space<vmem>>, vector<16xf32>,
        %scan3A_747 = arith.constant 0 : i32
        %scan3A_748 = arith.constant 5 : i32
        %scan3A_749 = arith.addi %scan3A_640, %scan3A_748 : i32
        %mul3A_750 = arith.constant 16 : i32
        %mul3A_751 = arith.muli %scan3A_749, %mul3A_750 : i32
        %add3A_752 = arith.constant 61440 : i32
        %add3A_753 = arith.addi %add3A_752, %mul3A_751 : i32
        %mul3A_754 = arith.constant 16 : i32
        %mul3A_755 = arith.muli %scan3A_749, %mul3A_754 : i32
        %add3A_756 = arith.constant 12288 : i32
        %add3A_757 = arith.addi %add3A_756, %mul3A_755 : i32
        %get3A_758 = arith.index_cast %add3A_753 : i32 to index
        %get3A_759 = tpu.vector_load %arg5[%get3A_758] {strides = array<i32>} : memref<98304xf32, #tpu.memory_space<vmem>>, vector<16xf32>,
        %get3A_760 = vector.shape_cast %get3A_759 : vector<16xf32> to vector<16xf32>
        %get3A_761 = arith.index_cast %add3A_757 : i32 to index
        %get3A_762 = tpu.vector_load %arg6[%get3A_761] {strides = array<i32>} : memref<24576xf32, #tpu.memory_space<vmem>>, vector<16xf32>,
        %get3A_763 = vector.shape_cast %get3A_762 : vector<16xf32> to vector<16xf32>
        %add3A_764 = arith.addf %get3A_760, %get3A_763 : vector<16xf32>
        %swap3A_765 = arith.index_cast %add3A_753 : i32 to index
        %swap3A_766 = tpu.vector_load %arg5[%swap3A_765] {strides = array<i32>} : memref<98304xf32, #tpu.memory_space<vmem>>, vector<16xf32>,
        %swap3A_767 = vector.shape_cast %swap3A_766 : vector<16xf32> to vector<16xf32>
        %swap3A_768 = vector.shape_cast %add3A_764 : vector<16xf32> to vector<16xf32>
        tpu.vector_store %arg5[%swap3A_765], %swap3A_768 {strides = array<i32>} : memref<98304xf32, #tpu.memory_space<vmem>>, vector<16xf32>,
        %scan3A_769 = arith.constant 0 : i32
        %scan3A_770 = arith.constant 6 : i32
        %scan3A_771 = arith.addi %scan3A_640, %scan3A_770 : i32
        %mul3A_772 = arith.constant 16 : i32
        %mul3A_773 = arith.muli %scan3A_771, %mul3A_772 : i32
        %add3A_774 = arith.constant 61440 : i32
        %add3A_775 = arith.addi %add3A_774, %mul3A_773 : i32
        %mul3A_776 = arith.constant 16 : i32
        %mul3A_777 = arith.muli %scan3A_771, %mul3A_776 : i32
        %add3A_778 = arith.constant 12288 : i32
        %add3A_779 = arith.addi %add3A_778, %mul3A_777 : i32
        %get3A_780 = arith.index_cast %add3A_775 : i32 to index
        %get3A_781 = tpu.vector_load %arg5[%get3A_780] {strides = array<i32>} : memref<98304xf32, #tpu.memory_space<vmem>>, vector<16xf32>,
        %get3A_782 = vector.shape_cast %get3A_781 : vector<16xf32> to vector<16xf32>
        %get3A_783 = arith.index_cast %add3A_779 : i32 to index
        %get3A_784 = tpu.vector_load %arg6[%get3A_783] {strides = array<i32>} : memref<24576xf32, #tpu.memory_space<vmem>>, vector<16xf32>,
        %get3A_785 = vector.shape_cast %get3A_784 : vector<16xf32> to vector<16xf32>
        %add3A_786 = arith.addf %get3A_782, %get3A_785 : vector<16xf32>
        %swap3A_787 = arith.index_cast %add3A_775 : i32 to index
        %swap3A_788 = tpu.vector_load %arg5[%swap3A_787] {strides = array<i32>} : memref<98304xf32, #tpu.memory_space<vmem>>, vector<16xf32>,
        %swap3A_789 = vector.shape_cast %swap3A_788 : vector<16xf32> to vector<16xf32>
        %swap3A_790 = vector.shape_cast %add3A_786 : vector<16xf32> to vector<16xf32>
        tpu.vector_store %arg5[%swap3A_787], %swap3A_790 {strides = array<i32>} : memref<98304xf32, #tpu.memory_space<vmem>>, vector<16xf32>,
        %scan3A_791 = arith.constant 0 : i32
        %scan3A_792 = arith.constant 7 : i32
        %scan3A_793 = arith.addi %scan3A_640, %scan3A_792 : i32
        %mul3A_794 = arith.constant 16 : i32
        %mul3A_795 = arith.muli %scan3A_793, %mul3A_794 : i32
        %add3A_796 = arith.constant 61440 : i32
        %add3A_797 = arith.addi %add3A_796, %mul3A_795 : i32
        %mul3A_798 = arith.constant 16 : i32
        %mul3A_799 = arith.muli %scan3A_793, %mul3A_798 : i32
        %add3A_800 = arith.constant 12288 : i32
        %add3A_801 = arith.addi %add3A_800, %mul3A_799 : i32
        %get3A_802 = arith.index_cast %add3A_797 : i32 to index
        %get3A_803 = tpu.vector_load %arg5[%get3A_802] {strides = array<i32>} : memref<98304xf32, #tpu.memory_space<vmem>>, vector<16xf32>,
        %get3A_804 = vector.shape_cast %get3A_803 : vector<16xf32> to vector<16xf32>
        %get3A_805 = arith.index_cast %add3A_801 : i32 to index
        %get3A_806 = tpu.vector_load %arg6[%get3A_805] {strides = array<i32>} : memref<24576xf32, #tpu.memory_space<vmem>>, vector<16xf32>,
        %get3A_807 = vector.shape_cast %get3A_806 : vector<16xf32> to vector<16xf32>
        %add3A_808 = arith.addf %get3A_804, %get3A_807 : vector<16xf32>
        %swap3A_809 = arith.index_cast %add3A_797 : i32 to index
        %swap3A_810 = tpu.vector_load %arg5[%swap3A_809] {strides = array<i32>} : memref<98304xf32, #tpu.memory_space<vmem>>, vector<16xf32>,
        %swap3A_811 = vector.shape_cast %swap3A_810 : vector<16xf32> to vector<16xf32>
        %swap3A_812 = vector.shape_cast %add3A_808 : vector<16xf32> to vector<16xf32>
        tpu.vector_store %arg5[%swap3A_809], %swap3A_812 {strides = array<i32>} : memref<98304xf32, #tpu.memory_space<vmem>>, vector<16xf32>,
        %scan3A_813 = arith.constant 0 : i32
        scf.yield %scan3A_813 : i32
      }
      %scan3A_534 = arith.constant 768 : i32
      %add3A_535 = arith.constant 8192 : i32
      %add3A_536 = arith.addi %add3A_535, %mul3A_2 : i32
      %mul3A_537 = arith.constant 16 : i32
      %mul3A_538 = arith.muli %add3A_458, %mul3A_537 : i32
      %add3A_539 = arith.addi %add3A_536, %mul3A_538 : i32
      %mul3A_540 = arith.constant 768 : i32
      %mul3A_541 = arith.muli %add3A_539, %mul3A_540 : i32
      %dma_start3A_542 = arith.constant 5 : i32
      %dma_start3A_543 = arith.constant 61440 : i32
      %dma_start3A_544 = tpu.memref_slice %arg5[%dma_start3A_543] : memref<98304xf32, #tpu.memory_space<vmem>> -> memref<12288xf32, #tpu.memory_space<vmem>>
      %dma_start3A_545 = tpu.memref_slice %arg4[%mul3A_541] : memref<25165824xf32, #tpu.memory_space<hbm>> -> memref<12288xf32, #tpu.memory_space<hbm>>
      %dma_start3A_546 = tpu.memref_slice %arg9[%dma_start3A_542] : memref<8x!tpu.dma_semaphore, #tpu.memory_space<semaphore_mem>> -> memref<1x!tpu.dma_semaphore, #tpu.memory_space<semaphore_mem>>
      %dma_start3A_547 = tpu.memref_squeeze %dma_start3A_546 : memref<1x!tpu.dma_semaphore, #tpu.memory_space<semaphore_mem>> -> memref<!tpu.dma_semaphore, #tpu.memory_space<semaphore_mem>>
      %dma_start3A_548 = tpu.memref_slice %arg4[%mul3A_541] : memref<25165824xf32, #tpu.memory_space<hbm>> -> memref<12288xf32, #tpu.memory_space<hbm>>
      %dma_start3A_549 = arith.constant 61440 : i32
      %dma_start3A_550 = tpu.memref_slice %arg5[%dma_start3A_549] : memref<98304xf32, #tpu.memory_space<vmem>> -> memref<12288xf32, #tpu.memory_space<vmem>>
      tpu.enqueue_dma source(%dma_start3A_550 : memref<12288xf32, #tpu.memory_space<vmem>>) target(%dma_start3A_548 : memref<12288xf32, #tpu.memory_space<hbm>>) target_semaphore(%dma_start3A_547 : memref<!tpu.dma_semaphore, #tpu.memory_space<semaphore_mem>>)
      %add3A_551 = arith.constant 16384 : i32
      %add3A_552 = arith.addi %add3A_551, %mul3A_2 : i32
      %mul3A_553 = arith.constant 16 : i32
      %mul3A_554 = arith.muli %add3A_458, %mul3A_553 : i32
      %add3A_555 = arith.addi %add3A_552, %mul3A_554 : i32
      %mul3A_556 = arith.constant 768 : i32
      %mul3A_557 = arith.muli %add3A_555, %mul3A_556 : i32
      %dma_wait3A_558 = arith.constant 6 : i32
      %dma_wait3A_559 = arith.constant 73728 : i32
      %dma_wait3A_560 = tpu.memref_slice %arg5[%dma_wait3A_559] : memref<98304xf32, #tpu.memory_space<vmem>> -> memref<12288xf32, #tpu.memory_space<vmem>>
      %dma_wait3A_561 = tpu.memref_slice %arg2[%mul3A_557] : memref<25165824xf32, #tpu.memory_space<hbm>> -> memref<12288xf32, #tpu.memory_space<hbm>>
      %dma_wait3A_562 = tpu.memref_slice %arg7[%dma_wait3A_558] : memref<8x!tpu.dma_semaphore, #tpu.memory_space<semaphore_mem>> -> memref<1x!tpu.dma_semaphore, #tpu.memory_space<semaphore_mem>>
      %dma_wait3A_563 = tpu.memref_squeeze %dma_wait3A_562 : memref<1x!tpu.dma_semaphore, #tpu.memory_space<semaphore_mem>> -> memref<!tpu.dma_semaphore, #tpu.memory_space<semaphore_mem>>
      %dma_wait3A_564 = arith.constant 73728 : i32
      %dma_wait3A_565 = tpu.memref_slice %arg5[%dma_wait3A_564] : memref<98304xf32, #tpu.memory_space<vmem>> -> memref<12288xf32, #tpu.memory_space<vmem>>
      %dma_wait3A_566 = tpu.memref_slice %arg2[%mul3A_557] : memref<25165824xf32, #tpu.memory_space<hbm>> -> memref<12288xf32, #tpu.memory_space<hbm>>
      tpu.wait_dma2 semaphore(%dma_wait3A_563 : memref<!tpu.dma_semaphore, #tpu.memory_space<semaphore_mem>>) src(%dma_wait3A_566 : memref<12288xf32, #tpu.memory_space<hbm>>) dst(%dma_wait3A_565 : memref<12288xf32, #tpu.memory_space<vmem>>)
      %scan3A_567 = arith.constant 0 : i32
      %scan3A_568 = arith.constant 0 : i32
      %scan3A_569 = arith.constant 768 : i32
      %scan3A_570 = arith.addi %scan3A_568, %scan3A_569 : i32
      %scan3A_571 = arith.constant 8 : i32
      %scan3A_572 = scf.for %scan3A_640 = %scan3A_568 to %scan3A_570 step %scan3A_571 iter_args(%scan3A_641 = %scan3A_567) -> (i32)  : i32 {
        %mul3A_642 = arith.constant 16 : i32
        %mul3A_643 = arith.muli %scan3A_640, %mul3A_642 : i32
        %add3A_644 = arith.constant 73728 : i32
        %add3A_645 = arith.addi %add3A_644, %mul3A_643 : i32
        %mul3A_646 = arith.constant 16 : i32
        %mul3A_647 = arith.muli %scan3A_640, %mul3A_646 : i32
        %add3A_648 = arith.constant 12288 : i32
        %add3A_649 = arith.addi %add3A_648, %mul3A_647 : i32
        %get3A = arith.index_cast %add3A_645 : i32 to index
        %get3A_650 = tpu.vector_load %arg5[%get3A] {strides = array<i32>} : memref<98304xf32, #tpu.memory_space<vmem>>, vector<16xf32>,
        %get3A_651 = vector.shape_cast %get3A_650 : vector<16xf32> to vector<16xf32>
        %get3A_652 = arith.index_cast %add3A_649 : i32 to index
        %get3A_653 = tpu.vector_load %arg6[%get3A_652] {strides = array<i32>} : memref<24576xf32, #tpu.memory_space<vmem>>, vector<16xf32>,
        %get3A_654 = vector.shape_cast %get3A_653 : vector<16xf32> to vector<16xf32>
        %add3A_655 = arith.addf %get3A_651, %get3A_654 : vector<16xf32>
        %swap3A = arith.index_cast %add3A_645 : i32 to index
        %swap3A_656 = tpu.vector_load %arg5[%swap3A] {strides = array<i32>} : memref<98304xf32, #tpu.memory_space<vmem>>, vector<16xf32>,
        %swap3A_657 = vector.shape_cast %swap3A_656 : vector<16xf32> to vector<16xf32>
        %swap3A_658 = vector.shape_cast %add3A_655 : vector<16xf32> to vector<16xf32>
        tpu.vector_store %arg5[%swap3A], %swap3A_658 {strides = array<i32>} : memref<98304xf32, #tpu.memory_space<vmem>>, vector<16xf32>,
        %scan3A_659 = arith.constant 0 : i32
        %scan3A_660 = arith.constant 1 : i32
        %scan3A_661 = arith.addi %scan3A_640, %scan3A_660 : i32
        %mul3A_662 = arith.constant 16 : i32
        %mul3A_663 = arith.muli %scan3A_661, %mul3A_662 : i32
        %add3A_664 = arith.constant 73728 : i32
        %add3A_665 = arith.addi %add3A_664, %mul3A_663 : i32
        %mul3A_666 = arith.constant 16 : i32
        %mul3A_667 = arith.muli %scan3A_661, %mul3A_666 : i32
        %add3A_668 = arith.constant 12288 : i32
        %add3A_669 = arith.addi %add3A_668, %mul3A_667 : i32
        %get3A_670 = arith.index_cast %add3A_665 : i32 to index
        %get3A_671 = tpu.vector_load %arg5[%get3A_670] {strides = array<i32>} : memref<98304xf32, #tpu.memory_space<vmem>>, vector<16xf32>,
        %get3A_672 = vector.shape_cast %get3A_671 : vector<16xf32> to vector<16xf32>
        %get3A_673 = arith.index_cast %add3A_669 : i32 to index
        %get3A_674 = tpu.vector_load %arg6[%get3A_673] {strides = array<i32>} : memref<24576xf32, #tpu.memory_space<vmem>>, vector<16xf32>,
        %get3A_675 = vector.shape_cast %get3A_674 : vector<16xf32> to vector<16xf32>
        %add3A_676 = arith.addf %get3A_672, %get3A_675 : vector<16xf32>
        %swap3A_677 = arith.index_cast %add3A_665 : i32 to index
        %swap3A_678 = tpu.vector_load %arg5[%swap3A_677] {strides = array<i32>} : memref<98304xf32, #tpu.memory_space<vmem>>, vector<16xf32>,
        %swap3A_679 = vector.shape_cast %swap3A_678 : vector<16xf32> to vector<16xf32>
        %swap3A_680 = vector.shape_cast %add3A_676 : vector<16xf32> to vector<16xf32>
        tpu.vector_store %arg5[%swap3A_677], %swap3A_680 {strides = array<i32>} : memref<98304xf32, #tpu.memory_space<vmem>>, vector<16xf32>,
        %scan3A_681 = arith.constant 0 : i32
        %scan3A_682 = arith.constant 2 : i32
        %scan3A_683 = arith.addi %scan3A_640, %scan3A_682 : i32
        %mul3A_684 = arith.constant 16 : i32
        %mul3A_685 = arith.muli %scan3A_683, %mul3A_684 : i32
        %add3A_686 = arith.constant 73728 : i32
        %add3A_687 = arith.addi %add3A_686, %mul3A_685 : i32
        %mul3A_688 = arith.constant 16 : i32
        %mul3A_689 = arith.muli %scan3A_683, %mul3A_688 : i32
        %add3A_690 = arith.constant 12288 : i32
        %add3A_691 = arith.addi %add3A_690, %mul3A_689 : i32
        %get3A_692 = arith.index_cast %add3A_687 : i32 to index
        %get3A_693 = tpu.vector_load %arg5[%get3A_692] {strides = array<i32>} : memref<98304xf32, #tpu.memory_space<vmem>>, vector<16xf32>,
        %get3A_694 = vector.shape_cast %get3A_693 : vector<16xf32> to vector<16xf32>
        %get3A_695 = arith.index_cast %add3A_691 : i32 to index
        %get3A_696 = tpu.vector_load %arg6[%get3A_695] {strides = array<i32>} : memref<24576xf32, #tpu.memory_space<vmem>>, vector<16xf32>,
        %get3A_697 = vector.shape_cast %get3A_696 : vector<16xf32> to vector<16xf32>
        %add3A_698 = arith.addf %get3A_694, %get3A_697 : vector<16xf32>
        %swap3A_699 = arith.index_cast %add3A_687 : i32 to index
        %swap3A_700 = tpu.vector_load %arg5[%swap3A_699] {strides = array<i32>} : memref<98304xf32, #tpu.memory_space<vmem>>, vector<16xf32>,
        %swap3A_701 = vector.shape_cast %swap3A_700 : vector<16xf32> to vector<16xf32>
        %swap3A_702 = vector.shape_cast %add3A_698 : vector<16xf32> to vector<16xf32>
        tpu.vector_store %arg5[%swap3A_699], %swap3A_702 {strides = array<i32>} : memref<98304xf32, #tpu.memory_space<vmem>>, vector<16xf32>,
        %scan3A_703 = arith.constant 0 : i32
        %scan3A_704 = arith.constant 3 : i32
        %scan3A_705 = arith.addi %scan3A_640, %scan3A_704 : i32
        %mul3A_706 = arith.constant 16 : i32
        %mul3A_707 = arith.muli %scan3A_705, %mul3A_706 : i32
        %add3A_708 = arith.constant 73728 : i32
        %add3A_709 = arith.addi %add3A_708, %mul3A_707 : i32
        %mul3A_710 = arith.constant 16 : i32
        %mul3A_711 = arith.muli %scan3A_705, %mul3A_710 : i32
        %add3A_712 = arith.constant 12288 : i32
        %add3A_713 = arith.addi %add3A_712, %mul3A_711 : i32
        %get3A_714 = arith.index_cast %add3A_709 : i32 to index
        %get3A_715 = tpu.vector_load %arg5[%get3A_714] {strides = array<i32>} : memref<98304xf32, #tpu.memory_space<vmem>>, vector<16xf32>,
        %get3A_716 = vector.shape_cast %get3A_715 : vector<16xf32> to vector<16xf32>
        %get3A_717 = arith.index_cast %add3A_713 : i32 to index
        %get3A_718 = tpu.vector_load %arg6[%get3A_717] {strides = array<i32>} : memref<24576xf32, #tpu.memory_space<vmem>>, vector<16xf32>,
        %get3A_719 = vector.shape_cast %get3A_718 : vector<16xf32> to vector<16xf32>
        %add3A_720 = arith.addf %get3A_716, %get3A_719 : vector<16xf32>
        %swap3A_721 = arith.index_cast %add3A_709 : i32 to index
        %swap3A_722 = tpu.vector_load %arg5[%swap3A_721] {strides = array<i32>} : memref<98304xf32, #tpu.memory_space<vmem>>, vector<16xf32>,
        %swap3A_723 = vector.shape_cast %swap3A_722 : vector<16xf32> to vector<16xf32>
        %swap3A_724 = vector.shape_cast %add3A_720 : vector<16xf32> to vector<16xf32>
        tpu.vector_store %arg5[%swap3A_721], %swap3A_724 {strides = array<i32>} : memref<98304xf32, #tpu.memory_space<vmem>>, vector<16xf32>,
        %scan3A_725 = arith.constant 0 : i32
        %scan3A_726 = arith.constant 4 : i32
        %scan3A_727 = arith.addi %scan3A_640, %scan3A_726 : i32
        %mul3A_728 = arith.constant 16 : i32
        %mul3A_729 = arith.muli %scan3A_727, %mul3A_728 : i32
        %add3A_730 = arith.constant 73728 : i32
        %add3A_731 = arith.addi %add3A_730, %mul3A_729 : i32
        %mul3A_732 = arith.constant 16 : i32
        %mul3A_733 = arith.muli %scan3A_727, %mul3A_732 : i32
        %add3A_734 = arith.constant 12288 : i32
        %add3A_735 = arith.addi %add3A_734, %mul3A_733 : i32
        %get3A_736 = arith.index_cast %add3A_731 : i32 to index
        %get3A_737 = tpu.vector_load %arg5[%get3A_736] {strides = array<i32>} : memref<98304xf32, #tpu.memory_space<vmem>>, vector<16xf32>,
        %get3A_738 = vector.shape_cast %get3A_737 : vector<16xf32> to vector<16xf32>
        %get3A_739 = arith.index_cast %add3A_735 : i32 to index
        %get3A_740 = tpu.vector_load %arg6[%get3A_739] {strides = array<i32>} : memref<24576xf32, #tpu.memory_space<vmem>>, vector<16xf32>,
        %get3A_741 = vector.shape_cast %get3A_740 : vector<16xf32> to vector<16xf32>
        %add3A_742 = arith.addf %get3A_738, %get3A_741 : vector<16xf32>
        %swap3A_743 = arith.index_cast %add3A_731 : i32 to index
        %swap3A_744 = tpu.vector_load %arg5[%swap3A_743] {strides = array<i32>} : memref<98304xf32, #tpu.memory_space<vmem>>, vector<16xf32>,
        %swap3A_745 = vector.shape_cast %swap3A_744 : vector<16xf32> to vector<16xf32>
        %swap3A_746 = vector.shape_cast %add3A_742 : vector<16xf32> to vector<16xf32>
        tpu.vector_store %arg5[%swap3A_743], %swap3A_746 {strides = array<i32>} : memref<98304xf32, #tpu.memory_space<vmem>>, vector<16xf32>,
        %scan3A_747 = arith.constant 0 : i32
        %scan3A_748 = arith.constant 5 : i32
        %scan3A_749 = arith.addi %scan3A_640, %scan3A_748 : i32
        %mul3A_750 = arith.constant 16 : i32
        %mul3A_751 = arith.muli %scan3A_749, %mul3A_750 : i32
        %add3A_752 = arith.constant 73728 : i32
        %add3A_753 = arith.addi %add3A_752, %mul3A_751 : i32
        %mul3A_754 = arith.constant 16 : i32
        %mul3A_755 = arith.muli %scan3A_749, %mul3A_754 : i32
        %add3A_756 = arith.constant 12288 : i32
        %add3A_757 = arith.addi %add3A_756, %mul3A_755 : i32
        %get3A_758 = arith.index_cast %add3A_753 : i32 to index
        %get3A_759 = tpu.vector_load %arg5[%get3A_758] {strides = array<i32>} : memref<98304xf32, #tpu.memory_space<vmem>>, vector<16xf32>,
        %get3A_760 = vector.shape_cast %get3A_759 : vector<16xf32> to vector<16xf32>
        %get3A_761 = arith.index_cast %add3A_757 : i32 to index
        %get3A_762 = tpu.vector_load %arg6[%get3A_761] {strides = array<i32>} : memref<24576xf32, #tpu.memory_space<vmem>>, vector<16xf32>,
        %get3A_763 = vector.shape_cast %get3A_762 : vector<16xf32> to vector<16xf32>
        %add3A_764 = arith.addf %get3A_760, %get3A_763 : vector<16xf32>
        %swap3A_765 = arith.index_cast %add3A_753 : i32 to index
        %swap3A_766 = tpu.vector_load %arg5[%swap3A_765] {strides = array<i32>} : memref<98304xf32, #tpu.memory_space<vmem>>, vector<16xf32>,
        %swap3A_767 = vector.shape_cast %swap3A_766 : vector<16xf32> to vector<16xf32>
        %swap3A_768 = vector.shape_cast %add3A_764 : vector<16xf32> to vector<16xf32>
        tpu.vector_store %arg5[%swap3A_765], %swap3A_768 {strides = array<i32>} : memref<98304xf32, #tpu.memory_space<vmem>>, vector<16xf32>,
        %scan3A_769 = arith.constant 0 : i32
        %scan3A_770 = arith.constant 6 : i32
        %scan3A_771 = arith.addi %scan3A_640, %scan3A_770 : i32
        %mul3A_772 = arith.constant 16 : i32
        %mul3A_773 = arith.muli %scan3A_771, %mul3A_772 : i32
        %add3A_774 = arith.constant 73728 : i32
        %add3A_775 = arith.addi %add3A_774, %mul3A_773 : i32
        %mul3A_776 = arith.constant 16 : i32
        %mul3A_777 = arith.muli %scan3A_771, %mul3A_776 : i32
        %add3A_778 = arith.constant 12288 : i32
        %add3A_779 = arith.addi %add3A_778, %mul3A_777 : i32
        %get3A_780 = arith.index_cast %add3A_775 : i32 to index
        %get3A_781 = tpu.vector_load %arg5[%get3A_780] {strides = array<i32>} : memref<98304xf32, #tpu.memory_space<vmem>>, vector<16xf32>,
        %get3A_782 = vector.shape_cast %get3A_781 : vector<16xf32> to vector<16xf32>
        %get3A_783 = arith.index_cast %add3A_779 : i32 to index
        %get3A_784 = tpu.vector_load %arg6[%get3A_783] {strides = array<i32>} : memref<24576xf32, #tpu.memory_space<vmem>>, vector<16xf32>,
        %get3A_785 = vector.shape_cast %get3A_784 : vector<16xf32> to vector<16xf32>
        %add3A_786 = arith.addf %get3A_782, %get3A_785 : vector<16xf32>
        %swap3A_787 = arith.index_cast %add3A_775 : i32 to index
        %swap3A_788 = tpu.vector_load %arg5[%swap3A_787] {strides = array<i32>} : memref<98304xf32, #tpu.memory_space<vmem>>, vector<16xf32>,
        %swap3A_789 = vector.shape_cast %swap3A_788 : vector<16xf32> to vector<16xf32>
        %swap3A_790 = vector.shape_cast %add3A_786 : vector<16xf32> to vector<16xf32>
        tpu.vector_store %arg5[%swap3A_787], %swap3A_790 {strides = array<i32>} : memref<98304xf32, #tpu.memory_space<vmem>>, vector<16xf32>,
        %scan3A_791 = arith.constant 0 : i32
        %scan3A_792 = arith.constant 7 : i32
        %scan3A_793 = arith.addi %scan3A_640, %scan3A_792 : i32
        %mul3A_794 = arith.constant 16 : i32
        %mul3A_795 = arith.muli %scan3A_793, %mul3A_794 : i32
        %add3A_796 = arith.constant 73728 : i32
        %add3A_797 = arith.addi %add3A_796, %mul3A_795 : i32
        %mul3A_798 = arith.constant 16 : i32
        %mul3A_799 = arith.muli %scan3A_793, %mul3A_798 : i32
        %add3A_800 = arith.constant 12288 : i32
        %add3A_801 = arith.addi %add3A_800, %mul3A_799 : i32
        %get3A_802 = arith.index_cast %add3A_797 : i32 to index
        %get3A_803 = tpu.vector_load %arg5[%get3A_802] {strides = array<i32>} : memref<98304xf32, #tpu.memory_space<vmem>>, vector<16xf32>,
        %get3A_804 = vector.shape_cast %get3A_803 : vector<16xf32> to vector<16xf32>
        %get3A_805 = arith.index_cast %add3A_801 : i32 to index
        %get3A_806 = tpu.vector_load %arg6[%get3A_805] {strides = array<i32>} : memref<24576xf32, #tpu.memory_space<vmem>>, vector<16xf32>,
        %get3A_807 = vector.shape_cast %get3A_806 : vector<16xf32> to vector<16xf32>
        %add3A_808 = arith.addf %get3A_804, %get3A_807 : vector<16xf32>
        %swap3A_809 = arith.index_cast %add3A_797 : i32 to index
        %swap3A_810 = tpu.vector_load %arg5[%swap3A_809] {strides = array<i32>} : memref<98304xf32, #tpu.memory_space<vmem>>, vector<16xf32>,
        %swap3A_811 = vector.shape_cast %swap3A_810 : vector<16xf32> to vector<16xf32>
        %swap3A_812 = vector.shape_cast %add3A_808 : vector<16xf32> to vector<16xf32>
        tpu.vector_store %arg5[%swap3A_809], %swap3A_812 {strides = array<i32>} : memref<98304xf32, #tpu.memory_space<vmem>>, vector<16xf32>,
        %scan3A_813 = arith.constant 0 : i32
        scf.yield %scan3A_813 : i32
      }
      %scan3A_573 = arith.constant 768 : i32
      %add3A_574 = arith.constant 16384 : i32
      %add3A_575 = arith.addi %add3A_574, %mul3A_2 : i32
      %mul3A_576 = arith.constant 16 : i32
      %mul3A_577 = arith.muli %add3A_458, %mul3A_576 : i32
      %add3A_578 = arith.addi %add3A_575, %mul3A_577 : i32
      %mul3A_579 = arith.constant 768 : i32
      %mul3A_580 = arith.muli %add3A_578, %mul3A_579 : i32
      %dma_start3A_581 = arith.constant 6 : i32
      %dma_start3A_582 = arith.constant 73728 : i32
      %dma_start3A_583 = tpu.memref_slice %arg5[%dma_start3A_582] : memref<98304xf32, #tpu.memory_space<vmem>> -> memref<12288xf32, #tpu.memory_space<vmem>>
      %dma_start3A_584 = tpu.memref_slice %arg4[%mul3A_580] : memref<25165824xf32, #tpu.memory_space<hbm>> -> memref<12288xf32, #tpu.memory_space<hbm>>
      %dma_start3A_585 = tpu.memref_slice %arg9[%dma_start3A_581] : memref<8x!tpu.dma_semaphore, #tpu.memory_space<semaphore_mem>> -> memref<1x!tpu.dma_semaphore, #tpu.memory_space<semaphore_mem>>
      %dma_start3A_586 = tpu.memref_squeeze %dma_start3A_585 : memref<1x!tpu.dma_semaphore, #tpu.memory_space<semaphore_mem>> -> memref<!tpu.dma_semaphore, #tpu.memory_space<semaphore_mem>>
      %dma_start3A_587 = tpu.memref_slice %arg4[%mul3A_580] : memref<25165824xf32, #tpu.memory_space<hbm>> -> memref<12288xf32, #tpu.memory_space<hbm>>
      %dma_start3A_588 = arith.constant 73728 : i32
      %dma_start3A_589 = tpu.memref_slice %arg5[%dma_start3A_588] : memref<98304xf32, #tpu.memory_space<vmem>> -> memref<12288xf32, #tpu.memory_space<vmem>>
      tpu.enqueue_dma source(%dma_start3A_589 : memref<12288xf32, #tpu.memory_space<vmem>>) target(%dma_start3A_587 : memref<12288xf32, #tpu.memory_space<hbm>>) target_semaphore(%dma_start3A_586 : memref<!tpu.dma_semaphore, #tpu.memory_space<semaphore_mem>>)
      %add3A_590 = arith.constant 24576 : i32
      %add3A_591 = arith.addi %add3A_590, %mul3A_2 : i32
      %mul3A_592 = arith.constant 16 : i32
      %mul3A_593 = arith.muli %add3A_458, %mul3A_592 : i32
      %add3A_594 = arith.addi %add3A_591, %mul3A_593 : i32
      %mul3A_595 = arith.constant 768 : i32
      %mul3A_596 = arith.muli %add3A_594, %mul3A_595 : i32
      %dma_wait3A_597 = arith.constant 7 : i32
      %dma_wait3A_598 = arith.constant 86016 : i32
      %dma_wait3A_599 = tpu.memref_slice %arg5[%dma_wait3A_598] : memref<98304xf32, #tpu.memory_space<vmem>> -> memref<12288xf32, #tpu.memory_space<vmem>>
      %dma_wait3A_600 = tpu.memref_slice %arg2[%mul3A_596] : memref<25165824xf32, #tpu.memory_space<hbm>> -> memref<12288xf32, #tpu.memory_space<hbm>>
      %dma_wait3A_601 = tpu.memref_slice %arg7[%dma_wait3A_597] : memref<8x!tpu.dma_semaphore, #tpu.memory_space<semaphore_mem>> -> memref<1x!tpu.dma_semaphore, #tpu.memory_space<semaphore_mem>>
      %dma_wait3A_602 = tpu.memref_squeeze %dma_wait3A_601 : memref<1x!tpu.dma_semaphore, #tpu.memory_space<semaphore_mem>> -> memref<!tpu.dma_semaphore, #tpu.memory_space<semaphore_mem>>
      %dma_wait3A_603 = arith.constant 86016 : i32
      %dma_wait3A_604 = tpu.memref_slice %arg5[%dma_wait3A_603] : memref<98304xf32, #tpu.memory_space<vmem>> -> memref<12288xf32, #tpu.memory_space<vmem>>
      %dma_wait3A_605 = tpu.memref_slice %arg2[%mul3A_596] : memref<25165824xf32, #tpu.memory_space<hbm>> -> memref<12288xf32, #tpu.memory_space<hbm>>
      tpu.wait_dma2 semaphore(%dma_wait3A_602 : memref<!tpu.dma_semaphore, #tpu.memory_space<semaphore_mem>>) src(%dma_wait3A_605 : memref<12288xf32, #tpu.memory_space<hbm>>) dst(%dma_wait3A_604 : memref<12288xf32, #tpu.memory_space<vmem>>)
      %scan3A_606 = arith.constant 0 : i32
      %scan3A_607 = arith.constant 0 : i32
      %scan3A_608 = arith.constant 768 : i32
      %scan3A_609 = arith.addi %scan3A_607, %scan3A_608 : i32
      %scan3A_610 = arith.constant 8 : i32
      %scan3A_611 = scf.for %scan3A_640 = %scan3A_607 to %scan3A_609 step %scan3A_610 iter_args(%scan3A_641 = %scan3A_606) -> (i32)  : i32 {
        %mul3A_642 = arith.constant 16 : i32
        %mul3A_643 = arith.muli %scan3A_640, %mul3A_642 : i32
        %add3A_644 = arith.constant 86016 : i32
        %add3A_645 = arith.addi %add3A_644, %mul3A_643 : i32
        %mul3A_646 = arith.constant 16 : i32
        %mul3A_647 = arith.muli %scan3A_640, %mul3A_646 : i32
        %add3A_648 = arith.constant 12288 : i32
        %add3A_649 = arith.addi %add3A_648, %mul3A_647 : i32
        %get3A = arith.index_cast %add3A_645 : i32 to index
        %get3A_650 = tpu.vector_load %arg5[%get3A] {strides = array<i32>} : memref<98304xf32, #tpu.memory_space<vmem>>, vector<16xf32>,
        %get3A_651 = vector.shape_cast %get3A_650 : vector<16xf32> to vector<16xf32>
        %get3A_652 = arith.index_cast %add3A_649 : i32 to index
        %get3A_653 = tpu.vector_load %arg6[%get3A_652] {strides = array<i32>} : memref<24576xf32, #tpu.memory_space<vmem>>, vector<16xf32>,
        %get3A_654 = vector.shape_cast %get3A_653 : vector<16xf32> to vector<16xf32>
        %add3A_655 = arith.addf %get3A_651, %get3A_654 : vector<16xf32>
        %swap3A = arith.index_cast %add3A_645 : i32 to index
        %swap3A_656 = tpu.vector_load %arg5[%swap3A] {strides = array<i32>} : memref<98304xf32, #tpu.memory_space<vmem>>, vector<16xf32>,
        %swap3A_657 = vector.shape_cast %swap3A_656 : vector<16xf32> to vector<16xf32>
        %swap3A_658 = vector.shape_cast %add3A_655 : vector<16xf32> to vector<16xf32>
        tpu.vector_store %arg5[%swap3A], %swap3A_658 {strides = array<i32>} : memref<98304xf32, #tpu.memory_space<vmem>>, vector<16xf32>,
        %scan3A_659 = arith.constant 0 : i32
        %scan3A_660 = arith.constant 1 : i32
        %scan3A_661 = arith.addi %scan3A_640, %scan3A_660 : i32
        %mul3A_662 = arith.constant 16 : i32
        %mul3A_663 = arith.muli %scan3A_661, %mul3A_662 : i32
        %add3A_664 = arith.constant 86016 : i32
        %add3A_665 = arith.addi %add3A_664, %mul3A_663 : i32
        %mul3A_666 = arith.constant 16 : i32
        %mul3A_667 = arith.muli %scan3A_661, %mul3A_666 : i32
        %add3A_668 = arith.constant 12288 : i32
        %add3A_669 = arith.addi %add3A_668, %mul3A_667 : i32
        %get3A_670 = arith.index_cast %add3A_665 : i32 to index
        %get3A_671 = tpu.vector_load %arg5[%get3A_670] {strides = array<i32>} : memref<98304xf32, #tpu.memory_space<vmem>>, vector<16xf32>,
        %get3A_672 = vector.shape_cast %get3A_671 : vector<16xf32> to vector<16xf32>
        %get3A_673 = arith.index_cast %add3A_669 : i32 to index
        %get3A_674 = tpu.vector_load %arg6[%get3A_673] {strides = array<i32>} : memref<24576xf32, #tpu.memory_space<vmem>>, vector<16xf32>,
        %get3A_675 = vector.shape_cast %get3A_674 : vector<16xf32> to vector<16xf32>
        %add3A_676 = arith.addf %get3A_672, %get3A_675 : vector<16xf32>
        %swap3A_677 = arith.index_cast %add3A_665 : i32 to index
        %swap3A_678 = tpu.vector_load %arg5[%swap3A_677] {strides = array<i32>} : memref<98304xf32, #tpu.memory_space<vmem>>, vector<16xf32>,
        %swap3A_679 = vector.shape_cast %swap3A_678 : vector<16xf32> to vector<16xf32>
        %swap3A_680 = vector.shape_cast %add3A_676 : vector<16xf32> to vector<16xf32>
        tpu.vector_store %arg5[%swap3A_677], %swap3A_680 {strides = array<i32>} : memref<98304xf32, #tpu.memory_space<vmem>>, vector<16xf32>,
        %scan3A_681 = arith.constant 0 : i32
        %scan3A_682 = arith.constant 2 : i32
        %scan3A_683 = arith.addi %scan3A_640, %scan3A_682 : i32
        %mul3A_684 = arith.constant 16 : i32
        %mul3A_685 = arith.muli %scan3A_683, %mul3A_684 : i32
        %add3A_686 = arith.constant 86016 : i32
        %add3A_687 = arith.addi %add3A_686, %mul3A_685 : i32
        %mul3A_688 = arith.constant 16 : i32
        %mul3A_689 = arith.muli %scan3A_683, %mul3A_688 : i32
        %add3A_690 = arith.constant 12288 : i32
        %add3A_691 = arith.addi %add3A_690, %mul3A_689 : i32
        %get3A_692 = arith.index_cast %add3A_687 : i32 to index
        %get3A_693 = tpu.vector_load %arg5[%get3A_692] {strides = array<i32>} : memref<98304xf32, #tpu.memory_space<vmem>>, vector<16xf32>,
        %get3A_694 = vector.shape_cast %get3A_693 : vector<16xf32> to vector<16xf32>
        %get3A_695 = arith.index_cast %add3A_691 : i32 to index
        %get3A_696 = tpu.vector_load %arg6[%get3A_695] {strides = array<i32>} : memref<24576xf32, #tpu.memory_space<vmem>>, vector<16xf32>,
        %get3A_697 = vector.shape_cast %get3A_696 : vector<16xf32> to vector<16xf32>
        %add3A_698 = arith.addf %get3A_694, %get3A_697 : vector<16xf32>
        %swap3A_699 = arith.index_cast %add3A_687 : i32 to index
        %swap3A_700 = tpu.vector_load %arg5[%swap3A_699] {strides = array<i32>} : memref<98304xf32, #tpu.memory_space<vmem>>, vector<16xf32>,
        %swap3A_701 = vector.shape_cast %swap3A_700 : vector<16xf32> to vector<16xf32>
        %swap3A_702 = vector.shape_cast %add3A_698 : vector<16xf32> to vector<16xf32>
        tpu.vector_store %arg5[%swap3A_699], %swap3A_702 {strides = array<i32>} : memref<98304xf32, #tpu.memory_space<vmem>>, vector<16xf32>,
        %scan3A_703 = arith.constant 0 : i32
        %scan3A_704 = arith.constant 3 : i32
        %scan3A_705 = arith.addi %scan3A_640, %scan3A_704 : i32
        %mul3A_706 = arith.constant 16 : i32
        %mul3A_707 = arith.muli %scan3A_705, %mul3A_706 : i32
        %add3A_708 = arith.constant 86016 : i32
        %add3A_709 = arith.addi %add3A_708, %mul3A_707 : i32
        %mul3A_710 = arith.constant 16 : i32
        %mul3A_711 = arith.muli %scan3A_705, %mul3A_710 : i32
        %add3A_712 = arith.constant 12288 : i32
        %add3A_713 = arith.addi %add3A_712, %mul3A_711 : i32
        %get3A_714 = arith.index_cast %add3A_709 : i32 to index
        %get3A_715 = tpu.vector_load %arg5[%get3A_714] {strides = array<i32>} : memref<98304xf32, #tpu.memory_space<vmem>>, vector<16xf32>,
        %get3A_716 = vector.shape_cast %get3A_715 : vector<16xf32> to vector<16xf32>
        %get3A_717 = arith.index_cast %add3A_713 : i32 to index
        %get3A_718 = tpu.vector_load %arg6[%get3A_717] {strides = array<i32>} : memref<24576xf32, #tpu.memory_space<vmem>>, vector<16xf32>,
        %get3A_719 = vector.shape_cast %get3A_718 : vector<16xf32> to vector<16xf32>
        %add3A_720 = arith.addf %get3A_716, %get3A_719 : vector<16xf32>
        %swap3A_721 = arith.index_cast %add3A_709 : i32 to index
        %swap3A_722 = tpu.vector_load %arg5[%swap3A_721] {strides = array<i32>} : memref<98304xf32, #tpu.memory_space<vmem>>, vector<16xf32>,
        %swap3A_723 = vector.shape_cast %swap3A_722 : vector<16xf32> to vector<16xf32>
        %swap3A_724 = vector.shape_cast %add3A_720 : vector<16xf32> to vector<16xf32>
        tpu.vector_store %arg5[%swap3A_721], %swap3A_724 {strides = array<i32>} : memref<98304xf32, #tpu.memory_space<vmem>>, vector<16xf32>,
        %scan3A_725 = arith.constant 0 : i32
        %scan3A_726 = arith.constant 4 : i32
        %scan3A_727 = arith.addi %scan3A_640, %scan3A_726 : i32
        %mul3A_728 = arith.constant 16 : i32
        %mul3A_729 = arith.muli %scan3A_727, %mul3A_728 : i32
        %add3A_730 = arith.constant 86016 : i32
        %add3A_731 = arith.addi %add3A_730, %mul3A_729 : i32
        %mul3A_732 = arith.constant 16 : i32
        %mul3A_733 = arith.muli %scan3A_727, %mul3A_732 : i32
        %add3A_734 = arith.constant 12288 : i32
        %add3A_735 = arith.addi %add3A_734, %mul3A_733 : i32
        %get3A_736 = arith.index_cast %add3A_731 : i32 to index
        %get3A_737 = tpu.vector_load %arg5[%get3A_736] {strides = array<i32>} : memref<98304xf32, #tpu.memory_space<vmem>>, vector<16xf32>,
        %get3A_738 = vector.shape_cast %get3A_737 : vector<16xf32> to vector<16xf32>
        %get3A_739 = arith.index_cast %add3A_735 : i32 to index
        %get3A_740 = tpu.vector_load %arg6[%get3A_739] {strides = array<i32>} : memref<24576xf32, #tpu.memory_space<vmem>>, vector<16xf32>,
        %get3A_741 = vector.shape_cast %get3A_740 : vector<16xf32> to vector<16xf32>
        %add3A_742 = arith.addf %get3A_738, %get3A_741 : vector<16xf32>
        %swap3A_743 = arith.index_cast %add3A_731 : i32 to index
        %swap3A_744 = tpu.vector_load %arg5[%swap3A_743] {strides = array<i32>} : memref<98304xf32, #tpu.memory_space<vmem>>, vector<16xf32>,
        %swap3A_745 = vector.shape_cast %swap3A_744 : vector<16xf32> to vector<16xf32>
        %swap3A_746 = vector.shape_cast %add3A_742 : vector<16xf32> to vector<16xf32>
        tpu.vector_store %arg5[%swap3A_743], %swap3A_746 {strides = array<i32>} : memref<98304xf32, #tpu.memory_space<vmem>>, vector<16xf32>,
        %scan3A_747 = arith.constant 0 : i32
        %scan3A_748 = arith.constant 5 : i32
        %scan3A_749 = arith.addi %scan3A_640, %scan3A_748 : i32
        %mul3A_750 = arith.constant 16 : i32
        %mul3A_751 = arith.muli %scan3A_749, %mul3A_750 : i32
        %add3A_752 = arith.constant 86016 : i32
        %add3A_753 = arith.addi %add3A_752, %mul3A_751 : i32
        %mul3A_754 = arith.constant 16 : i32
        %mul3A_755 = arith.muli %scan3A_749, %mul3A_754 : i32
        %add3A_756 = arith.constant 12288 : i32
        %add3A_757 = arith.addi %add3A_756, %mul3A_755 : i32
        %get3A_758 = arith.index_cast %add3A_753 : i32 to index
        %get3A_759 = tpu.vector_load %arg5[%get3A_758] {strides = array<i32>} : memref<98304xf32, #tpu.memory_space<vmem>>, vector<16xf32>,
        %get3A_760 = vector.shape_cast %get3A_759 : vector<16xf32> to vector<16xf32>
        %get3A_761 = arith.index_cast %add3A_757 : i32 to index
        %get3A_762 = tpu.vector_load %arg6[%get3A_761] {strides = array<i32>} : memref<24576xf32, #tpu.memory_space<vmem>>, vector<16xf32>,
        %get3A_763 = vector.shape_cast %get3A_762 : vector<16xf32> to vector<16xf32>
        %add3A_764 = arith.addf %get3A_760, %get3A_763 : vector<16xf32>
        %swap3A_765 = arith.index_cast %add3A_753 : i32 to index
        %swap3A_766 = tpu.vector_load %arg5[%swap3A_765] {strides = array<i32>} : memref<98304xf32, #tpu.memory_space<vmem>>, vector<16xf32>,
        %swap3A_767 = vector.shape_cast %swap3A_766 : vector<16xf32> to vector<16xf32>
        %swap3A_768 = vector.shape_cast %add3A_764 : vector<16xf32> to vector<16xf32>
        tpu.vector_store %arg5[%swap3A_765], %swap3A_768 {strides = array<i32>} : memref<98304xf32, #tpu.memory_space<vmem>>, vector<16xf32>,
        %scan3A_769 = arith.constant 0 : i32
        %scan3A_770 = arith.constant 6 : i32
        %scan3A_771 = arith.addi %scan3A_640, %scan3A_770 : i32
        %mul3A_772 = arith.constant 16 : i32
        %mul3A_773 = arith.muli %scan3A_771, %mul3A_772 : i32
        %add3A_774 = arith.constant 86016 : i32
        %add3A_775 = arith.addi %add3A_774, %mul3A_773 : i32
        %mul3A_776 = arith.constant 16 : i32
        %mul3A_777 = arith.muli %scan3A_771, %mul3A_776 : i32
        %add3A_778 = arith.constant 12288 : i32
        %add3A_779 = arith.addi %add3A_778, %mul3A_777 : i32
        %get3A_780 = arith.index_cast %add3A_775 : i32 to index
        %get3A_781 = tpu.vector_load %arg5[%get3A_780] {strides = array<i32>} : memref<98304xf32, #tpu.memory_space<vmem>>, vector<16xf32>,
        %get3A_782 = vector.shape_cast %get3A_781 : vector<16xf32> to vector<16xf32>
        %get3A_783 = arith.index_cast %add3A_779 : i32 to index
        %get3A_784 = tpu.vector_load %arg6[%get3A_783] {strides = array<i32>} : memref<24576xf32, #tpu.memory_space<vmem>>, vector<16xf32>,
        %get3A_785 = vector.shape_cast %get3A_784 : vector<16xf32> to vector<16xf32>
        %add3A_786 = arith.addf %get3A_782, %get3A_785 : vector<16xf32>
        %swap3A_787 = arith.index_cast %add3A_775 : i32 to index
        %swap3A_788 = tpu.vector_load %arg5[%swap3A_787] {strides = array<i32>} : memref<98304xf32, #tpu.memory_space<vmem>>, vector<16xf32>,
        %swap3A_789 = vector.shape_cast %swap3A_788 : vector<16xf32> to vector<16xf32>
        %swap3A_790 = vector.shape_cast %add3A_786 : vector<16xf32> to vector<16xf32>
        tpu.vector_store %arg5[%swap3A_787], %swap3A_790 {strides = array<i32>} : memref<98304xf32, #tpu.memory_space<vmem>>, vector<16xf32>,
        %scan3A_791 = arith.constant 0 : i32
        %scan3A_792 = arith.constant 7 : i32
        %scan3A_793 = arith.addi %scan3A_640, %scan3A_792 : i32
        %mul3A_794 = arith.constant 16 : i32
        %mul3A_795 = arith.muli %scan3A_793, %mul3A_794 : i32
        %add3A_796 = arith.constant 86016 : i32
        %add3A_797 = arith.addi %add3A_796, %mul3A_795 : i32
        %mul3A_798 = arith.constant 16 : i32
        %mul3A_799 = arith.muli %scan3A_793, %mul3A_798 : i32
        %add3A_800 = arith.constant 12288 : i32
        %add3A_801 = arith.addi %add3A_800, %mul3A_799 : i32
        %get3A_802 = arith.index_cast %add3A_797 : i32 to index
        %get3A_803 = tpu.vector_load %arg5[%get3A_802] {strides = array<i32>} : memref<98304xf32, #tpu.memory_space<vmem>>, vector<16xf32>,
        %get3A_804 = vector.shape_cast %get3A_803 : vector<16xf32> to vector<16xf32>
        %get3A_805 = arith.index_cast %add3A_801 : i32 to index
        %get3A_806 = tpu.vector_load %arg6[%get3A_805] {strides = array<i32>} : memref<24576xf32, #tpu.memory_space<vmem>>, vector<16xf32>,
        %get3A_807 = vector.shape_cast %get3A_806 : vector<16xf32> to vector<16xf32>
        %add3A_808 = arith.addf %get3A_804, %get3A_807 : vector<16xf32>
        %swap3A_809 = arith.index_cast %add3A_797 : i32 to index
        %swap3A_810 = tpu.vector_load %arg5[%swap3A_809] {strides = array<i32>} : memref<98304xf32, #tpu.memory_space<vmem>>, vector<16xf32>,
        %swap3A_811 = vector.shape_cast %swap3A_810 : vector<16xf32> to vector<16xf32>
        %swap3A_812 = vector.shape_cast %add3A_808 : vector<16xf32> to vector<16xf32>
        tpu.vector_store %arg5[%swap3A_809], %swap3A_812 {strides = array<i32>} : memref<98304xf32, #tpu.memory_space<vmem>>, vector<16xf32>,
        %scan3A_813 = arith.constant 0 : i32
        scf.yield %scan3A_813 : i32
      }
      %scan3A_612 = arith.constant 768 : i32
      %add3A_613 = arith.constant 24576 : i32
      %add3A_614 = arith.addi %add3A_613, %mul3A_2 : i32
      %mul3A_615 = arith.constant 16 : i32
      %mul3A_616 = arith.muli %add3A_458, %mul3A_615 : i32
      %add3A_617 = arith.addi %add3A_614, %mul3A_616 : i32
      %mul3A_618 = arith.constant 768 : i32
      %mul3A_619 = arith.muli %add3A_617, %mul3A_618 : i32
      %dma_start3A_620 = arith.constant 7 : i32
      %dma_start3A_621 = arith.constant 86016 : i32
      %dma_start3A_622 = tpu.memref_slice %arg5[%dma_start3A_621] : memref<98304xf32, #tpu.memory_space<vmem>> -> memref<12288xf32, #tpu.memory_space<vmem>>
      %dma_start3A_623 = tpu.memref_slice %arg4[%mul3A_619] : memref<25165824xf32, #tpu.memory_space<hbm>> -> memref<12288xf32, #tpu.memory_space<hbm>>
      %dma_start3A_624 = tpu.memref_slice %arg9[%dma_start3A_620] : memref<8x!tpu.dma_semaphore, #tpu.memory_space<semaphore_mem>> -> memref<1x!tpu.dma_semaphore, #tpu.memory_space<semaphore_mem>>
      %dma_start3A_625 = tpu.memref_squeeze %dma_start3A_624 : memref<1x!tpu.dma_semaphore, #tpu.memory_space<semaphore_mem>> -> memref<!tpu.dma_semaphore, #tpu.memory_space<semaphore_mem>>
      %dma_start3A_626 = tpu.memref_slice %arg4[%mul3A_619] : memref<25165824xf32, #tpu.memory_space<hbm>> -> memref<12288xf32, #tpu.memory_space<hbm>>
      %dma_start3A_627 = arith.constant 86016 : i32
      %dma_start3A_628 = tpu.memref_slice %arg5[%dma_start3A_627] : memref<98304xf32, #tpu.memory_space<vmem>> -> memref<12288xf32, #tpu.memory_space<vmem>>
      tpu.enqueue_dma source(%dma_start3A_628 : memref<12288xf32, #tpu.memory_space<vmem>>) target(%dma_start3A_626 : memref<12288xf32, #tpu.memory_space<hbm>>) target_semaphore(%dma_start3A_625 : memref<!tpu.dma_semaphore, #tpu.memory_space<semaphore_mem>>)
      %mul3A_629 = arith.constant 2 : i32
      %mul3A_630 = arith.muli %mul3A_629, %scan3A_272 : i32
      %add3A_631 = arith.constant 1 : i32
      %add3A_632 = arith.addi %mul3A_630, %add3A_631 : i32
      %add3A_633 = arith.constant 2 : i32
      %add3A_634 = arith.addi %add3A_632, %add3A_633 : i32
      %lt3A_635 = arith.constant 16 : i32
      %lt3A_636 = arith.cmpi slt, %add3A_634, %lt3A_635 : i32
      %convert_element_type3A_637 = arith.extui %lt3A_636 : i1 to i32
      %cond3A_638 = arith.constant 0 : i32
      %cond3A_639 = arith.cmpi ne, %convert_element_type3A_637, %cond3A_638 : i32
      scf.if %cond3A_639 {
        %add3A_640 = arith.constant 2 : i32
        %add3A_641 = arith.addi %add3A_458, %add3A_640 : i32
        %add3A_642 = arith.constant 0 : i32
        %add3A_643 = arith.addi %add3A_642, %mul3A_2 : i32
        %mul3A_644 = arith.constant 16 : i32
        %mul3A_645 = arith.muli %add3A_458, %mul3A_644 : i32
        %add3A_646 = arith.addi %add3A_643, %mul3A_645 : i32
        %mul3A_647 = arith.constant 768 : i32
        %mul3A_648 = arith.muli %add3A_646, %mul3A_647 : i32
        %dma_wait3A_649 = arith.constant 4 : i32
        %dma_wait3A_650 = arith.constant 49152 : i32
        %dma_wait3A_651 = tpu.memref_slice %arg5[%dma_wait3A_650] : memref<98304xf32, #tpu.memory_space<vmem>> -> memref<12288xf32, #tpu.memory_space<vmem>>
        %dma_wait3A_652 = tpu.memref_slice %arg4[%mul3A_648] : memref<25165824xf32, #tpu.memory_space<hbm>> -> memref<12288xf32, #tpu.memory_space<hbm>>
        %dma_wait3A_653 = tpu.memref_slice %arg9[%dma_wait3A_649] : memref<8x!tpu.dma_semaphore, #tpu.memory_space<semaphore_mem>> -> memref<1x!tpu.dma_semaphore, #tpu.memory_space<semaphore_mem>>
        %dma_wait3A_654 = tpu.memref_squeeze %dma_wait3A_653 : memref<1x!tpu.dma_semaphore, #tpu.memory_space<semaphore_mem>> -> memref<!tpu.dma_semaphore, #tpu.memory_space<semaphore_mem>>
        %dma_wait3A_655 = tpu.memref_slice %arg4[%mul3A_648] : memref<25165824xf32, #tpu.memory_space<hbm>> -> memref<12288xf32, #tpu.memory_space<hbm>>
        %dma_wait3A_656 = arith.constant 49152 : i32
        %dma_wait3A_657 = tpu.memref_slice %arg5[%dma_wait3A_656] : memref<98304xf32, #tpu.memory_space<vmem>> -> memref<12288xf32, #tpu.memory_space<vmem>>
        tpu.wait_dma2 semaphore(%dma_wait3A_654 : memref<!tpu.dma_semaphore, #tpu.memory_space<semaphore_mem>>) src(%dma_wait3A_657 : memref<12288xf32, #tpu.memory_space<vmem>>) dst(%dma_wait3A_655 : memref<12288xf32, #tpu.memory_space<hbm>>)
        %add3A_658 = arith.constant 0 : i32
        %add3A_659 = arith.addi %add3A_658, %mul3A_2 : i32
        %mul3A_660 = arith.constant 16 : i32
        %mul3A_661 = arith.muli %add3A_641, %mul3A_660 : i32
        %add3A_662 = arith.addi %add3A_659, %mul3A_661 : i32
        %mul3A_663 = arith.constant 768 : i32
        %mul3A_664 = arith.muli %add3A_662, %mul3A_663 : i32
        %dma_start3A_665 = arith.constant 4 : i32
        %dma_start3A_666 = arith.constant 49152 : i32
        %dma_start3A_667 = tpu.memref_slice %arg5[%dma_start3A_666] : memref<98304xf32, #tpu.memory_space<vmem>> -> memref<12288xf32, #tpu.memory_space<vmem>>
        %dma_start3A_668 = tpu.memref_slice %arg2[%mul3A_664] : memref<25165824xf32, #tpu.memory_space<hbm>> -> memref<12288xf32, #tpu.memory_space<hbm>>
        %dma_start3A_669 = tpu.memref_slice %arg7[%dma_start3A_665] : memref<8x!tpu.dma_semaphore, #tpu.memory_space<semaphore_mem>> -> memref<1x!tpu.dma_semaphore, #tpu.memory_space<semaphore_mem>>
        %dma_start3A_670 = tpu.memref_squeeze %dma_start3A_669 : memref<1x!tpu.dma_semaphore, #tpu.memory_space<semaphore_mem>> -> memref<!tpu.dma_semaphore, #tpu.memory_space<semaphore_mem>>
        %dma_start3A_671 = arith.constant 49152 : i32
        %dma_start3A_672 = tpu.memref_slice %arg5[%dma_start3A_671] : memref<98304xf32, #tpu.memory_space<vmem>> -> memref<12288xf32, #tpu.memory_space<vmem>>
        %dma_start3A_673 = tpu.memref_slice %arg2[%mul3A_664] : memref<25165824xf32, #tpu.memory_space<hbm>> -> memref<12288xf32, #tpu.memory_space<hbm>>
        tpu.enqueue_dma source(%dma_start3A_673 : memref<12288xf32, #tpu.memory_space<hbm>>) target(%dma_start3A_672 : memref<12288xf32, #tpu.memory_space<vmem>>) target_semaphore(%dma_start3A_670 : memref<!tpu.dma_semaphore, #tpu.memory_space<semaphore_mem>>)
        %add3A_674 = arith.constant 8192 : i32
        %add3A_675 = arith.addi %add3A_674, %mul3A_2 : i32
        %mul3A_676 = arith.constant 16 : i32
        %mul3A_677 = arith.muli %add3A_458, %mul3A_676 : i32
        %add3A_678 = arith.addi %add3A_675, %mul3A_677 : i32
        %mul3A_679 = arith.constant 768 : i32
        %mul3A_680 = arith.muli %add3A_678, %mul3A_679 : i32
        %dma_wait3A_681 = arith.constant 5 : i32
        %dma_wait3A_682 = arith.constant 61440 : i32
        %dma_wait3A_683 = tpu.memref_slice %arg5[%dma_wait3A_682] : memref<98304xf32, #tpu.memory_space<vmem>> -> memref<12288xf32, #tpu.memory_space<vmem>>
        %dma_wait3A_684 = tpu.memref_slice %arg4[%mul3A_680] : memref<25165824xf32, #tpu.memory_space<hbm>> -> memref<12288xf32, #tpu.memory_space<hbm>>
        %dma_wait3A_685 = tpu.memref_slice %arg9[%dma_wait3A_681] : memref<8x!tpu.dma_semaphore, #tpu.memory_space<semaphore_mem>> -> memref<1x!tpu.dma_semaphore, #tpu.memory_space<semaphore_mem>>
        %dma_wait3A_686 = tpu.memref_squeeze %dma_wait3A_685 : memref<1x!tpu.dma_semaphore, #tpu.memory_space<semaphore_mem>> -> memref<!tpu.dma_semaphore, #tpu.memory_space<semaphore_mem>>
        %dma_wait3A_687 = tpu.memref_slice %arg4[%mul3A_680] : memref<25165824xf32, #tpu.memory_space<hbm>> -> memref<12288xf32, #tpu.memory_space<hbm>>
        %dma_wait3A_688 = arith.constant 61440 : i32
        %dma_wait3A_689 = tpu.memref_slice %arg5[%dma_wait3A_688] : memref<98304xf32, #tpu.memory_space<vmem>> -> memref<12288xf32, #tpu.memory_space<vmem>>
        tpu.wait_dma2 semaphore(%dma_wait3A_686 : memref<!tpu.dma_semaphore, #tpu.memory_space<semaphore_mem>>) src(%dma_wait3A_689 : memref<12288xf32, #tpu.memory_space<vmem>>) dst(%dma_wait3A_687 : memref<12288xf32, #tpu.memory_space<hbm>>)
        %add3A_690 = arith.constant 8192 : i32
        %add3A_691 = arith.addi %add3A_690, %mul3A_2 : i32
        %mul3A_692 = arith.constant 16 : i32
        %mul3A_693 = arith.muli %add3A_641, %mul3A_692 : i32
        %add3A_694 = arith.addi %add3A_691, %mul3A_693 : i32
        %mul3A_695 = arith.constant 768 : i32
        %mul3A_696 = arith.muli %add3A_694, %mul3A_695 : i32
        %dma_start3A_697 = arith.constant 5 : i32
        %dma_start3A_698 = arith.constant 61440 : i32
        %dma_start3A_699 = tpu.memref_slice %arg5[%dma_start3A_698] : memref<98304xf32, #tpu.memory_space<vmem>> -> memref<12288xf32, #tpu.memory_space<vmem>>
        %dma_start3A_700 = tpu.memref_slice %arg2[%mul3A_696] : memref<25165824xf32, #tpu.memory_space<hbm>> -> memref<12288xf32, #tpu.memory_space<hbm>>
        %dma_start3A_701 = tpu.memref_slice %arg7[%dma_start3A_697] : memref<8x!tpu.dma_semaphore, #tpu.memory_space<semaphore_mem>> -> memref<1x!tpu.dma_semaphore, #tpu.memory_space<semaphore_mem>>
        %dma_start3A_702 = tpu.memref_squeeze %dma_start3A_701 : memref<1x!tpu.dma_semaphore, #tpu.memory_space<semaphore_mem>> -> memref<!tpu.dma_semaphore, #tpu.memory_space<semaphore_mem>>
        %dma_start3A_703 = arith.constant 61440 : i32
        %dma_start3A_704 = tpu.memref_slice %arg5[%dma_start3A_703] : memref<98304xf32, #tpu.memory_space<vmem>> -> memref<12288xf32, #tpu.memory_space<vmem>>
        %dma_start3A_705 = tpu.memref_slice %arg2[%mul3A_696] : memref<25165824xf32, #tpu.memory_space<hbm>> -> memref<12288xf32, #tpu.memory_space<hbm>>
        tpu.enqueue_dma source(%dma_start3A_705 : memref<12288xf32, #tpu.memory_space<hbm>>) target(%dma_start3A_704 : memref<12288xf32, #tpu.memory_space<vmem>>) target_semaphore(%dma_start3A_702 : memref<!tpu.dma_semaphore, #tpu.memory_space<semaphore_mem>>)
        %add3A_706 = arith.constant 16384 : i32
        %add3A_707 = arith.addi %add3A_706, %mul3A_2 : i32
        %mul3A_708 = arith.constant 16 : i32
        %mul3A_709 = arith.muli %add3A_458, %mul3A_708 : i32
        %add3A_710 = arith.addi %add3A_707, %mul3A_709 : i32
        %mul3A_711 = arith.constant 768 : i32
        %mul3A_712 = arith.muli %add3A_710, %mul3A_711 : i32
        %dma_wait3A_713 = arith.constant 6 : i32
        %dma_wait3A_714 = arith.constant 73728 : i32
        %dma_wait3A_715 = tpu.memref_slice %arg5[%dma_wait3A_714] : memref<98304xf32, #tpu.memory_space<vmem>> -> memref<12288xf32, #tpu.memory_space<vmem>>
        %dma_wait3A_716 = tpu.memref_slice %arg4[%mul3A_712] : memref<25165824xf32, #tpu.memory_space<hbm>> -> memref<12288xf32, #tpu.memory_space<hbm>>
        %dma_wait3A_717 = tpu.memref_slice %arg9[%dma_wait3A_713] : memref<8x!tpu.dma_semaphore, #tpu.memory_space<semaphore_mem>> -> memref<1x!tpu.dma_semaphore, #tpu.memory_space<semaphore_mem>>
        %dma_wait3A_718 = tpu.memref_squeeze %dma_wait3A_717 : memref<1x!tpu.dma_semaphore, #tpu.memory_space<semaphore_mem>> -> memref<!tpu.dma_semaphore, #tpu.memory_space<semaphore_mem>>
        %dma_wait3A_719 = tpu.memref_slice %arg4[%mul3A_712] : memref<25165824xf32, #tpu.memory_space<hbm>> -> memref<12288xf32, #tpu.memory_space<hbm>>
        %dma_wait3A_720 = arith.constant 73728 : i32
        %dma_wait3A_721 = tpu.memref_slice %arg5[%dma_wait3A_720] : memref<98304xf32, #tpu.memory_space<vmem>> -> memref<12288xf32, #tpu.memory_space<vmem>>
        tpu.wait_dma2 semaphore(%dma_wait3A_718 : memref<!tpu.dma_semaphore, #tpu.memory_space<semaphore_mem>>) src(%dma_wait3A_721 : memref<12288xf32, #tpu.memory_space<vmem>>) dst(%dma_wait3A_719 : memref<12288xf32, #tpu.memory_space<hbm>>)
        %add3A_722 = arith.constant 16384 : i32
        %add3A_723 = arith.addi %add3A_722, %mul3A_2 : i32
        %mul3A_724 = arith.constant 16 : i32
        %mul3A_725 = arith.muli %add3A_641, %mul3A_724 : i32
        %add3A_726 = arith.addi %add3A_723, %mul3A_725 : i32
        %mul3A_727 = arith.constant 768 : i32
        %mul3A_728 = arith.muli %add3A_726, %mul3A_727 : i32
        %dma_start3A_729 = arith.constant 6 : i32
        %dma_start3A_730 = arith.constant 73728 : i32
        %dma_start3A_731 = tpu.memref_slice %arg5[%dma_start3A_730] : memref<98304xf32, #tpu.memory_space<vmem>> -> memref<12288xf32, #tpu.memory_space<vmem>>
        %dma_start3A_732 = tpu.memref_slice %arg2[%mul3A_728] : memref<25165824xf32, #tpu.memory_space<hbm>> -> memref<12288xf32, #tpu.memory_space<hbm>>
        %dma_start3A_733 = tpu.memref_slice %arg7[%dma_start3A_729] : memref<8x!tpu.dma_semaphore, #tpu.memory_space<semaphore_mem>> -> memref<1x!tpu.dma_semaphore, #tpu.memory_space<semaphore_mem>>
        %dma_start3A_734 = tpu.memref_squeeze %dma_start3A_733 : memref<1x!tpu.dma_semaphore, #tpu.memory_space<semaphore_mem>> -> memref<!tpu.dma_semaphore, #tpu.memory_space<semaphore_mem>>
        %dma_start3A_735 = arith.constant 73728 : i32
        %dma_start3A_736 = tpu.memref_slice %arg5[%dma_start3A_735] : memref<98304xf32, #tpu.memory_space<vmem>> -> memref<12288xf32, #tpu.memory_space<vmem>>
        %dma_start3A_737 = tpu.memref_slice %arg2[%mul3A_728] : memref<25165824xf32, #tpu.memory_space<hbm>> -> memref<12288xf32, #tpu.memory_space<hbm>>
        tpu.enqueue_dma source(%dma_start3A_737 : memref<12288xf32, #tpu.memory_space<hbm>>) target(%dma_start3A_736 : memref<12288xf32, #tpu.memory_space<vmem>>) target_semaphore(%dma_start3A_734 : memref<!tpu.dma_semaphore, #tpu.memory_space<semaphore_mem>>)
        %add3A_738 = arith.constant 24576 : i32
        %add3A_739 = arith.addi %add3A_738, %mul3A_2 : i32
        %mul3A_740 = arith.constant 16 : i32
        %mul3A_741 = arith.muli %add3A_458, %mul3A_740 : i32
        %add3A_742 = arith.addi %add3A_739, %mul3A_741 : i32
        %mul3A_743 = arith.constant 768 : i32
        %mul3A_744 = arith.muli %add3A_742, %mul3A_743 : i32
        %dma_wait3A_745 = arith.constant 7 : i32
        %dma_wait3A_746 = arith.constant 86016 : i32
        %dma_wait3A_747 = tpu.memref_slice %arg5[%dma_wait3A_746] : memref<98304xf32, #tpu.memory_space<vmem>> -> memref<12288xf32, #tpu.memory_space<vmem>>
        %dma_wait3A_748 = tpu.memref_slice %arg4[%mul3A_744] : memref<25165824xf32, #tpu.memory_space<hbm>> -> memref<12288xf32, #tpu.memory_space<hbm>>
        %dma_wait3A_749 = tpu.memref_slice %arg9[%dma_wait3A_745] : memref<8x!tpu.dma_semaphore, #tpu.memory_space<semaphore_mem>> -> memref<1x!tpu.dma_semaphore, #tpu.memory_space<semaphore_mem>>
        %dma_wait3A_750 = tpu.memref_squeeze %dma_wait3A_749 : memref<1x!tpu.dma_semaphore, #tpu.memory_space<semaphore_mem>> -> memref<!tpu.dma_semaphore, #tpu.memory_space<semaphore_mem>>
        %dma_wait3A_751 = tpu.memref_slice %arg4[%mul3A_744] : memref<25165824xf32, #tpu.memory_space<hbm>> -> memref<12288xf32, #tpu.memory_space<hbm>>
        %dma_wait3A_752 = arith.constant 86016 : i32
        %dma_wait3A_753 = tpu.memref_slice %arg5[%dma_wait3A_752] : memref<98304xf32, #tpu.memory_space<vmem>> -> memref<12288xf32, #tpu.memory_space<vmem>>
        tpu.wait_dma2 semaphore(%dma_wait3A_750 : memref<!tpu.dma_semaphore, #tpu.memory_space<semaphore_mem>>) src(%dma_wait3A_753 : memref<12288xf32, #tpu.memory_space<vmem>>) dst(%dma_wait3A_751 : memref<12288xf32, #tpu.memory_space<hbm>>)
        %add3A_754 = arith.constant 24576 : i32
        %add3A_755 = arith.addi %add3A_754, %mul3A_2 : i32
        %mul3A_756 = arith.constant 16 : i32
        %mul3A_757 = arith.muli %add3A_641, %mul3A_756 : i32
        %add3A_758 = arith.addi %add3A_755, %mul3A_757 : i32
        %mul3A_759 = arith.constant 768 : i32
        %mul3A_760 = arith.muli %add3A_758, %mul3A_759 : i32
        %dma_start3A_761 = arith.constant 7 : i32
        %dma_start3A_762 = arith.constant 86016 : i32
        %dma_start3A_763 = tpu.memref_slice %arg5[%dma_start3A_762] : memref<98304xf32, #tpu.memory_space<vmem>> -> memref<12288xf32, #tpu.memory_space<vmem>>
        %dma_start3A_764 = tpu.memref_slice %arg2[%mul3A_760] : memref<25165824xf32, #tpu.memory_space<hbm>> -> memref<12288xf32, #tpu.memory_space<hbm>>
        %dma_start3A_765 = tpu.memref_slice %arg7[%dma_start3A_761] : memref<8x!tpu.dma_semaphore, #tpu.memory_space<semaphore_mem>> -> memref<1x!tpu.dma_semaphore, #tpu.memory_space<semaphore_mem>>
        %dma_start3A_766 = tpu.memref_squeeze %dma_start3A_765 : memref<1x!tpu.dma_semaphore, #tpu.memory_space<semaphore_mem>> -> memref<!tpu.dma_semaphore, #tpu.memory_space<semaphore_mem>>
        %dma_start3A_767 = arith.constant 86016 : i32
        %dma_start3A_768 = tpu.memref_slice %arg5[%dma_start3A_767] : memref<98304xf32, #tpu.memory_space<vmem>> -> memref<12288xf32, #tpu.memory_space<vmem>>
        %dma_start3A_769 = tpu.memref_slice %arg2[%mul3A_760] : memref<25165824xf32, #tpu.memory_space<hbm>> -> memref<12288xf32, #tpu.memory_space<hbm>>
        tpu.enqueue_dma source(%dma_start3A_769 : memref<12288xf32, #tpu.memory_space<hbm>>) target(%dma_start3A_768 : memref<12288xf32, #tpu.memory_space<vmem>>) target_semaphore(%dma_start3A_766 : memref<!tpu.dma_semaphore, #tpu.memory_space<semaphore_mem>>)
        %mul3A_770 = arith.constant 16 : i32
        %mul3A_771 = arith.muli %add3A_641, %mul3A_770 : i32
        %add3A_772 = arith.addi %mul3A_2, %mul3A_771 : i32
        %mul3A_773 = arith.constant 768 : i32
        %mul3A_774 = arith.muli %add3A_772, %mul3A_773 : i32
        %dma_start3A_775 = arith.constant 1 : i32
        %dma_start3A_776 = arith.constant 12288 : i32
        %dma_start3A_777 = tpu.memref_slice %arg6[%dma_start3A_776] : memref<24576xf32, #tpu.memory_space<vmem>> -> memref<12288xf32, #tpu.memory_space<vmem>>
        %dma_start3A_778 = tpu.memref_slice %arg3[%mul3A_774] : memref<6291456xf32, #tpu.memory_space<hbm>> -> memref<12288xf32, #tpu.memory_space<hbm>>
        %dma_start3A_779 = tpu.memref_slice %arg8[%dma_start3A_775] : memref<2x!tpu.dma_semaphore, #tpu.memory_space<semaphore_mem>> -> memref<1x!tpu.dma_semaphore, #tpu.memory_space<semaphore_mem>>
        %dma_start3A_780 = tpu.memref_squeeze %dma_start3A_779 : memref<1x!tpu.dma_semaphore, #tpu.memory_space<semaphore_mem>> -> memref<!tpu.dma_semaphore, #tpu.memory_space<semaphore_mem>>
        %dma_start3A_781 = arith.constant 12288 : i32
        %dma_start3A_782 = tpu.memref_slice %arg6[%dma_start3A_781] : memref<24576xf32, #tpu.memory_space<vmem>> -> memref<12288xf32, #tpu.memory_space<vmem>>
        %dma_start3A_783 = tpu.memref_slice %arg3[%mul3A_774] : memref<6291456xf32, #tpu.memory_space<hbm>> -> memref<12288xf32, #tpu.memory_space<hbm>>
        tpu.enqueue_dma source(%dma_start3A_783 : memref<12288xf32, #tpu.memory_space<hbm>>) target(%dma_start3A_782 : memref<12288xf32, #tpu.memory_space<vmem>>) target_semaphore(%dma_start3A_780 : memref<!tpu.dma_semaphore, #tpu.memory_space<semaphore_mem>>)
      } else {
      }
    }
    %scan3A_152 = arith.constant 8 : i32
    %add3A_153 = arith.constant 0 : i32
    %add3A_154 = arith.addi %add3A_153, %mul3A_2 : i32
    %add3A_155 = arith.constant 224 : i32
    %add3A_156 = arith.addi %add3A_154, %add3A_155 : i32
    %mul3A_157 = arith.constant 768 : i32
    %mul3A_158 = arith.muli %add3A_156, %mul3A_157 : i32
    %dma_wait3A = arith.constant 0 : i32
    %dma_wait3A_159 = arith.constant 0 : i32
    %dma_wait3A_160 = tpu.memref_slice %arg5[%dma_wait3A_159] : memref<98304xf32, #tpu.memory_space<vmem>> -> memref<12288xf32, #tpu.memory_space<vmem>>
    %dma_wait3A_161 = tpu.memref_slice %arg4[%mul3A_158] : memref<25165824xf32, #tpu.memory_space<hbm>> -> memref<12288xf32, #tpu.memory_space<hbm>>
    %dma_wait3A_162 = tpu.memref_slice %arg9[%dma_wait3A] : memref<8x!tpu.dma_semaphore, #tpu.memory_space<semaphore_mem>> -> memref<1x!tpu.dma_semaphore, #tpu.memory_space<semaphore_mem>>
    %dma_wait3A_163 = tpu.memref_squeeze %dma_wait3A_162 : memref<1x!tpu.dma_semaphore, #tpu.memory_space<semaphore_mem>> -> memref<!tpu.dma_semaphore, #tpu.memory_space<semaphore_mem>>
    %dma_wait3A_164 = tpu.memref_slice %arg4[%mul3A_158] : memref<25165824xf32, #tpu.memory_space<hbm>> -> memref<12288xf32, #tpu.memory_space<hbm>>
    %dma_wait3A_165 = arith.constant 0 : i32
    %dma_wait3A_166 = tpu.memref_slice %arg5[%dma_wait3A_165] : memref<98304xf32, #tpu.memory_space<vmem>> -> memref<12288xf32, #tpu.memory_space<vmem>>
    tpu.wait_dma2 semaphore(%dma_wait3A_163 : memref<!tpu.dma_semaphore, #tpu.memory_space<semaphore_mem>>) src(%dma_wait3A_166 : memref<12288xf32, #tpu.memory_space<vmem>>) dst(%dma_wait3A_164 : memref<12288xf32, #tpu.memory_space<hbm>>)
    %add3A_167 = arith.constant 8192 : i32
    %add3A_168 = arith.addi %add3A_167, %mul3A_2 : i32
    %add3A_169 = arith.constant 224 : i32
    %add3A_170 = arith.addi %add3A_168, %add3A_169 : i32
    %mul3A_171 = arith.constant 768 : i32
    %mul3A_172 = arith.muli %add3A_170, %mul3A_171 : i32
    %dma_wait3A_173 = arith.constant 1 : i32
    %dma_wait3A_174 = arith.constant 12288 : i32
    %dma_wait3A_175 = tpu.memref_slice %arg5[%dma_wait3A_174] : memref<98304xf32, #tpu.memory_space<vmem>> -> memref<12288xf32, #tpu.memory_space<vmem>>
    %dma_wait3A_176 = tpu.memref_slice %arg4[%mul3A_172] : memref<25165824xf32, #tpu.memory_space<hbm>> -> memref<12288xf32, #tpu.memory_space<hbm>>
    %dma_wait3A_177 = tpu.memref_slice %arg9[%dma_wait3A_173] : memref<8x!tpu.dma_semaphore, #tpu.memory_space<semaphore_mem>> -> memref<1x!tpu.dma_semaphore, #tpu.memory_space<semaphore_mem>>
    %dma_wait3A_178 = tpu.memref_squeeze %dma_wait3A_177 : memref<1x!tpu.dma_semaphore, #tpu.memory_space<semaphore_mem>> -> memref<!tpu.dma_semaphore, #tpu.memory_space<semaphore_mem>>
    %dma_wait3A_179 = tpu.memref_slice %arg4[%mul3A_172] : memref<25165824xf32, #tpu.memory_space<hbm>> -> memref<12288xf32, #tpu.memory_space<hbm>>
    %dma_wait3A_180 = arith.constant 12288 : i32
    %dma_wait3A_181 = tpu.memref_slice %arg5[%dma_wait3A_180] : memref<98304xf32, #tpu.memory_space<vmem>> -> memref<12288xf32, #tpu.memory_space<vmem>>
    tpu.wait_dma2 semaphore(%dma_wait3A_178 : memref<!tpu.dma_semaphore, #tpu.memory_space<semaphore_mem>>) src(%dma_wait3A_181 : memref<12288xf32, #tpu.memory_space<vmem>>) dst(%dma_wait3A_179 : memref<12288xf32, #tpu.memory_space<hbm>>)
    %add3A_182 = arith.constant 16384 : i32
    %add3A_183 = arith.addi %add3A_182, %mul3A_2 : i32
    %add3A_184 = arith.constant 224 : i32
    %add3A_185 = arith.addi %add3A_183, %add3A_184 : i32
    %mul3A_186 = arith.constant 768 : i32
    %mul3A_187 = arith.muli %add3A_185, %mul3A_186 : i32
    %dma_wait3A_188 = arith.constant 2 : i32
    %dma_wait3A_189 = arith.constant 24576 : i32
    %dma_wait3A_190 = tpu.memref_slice %arg5[%dma_wait3A_189] : memref<98304xf32, #tpu.memory_space<vmem>> -> memref<12288xf32, #tpu.memory_space<vmem>>
    %dma_wait3A_191 = tpu.memref_slice %arg4[%mul3A_187] : memref<25165824xf32, #tpu.memory_space<hbm>> -> memref<12288xf32, #tpu.memory_space<hbm>>
    %dma_wait3A_192 = tpu.memref_slice %arg9[%dma_wait3A_188] : memref<8x!tpu.dma_semaphore, #tpu.memory_space<semaphore_mem>> -> memref<1x!tpu.dma_semaphore, #tpu.memory_space<semaphore_mem>>
    %dma_wait3A_193 = tpu.memref_squeeze %dma_wait3A_192 : memref<1x!tpu.dma_semaphore, #tpu.memory_space<semaphore_mem>> -> memref<!tpu.dma_semaphore, #tpu.memory_space<semaphore_mem>>
    %dma_wait3A_194 = tpu.memref_slice %arg4[%mul3A_187] : memref<25165824xf32, #tpu.memory_space<hbm>> -> memref<12288xf32, #tpu.memory_space<hbm>>
    %dma_wait3A_195 = arith.constant 24576 : i32
    %dma_wait3A_196 = tpu.memref_slice %arg5[%dma_wait3A_195] : memref<98304xf32, #tpu.memory_space<vmem>> -> memref<12288xf32, #tpu.memory_space<vmem>>
    tpu.wait_dma2 semaphore(%dma_wait3A_193 : memref<!tpu.dma_semaphore, #tpu.memory_space<semaphore_mem>>) src(%dma_wait3A_196 : memref<12288xf32, #tpu.memory_space<vmem>>) dst(%dma_wait3A_194 : memref<12288xf32, #tpu.memory_space<hbm>>)
    %add3A_197 = arith.constant 24576 : i32
    %add3A_198 = arith.addi %add3A_197, %mul3A_2 : i32
    %add3A_199 = arith.constant 224 : i32
    %add3A_200 = arith.addi %add3A_198, %add3A_199 : i32
    %mul3A_201 = arith.constant 768 : i32
    %mul3A_202 = arith.muli %add3A_200, %mul3A_201 : i32
    %dma_wait3A_203 = arith.constant 3 : i32
    %dma_wait3A_204 = arith.constant 36864 : i32
    %dma_wait3A_205 = tpu.memref_slice %arg5[%dma_wait3A_204] : memref<98304xf32, #tpu.memory_space<vmem>> -> memref<12288xf32, #tpu.memory_space<vmem>>
    %dma_wait3A_206 = tpu.memref_slice %arg4[%mul3A_202] : memref<25165824xf32, #tpu.memory_space<hbm>> -> memref<12288xf32, #tpu.memory_space<hbm>>
    %dma_wait3A_207 = tpu.memref_slice %arg9[%dma_wait3A_203] : memref<8x!tpu.dma_semaphore, #tpu.memory_space<semaphore_mem>> -> memref<1x!tpu.dma_semaphore, #tpu.memory_space<semaphore_mem>>
    %dma_wait3A_208 = tpu.memref_squeeze %dma_wait3A_207 : memref<1x!tpu.dma_semaphore, #tpu.memory_space<semaphore_mem>> -> memref<!tpu.dma_semaphore, #tpu.memory_space<semaphore_mem>>
    %dma_wait3A_209 = tpu.memref_slice %arg4[%mul3A_202] : memref<25165824xf32, #tpu.memory_space<hbm>> -> memref<12288xf32, #tpu.memory_space<hbm>>
    %dma_wait3A_210 = arith.constant 36864 : i32
    %dma_wait3A_211 = tpu.memref_slice %arg5[%dma_wait3A_210] : memref<98304xf32, #tpu.memory_space<vmem>> -> memref<12288xf32, #tpu.memory_space<vmem>>
    tpu.wait_dma2 semaphore(%dma_wait3A_208 : memref<!tpu.dma_semaphore, #tpu.memory_space<semaphore_mem>>) src(%dma_wait3A_211 : memref<12288xf32, #tpu.memory_space<vmem>>) dst(%dma_wait3A_209 : memref<12288xf32, #tpu.memory_space<hbm>>)
    %add3A_212 = arith.constant 0 : i32
    %add3A_213 = arith.addi %add3A_212, %mul3A_2 : i32
    %add3A_214 = arith.constant 240 : i32
    %add3A_215 = arith.addi %add3A_213, %add3A_214 : i32
    %mul3A_216 = arith.constant 768 : i32
    %mul3A_217 = arith.muli %add3A_215, %mul3A_216 : i32
    %dma_wait3A_218 = arith.constant 4 : i32
    %dma_wait3A_219 = arith.constant 49152 : i32
    %dma_wait3A_220 = tpu.memref_slice %arg5[%dma_wait3A_219] : memref<98304xf32, #tpu.memory_space<vmem>> -> memref<12288xf32, #tpu.memory_space<vmem>>
    %dma_wait3A_221 = tpu.memref_slice %arg4[%mul3A_217] : memref<25165824xf32, #tpu.memory_space<hbm>> -> memref<12288xf32, #tpu.memory_space<hbm>>
    %dma_wait3A_222 = tpu.memref_slice %arg9[%dma_wait3A_218] : memref<8x!tpu.dma_semaphore, #tpu.memory_space<semaphore_mem>> -> memref<1x!tpu.dma_semaphore, #tpu.memory_space<semaphore_mem>>
    %dma_wait3A_223 = tpu.memref_squeeze %dma_wait3A_222 : memref<1x!tpu.dma_semaphore, #tpu.memory_space<semaphore_mem>> -> memref<!tpu.dma_semaphore, #tpu.memory_space<semaphore_mem>>
    %dma_wait3A_224 = tpu.memref_slice %arg4[%mul3A_217] : memref<25165824xf32, #tpu.memory_space<hbm>> -> memref<12288xf32, #tpu.memory_space<hbm>>
    %dma_wait3A_225 = arith.constant 49152 : i32
    %dma_wait3A_226 = tpu.memref_slice %arg5[%dma_wait3A_225] : memref<98304xf32, #tpu.memory_space<vmem>> -> memref<12288xf32, #tpu.memory_space<vmem>>
    tpu.wait_dma2 semaphore(%dma_wait3A_223 : memref<!tpu.dma_semaphore, #tpu.memory_space<semaphore_mem>>) src(%dma_wait3A_226 : memref<12288xf32, #tpu.memory_space<vmem>>) dst(%dma_wait3A_224 : memref<12288xf32, #tpu.memory_space<hbm>>)
    %add3A_227 = arith.constant 8192 : i32
    %add3A_228 = arith.addi %add3A_227, %mul3A_2 : i32
    %add3A_229 = arith.constant 240 : i32
    %add3A_230 = arith.addi %add3A_228, %add3A_229 : i32
    %mul3A_231 = arith.constant 768 : i32
    %mul3A_232 = arith.muli %add3A_230, %mul3A_231 : i32
    %dma_wait3A_233 = arith.constant 5 : i32
    %dma_wait3A_234 = arith.constant 61440 : i32
    %dma_wait3A_235 = tpu.memref_slice %arg5[%dma_wait3A_234] : memref<98304xf32, #tpu.memory_space<vmem>> -> memref<12288xf32, #tpu.memory_space<vmem>>
    %dma_wait3A_236 = tpu.memref_slice %arg4[%mul3A_232] : memref<25165824xf32, #tpu.memory_space<hbm>> -> memref<12288xf32, #tpu.memory_space<hbm>>
    %dma_wait3A_237 = tpu.memref_slice %arg9[%dma_wait3A_233] : memref<8x!tpu.dma_semaphore, #tpu.memory_space<semaphore_mem>> -> memref<1x!tpu.dma_semaphore, #tpu.memory_space<semaphore_mem>>
    %dma_wait3A_238 = tpu.memref_squeeze %dma_wait3A_237 : memref<1x!tpu.dma_semaphore, #tpu.memory_space<semaphore_mem>> -> memref<!tpu.dma_semaphore, #tpu.memory_space<semaphore_mem>>
    %dma_wait3A_239 = tpu.memref_slice %arg4[%mul3A_232] : memref<25165824xf32, #tpu.memory_space<hbm>> -> memref<12288xf32, #tpu.memory_space<hbm>>
    %dma_wait3A_240 = arith.constant 61440 : i32
    %dma_wait3A_241 = tpu.memref_slice %arg5[%dma_wait3A_240] : memref<98304xf32, #tpu.memory_space<vmem>> -> memref<12288xf32, #tpu.memory_space<vmem>>
    tpu.wait_dma2 semaphore(%dma_wait3A_238 : memref<!tpu.dma_semaphore, #tpu.memory_space<semaphore_mem>>) src(%dma_wait3A_241 : memref<12288xf32, #tpu.memory_space<vmem>>) dst(%dma_wait3A_239 : memref<12288xf32, #tpu.memory_space<hbm>>)
    %add3A_242 = arith.constant 16384 : i32
    %add3A_243 = arith.addi %add3A_242, %mul3A_2 : i32
    %add3A_244 = arith.constant 240 : i32
    %add3A_245 = arith.addi %add3A_243, %add3A_244 : i32
    %mul3A_246 = arith.constant 768 : i32
    %mul3A_247 = arith.muli %add3A_245, %mul3A_246 : i32
    %dma_wait3A_248 = arith.constant 6 : i32
    %dma_wait3A_249 = arith.constant 73728 : i32
    %dma_wait3A_250 = tpu.memref_slice %arg5[%dma_wait3A_249] : memref<98304xf32, #tpu.memory_space<vmem>> -> memref<12288xf32, #tpu.memory_space<vmem>>
    %dma_wait3A_251 = tpu.memref_slice %arg4[%mul3A_247] : memref<25165824xf32, #tpu.memory_space<hbm>> -> memref<12288xf32, #tpu.memory_space<hbm>>
    %dma_wait3A_252 = tpu.memref_slice %arg9[%dma_wait3A_248] : memref<8x!tpu.dma_semaphore, #tpu.memory_space<semaphore_mem>> -> memref<1x!tpu.dma_semaphore, #tpu.memory_space<semaphore_mem>>
    %dma_wait3A_253 = tpu.memref_squeeze %dma_wait3A_252 : memref<1x!tpu.dma_semaphore, #tpu.memory_space<semaphore_mem>> -> memref<!tpu.dma_semaphore, #tpu.memory_space<semaphore_mem>>
    %dma_wait3A_254 = tpu.memref_slice %arg4[%mul3A_247] : memref<25165824xf32, #tpu.memory_space<hbm>> -> memref<12288xf32, #tpu.memory_space<hbm>>
    %dma_wait3A_255 = arith.constant 73728 : i32
    %dma_wait3A_256 = tpu.memref_slice %arg5[%dma_wait3A_255] : memref<98304xf32, #tpu.memory_space<vmem>> -> memref<12288xf32, #tpu.memory_space<vmem>>
    tpu.wait_dma2 semaphore(%dma_wait3A_253 : memref<!tpu.dma_semaphore, #tpu.memory_space<semaphore_mem>>) src(%dma_wait3A_256 : memref<12288xf32, #tpu.memory_space<vmem>>) dst(%dma_wait3A_254 : memref<12288xf32, #tpu.memory_space<hbm>>)
    %add3A_257 = arith.constant 24576 : i32
    %add3A_258 = arith.addi %add3A_257, %mul3A_2 : i32
    %add3A_259 = arith.constant 240 : i32
    %add3A_260 = arith.addi %add3A_258, %add3A_259 : i32
    %mul3A_261 = arith.constant 768 : i32
    %mul3A_262 = arith.muli %add3A_260, %mul3A_261 : i32
    %dma_wait3A_263 = arith.constant 7 : i32
    %dma_wait3A_264 = arith.constant 86016 : i32
    %dma_wait3A_265 = tpu.memref_slice %arg5[%dma_wait3A_264] : memref<98304xf32, #tpu.memory_space<vmem>> -> memref<12288xf32, #tpu.memory_space<vmem>>
    %dma_wait3A_266 = tpu.memref_slice %arg4[%mul3A_262] : memref<25165824xf32, #tpu.memory_space<hbm>> -> memref<12288xf32, #tpu.memory_space<hbm>>
    %dma_wait3A_267 = tpu.memref_slice %arg9[%dma_wait3A_263] : memref<8x!tpu.dma_semaphore, #tpu.memory_space<semaphore_mem>> -> memref<1x!tpu.dma_semaphore, #tpu.memory_space<semaphore_mem>>
    %dma_wait3A_268 = tpu.memref_squeeze %dma_wait3A_267 : memref<1x!tpu.dma_semaphore, #tpu.memory_space<semaphore_mem>> -> memref<!tpu.dma_semaphore, #tpu.memory_space<semaphore_mem>>
    %dma_wait3A_269 = tpu.memref_slice %arg4[%mul3A_262] : memref<25165824xf32, #tpu.memory_space<hbm>> -> memref<12288xf32, #tpu.memory_space<hbm>>
    %dma_wait3A_270 = arith.constant 86016 : i32
    %dma_wait3A_271 = tpu.memref_slice %arg5[%dma_wait3A_270] : memref<98304xf32, #tpu.memory_space<vmem>> -> memref<12288xf32, #tpu.memory_space<vmem>>
    tpu.wait_dma2 semaphore(%dma_wait3A_268 : memref<!tpu.dma_semaphore, #tpu.memory_space<semaphore_mem>>) src(%dma_wait3A_271 : memref<12288xf32, #tpu.memory_space<vmem>>) dst(%dma_wait3A_269 : memref<12288xf32, #tpu.memory_space<hbm>>)
    return
  }
}

</mosaic_0001>

<sc_bundles>
// kernel: kernel.3.cloned.1.call-start
scs
__scs_entry_jumppad:
0x0: {  	(pc) =	sbr.rel $0x88, $3  }
0x1: {  	(tag) =	ssettag $0x0;
	lr =	simm.s32 $0x1  }
0x2: {  	[smem:$0x3F9F] =	sst lr;
	_ =	strace $0xD0000000  }
0x3: {  	_ = 	snop  }
0x4: {  	_ = 	snop  }
0x5: {  	_ = 	snop  }
0x6: {  	_ = 	snop  }
0x7: {  	_ = 	snop  }
__scs_overlays_trampoline_lowered:
0x8: {  	[smem:$0x3FAE] =	sst s0  }
0x9: {  	[smem:$0x3FAF] =	sst s1  }
0xa: {  	[smem:$0x3FB0] =	sst s2  }
0xb: {  	[smem:$0x3FB1] =	sst s3  }
0xc: {  	[smem:$0x3FB2] =	sst s4  }
0xd: {  	[smem:$0x3FB3] =	sst s5  }
0xe: {  	[smem:$0x3FB4] =	sst s6  }
0xf: {  	[smem:$0x3FB5] =	sst s7  }
0x10: {  	[smem:$0x3FB6] =	sst s8  }
0x11: {  	[smem:$0x3FB7] =	sst s9;
	s0 =	simm.s32 @!p0 $0x0  }
0x12: {  	s1 =	sld [smem:$0x3F9D];
	s0 =	simm.s32 @p0 $0x1  }
0x13: {  	[smem:$0x3FB8] =	sst s0;
	s0 =	simm.s32 @!p1 $0x0  }
0x14: {  	s2 =	sld [smem:$0x3F9C];
	s0 =	simm.s32 @p1 $0x1  }
0x15: {  	[smem:$0x3FB9] =	sst s0;
	s0 =	simm.s32 @!p2 $0x0  }
0x16: {  	s3 =	sld [smem:$0x3FDB];
	s0 =	simm.s32 @p2 $0x1  }
0x17: {  	s4 =	simm.s32 $0x1BF5;
	[smem:$0x3FBB] =	sst s0  }
0x18: {  	s0 =	sld [smem:$0x3F9E];
	_ =	swait.ge [sflag:s4], $0x0  }
0x19: {  	s7 =	sld [smem:$0x3F9F]  }
0x1a: {  	s8 =	sadd.s32 $0xFFFFE003, lr  }
0x1b: {  	s9 =	sadd.s32 $0xFFFFFEF7, lr;
	s5 =	simm.s32 $0xFFFFFFFF;
	p2 =	slt.u32 s8, $0xFFFFF086  }
0x1c: {  	p1 =	slt.u32 s9, $0xF7A;
	s5 =	simm.s32 @!p2 $0x0  }
0x1d: {  	s5 =	simm.s32 @p1 $0x1;
	p0 =	seq.s32 s7, s2  }
0x1e: {  	s7 =	smul.u32 @!p0 $0xF7A, s2;
	p2 =	seq.s32 @!p0 s5, $0x0  }
0x1f: {  	s9 =	smul.u32 $0xF7A, s1;
	s8 =	simm.s32 @!p0 $0x1BF5;
	p2 =	por !p2, p0  }
0x20: {  	[sflag:s8] =	ssyncset.s32 @!p0 $0xFFFFF086;
	s6 =	sadd.s32 @!p0 s3, s7;
	s7 =	simm.s32 @!p0 $0x108  }
0x21: {  	s3 =	sadd.s32 s3, s9;
	s6 =	sadd.s32 @!p0 $0x88, s6;
	s7 =	simm.s32 @p2 $0x1082  }
0x22: {  	[simem:s7], [sflag:s8] =	dma.local @!p0 [hbm:s6], $0xF7A  }
0x23: {  	s9 =	sor.u32 $0xD0000000, s2;
	s6 =	simm.s32 $0x108;
	_ =	swait.ge @!p0 [sflag:s8], $0x0  }
0x24: {  	s3 =	sadd.s32 $0x88, s3;
	s6 =	simm.s32 @!p1 $0x1082;
	[sflag:s4] =	ssyncset.s32 $0xFFFFF086  }
0x25: {  	[simem:s6], [sflag:s4] =	dma.local [hbm:s3], $0xF7A  }
0x26: {  	[smem:$0x3F9F] =	sst s1;
	(tag) =	ssettag s2;
	_ =	strace s9  }
0x27: {  	s1 =	sld [smem:$0x3FAF]  }
0x28: {  	s2 =	sld [smem:$0x3FB0]  }
0x29: {  	s4 =	sld [smem:$0x3FB2]  }
0x2a: {  	p0 =	seq.s32 s5, $0x0;
	s5 =	sld [smem:$0x3FB3]  }
0x2b: {  	s6 =	sld [smem:$0x3FB4]  }
0x2c: {  	s7 =	sld [smem:$0x3FB5]  }
0x2d: {  	s3 =	simm.s32 $0x108;
	s8 =	sld [smem:$0x3FB6]  }
0x2e: {  	s3 =	simm.s32 @!p0 $0x1082;
	s9 =	sld [smem:$0x3FB7]  }
0x2f: {  	lr =	sadd.s32 s0, s3;
	s0 =	sld [smem:$0x3FAE]  }
0x30: {  	s3 =	sld [smem:$0x3FB1]  }
0x31: {  	[smem:$0x3FBA] =	sst s10  }
0x32: {  	s10 =	sld [smem:$0x3FB8];
	_ =	sdelay $0x3  }
0x33: {  	p0 =	seq.s32 s10, $0x1;
	s10 =	sld [smem:$0x3FBA];
	_ =	sdelay $0x3  }
0x34: {  	[smem:$0x3FBA] =	sst s10  }
0x35: {  	s10 =	sld [smem:$0x3FB9];
	_ =	sdelay $0x3  }
0x36: {  	p1 =	seq.s32 s10, $0x1;
	s10 =	sld [smem:$0x3FBA];
	_ =	sdelay $0x3  }
0x37: {  	[smem:$0x3FBA] =	sst s10  }
0x38: {  	s10 =	sld [smem:$0x3FBB]  }
0x39: {  	_ = 	snop;
	(pc) =	sbr.ind lr, $3  }
0x3a: {  	_ = 	snop  }
0x3b: {  	_ = 	snop  }
0x3c: {  	p2 =	seq.s32 s10, $0x1;
	s10 =	sld [smem:$0x3FBA]  }
0x3d: {  	_ =	shalt  }
0x3e: {  	_ =	shalt  }
0x3f: {  	_ =	shalt  }
0x40: {  	_ =	shalt  }
0x41: {  	_ =	shalt  }
0x42: {  	_ =	shalt  }
0x43: {  	_ =	shalt  }
0x44: {  	_ =	shalt  }
0x45: {  	_ =	shalt  }
0x46: {  	_ =	shalt  }
0x47: {  	_ =	shalt  }
0x48: {  	_ =	shalt  }
0x49: {  	_ =	shalt  }
0x4a: {  	_ =	shalt  }
0x4b: {  	_ =	shalt  }
0x4c: {  	_ =	shalt  }
0x4d: {  	_ =	shalt  }
0x4e: {  	_ =	shalt  }
0x4f: {  	_ =	shalt  }
0x50: {  	_ =	shalt  }
0x51: {  	_ =	shalt  }
0x52: {  	_ =	shalt  }
0x53: {  	_ =	shalt  }
0x54: {  	_ =	shalt  }
0x55: {  	_ =	shalt  }
0x56: {  	_ =	shalt  }
0x57: {  	_ =	shalt  }
0x58: {  	_ =	shalt  }
0x59: {  	_ =	shalt  }
0x5a: {  	_ =	shalt  }
0x5b: {  	_ =	shalt  }
0x5c: {  	_ =	shalt  }
0x5d: {  	_ =	shalt  }
0x5e: {  	_ =	shalt  }
0x5f: {  	_ =	shalt  }
0x60: {  	_ =	shalt  }
0x61: {  	_ =	shalt  }
0x62: {  	_ =	shalt  }
0x63: {  	_ =	shalt  }
0x64: {  	_ =	shalt  }
0x65: {  	_ =	shalt  }
0x66: {  	_ =	shalt  }
0x67: {  	_ =	shalt  }
0x68: {  	_ =	shalt  }
0x69: {  	_ =	shalt  }
0x6a: {  	_ =	shalt  }
0x6b: {  	_ =	shalt  }
0x6c: {  	_ =	shalt  }
0x6d: {  	_ =	shalt  }
0x6e: {  	_ =	shalt  }
0x6f: {  	_ =	shalt  }
0x70: {  	_ =	shalt  }
0x71: {  	_ =	shalt  }
0x72: {  	_ =	shalt  }
0x73: {  	_ =	shalt  }
0x74: {  	_ =	shalt  }
0x75: {  	_ =	shalt  }
0x76: {  	_ =	shalt  }
0x77: {  	_ =	shalt  }
0x78: {  	_ =	shalt  }
0x79: {  	_ =	shalt  }
0x7a: {  	_ =	shalt  }
0x7b: {  	_ =	shalt  }
0x7c: {  	_ =	shalt  }
0x7d: {  	_ =	shalt  }
0x7e: {  	_ =	shalt  }
0x7f: {  	_ =	shalt  }
0x80: {  	_ =	shalt  }
0x81: {  	_ =	shalt  }
0x82: {  	_ =	shalt  }
0x83: {  	_ =	shalt  }
0x84: {  	_ =	shalt  }
0x85: {  	_ =	shalt  }
0x86: {  	_ =	shalt  }
0x87: {  	_ =	shalt  }
.Lfunc_end0:
.L_simem_size_0:
called_computation_lowered:
.L_overlay_start_0:
0x88: {  	s2 =	sld [smem:$0x3FD9]  }
0x89: {  	s3 =	sld [smem:$0x3FFE];
	_ =	sdelay $0x1  }
0x8a: {  	s1 =	srdreg.scid  }
0x8b: {  	s0 =	sand.u32 $0x1, s1  }
0x8c: {  	s17 =	sshll.u32 s0, $0xA;
	s2 =	sadd.s32 s3, s2  }
0x8d: {  	s2 =	sadd.s32 s2, s17  }
0x8e: {  	[smem:$0x3FC6] =	sst s2  }
0x8f: {  	_ = 	snop  }
0x90: {  	s2 =	sld [smem:$0x3FD0];
	(tm) =	ssettm $0x1  }
0x91: {  	s18 =	sld [smem:$0x3FFB];
	_ =	sdelay $0x3  }
0x92: {  	_ =	strace s18  }
0x93: {  	s3 =	sld [smem:$0x3FFC];
	_ =	sdelay $0x3  }
0x94: {  	_ =	strace s3  }
0x95: {  	s3 =	sld [smem:$0x3FFD];
	_ =	sdelay $0x3  }
0x96: {  	_ =	strace s3  }
0x97: {  	_ =	strace $0x8FFFFFFF  }
0x98: {  	s19 =	sld [smem:$0x3FDB];
	_ =	sdelay $0x1  }
0x99: {  	s4 =	simm.s32 $_scs_section_size  }
0x9a: {  	s5 =	simm.s32 $_size__tile_overlayer_lowered;
	s6 =	simm.s32 $_tile_overlayer_lowered  }
0x9b: {  	s22 =	simm.s32 $0x1BFF;
	s21 =	sshll.u32 s6, $0x1;
	s3 =	sadd.s32 s4, s19  }
0x9c: {  	s7 =	simm.s32 $0x0;
	s20 =	sshll.u32 s5, $0x1;
	s5 =	sadd.s32 s21, s3  }
0x9d: {  	[timem:s7], [sflag:s22] =	dma.local [hbm:s5], s20  }
0x9e: {  	_ =	swait.ge [sflag:s22], s20  }
0x9f: {  	s4 =	ssub.s32 $0x0, s20;
	[sflag:s22] =	ssyncset.done $0x0  }
0xa0: {  	[sflag:s22] =	ssyncadd.s32 s4;
	_ =	sdelay $0x1  }
0xa1: {  	s23 =	simm.s32 $0x1B8B  }
0xa2: {  	_ =	swait.ge [sflag:s23], $0x1  }
0xa3: {  	[sflag:s23] =	ssyncset.done $0x0  }
0xa4: {  	s25 =	simm.s32 $0x1B8E;
	s24 =	sld [smem:$0x3FFE];
	[sflag:s23] =	ssyncadd.s32 $0xFFFFFFFF  }
0xa5: {  	s26 =	simm.s32 $execute0_lowered;
	[smem:$0x3FD2] =	sst s25  }
0xa6: {  	s5 =	sshll.u32 s26, $0x1;
	_ =	strace $0x80000046;
	[dreg:$0x1] =	wrdreg $0xFFFFFFFF  }
0xa7: {  	s28 =	simm.s32 $_size_execute0_lowered;
	s3 =	sadd.s32 s3, s5;
	[dreg:$0x0] =	wrdreg $0x0  }
0xa8: {  	s5 =	sshll.u32 s28, $0x1;
	[dreg:$0x2] =	wrdreg s3  }
0xa9: {  	[dreg:$0x3] =	wrdreg s5  }
0xaa: {  	[dreg:$0x4] =	wrdreg $0xC0  }
0xab: {  	_ =	task [dreg:s7], $0x5FFFF  }
0xac: {  	[dreg:$0x1] =	wrdreg $0xFFFFFFFF  }
0xad: {  	[dreg:$0x0] =	wrdreg $0x60  }
0xae: {  	[dreg:$0x2] =	wrdreg s2  }
0xaf: {  	[dreg:$0x3] =	wrdreg s24  }
0xb0: {  	[dreg:$0x4] =	wrdreg $0x9  }
0xb1: {  	_ =	task.clear_ibuf [dreg:s7], $0x5FFFF;
	_ =	strace $0x90000046  }
0xb2: {  	s29 =	simm.s32 $0x9;
	_ =	strace $0x80000048  }
0xb3: {  	_ =	swait.ge [sflag:s29], $0x1  }
0xb4: {  	[sflag:s29] =	ssyncadd.s32 $0xFFFFFFFF  }
0xb5: {  	_ =	strace $0x90000048  }
0xb6: {  	_ =	sfence  }
0xb7: {  	s30 =	sld [smem:$0x0];
	_ =	sdelay $0x2  }
0xb8: {  	s31 =	sshll.u32 s1, $0xD;
	s1 =	sshrl.u32 s1, $0x2  }
0xb9: {  	s3 =	sand.u32 $0x4000, s31;
	s1 =	sadd.s32 s1, s30  }
0xba: {  	s0 =	sor.u32 s3, s0;
	s1 =	sshll.u32 s1, $0x11  }
0xbb: {  	s0 =	sor.u32 s1, s0  }
0xbc: {  	s0 =	sadd.s32 $0x8F2B, s0  }
0xbd: {  	[sflag:s0] =	ssyncadd.remote.s32 $0x1  }
0xbe: {  	_ =	sfence.sel $0xFFFF  }
0xbf: {  	[dreg:$0x0] =	wrdreg $0xFFFFFFFF;
	(pc) =	sbr.abs _section_cstart, $3  }
0xc0: {  	[dreg:$0x1] =	wrdreg $0xFFFFFFFF  }
0xc1: {  	_ =	task.clear_ibuf [dreg:s7], $0x2FFFF;
	_ =	strace $0x9FFFFFFF  }
0xc2: {  	(tm) =	ssettm $0x7FFFFFFF  }
0xc3: {  	_ =	shalt  }
tec
execute0_lowered:
.L_overlay_start_1:
0x0: {  	(tag) =	ssettag $0x1  }
0x1: {  	s2 =	rddreg [dreg:$0x0]  }
0x2: {  	s0 =	rddreg [dreg:$0x1]  }
0x3: {  	s1 =	srdreg.scid;
	s4 =	stileid.u32  }
0x4: {  	s3 =	simm.s32 $0x0;
	s29 =	simm.s32 $0x12000;
	s30 =	simm.s32 $0x15000  }
0x5: {  	s31 =	simm.s32 $0x9;
	s14 =	simm.s32 $0x7;
	s15 =	simm.s32 $0x8  }
0x6: {  	s16 =	simm.s32 $0x10;
	s17 =	simm.s32 $0x11;
	s1 =	sand.u32 $0x1, s1  }
0x7: {  	s4 =	sshll.u32 s4, $0x1;
	[smem:$0x7FF] =	sst s3;
	s8 =	sadd.s32 $0xC0400, s0  }
0x8: {  	s9 =	sor.u32 s1, s4;
	_ =	strace $0x80000047;
	s4 =	sadd.s32 $0x400, s0  }
0x9: {  	s1 =	ssub.s32 $0x2, s1;
	s5 =	sshll.u32 s9, $0x8;
	s11 =	smul.u32 $0x6000, s9  }
0xa: {  	s10 =	sshrl.u32 s1, $0x1;
	s9 =	smul.u32 $0x30000, s9;
	s6 =	sor.u32 $0x2000, s5  }
0xb: {  	s7 =	sor.u32 $0x4000, s5;
	s18 =	ssub.s32 s1, s10;
	s12 =	smul.u32 $0x60, s6  }
0xc: {  	s10 =	sor.u32 $0x6000, s5;
	s19 =	smul.u32 $0x60, s7;
	s20 =	sadd.s32 s4, s11  }
0xd: {  	s13 =	sadd.s32 s2, s11;
	s21 =	smul.u32 $0x60, s10;
	s22 =	sor.u32 $0x600, s11  }
0xe: {  	s9 =	sshrl.u32 s9, $0x3;
	s0 =	smax.u32 s18, $0x1;
	[dreg:$0x3] =	wrdreg s20  }
0xf: {  	s11 =	simm.s32 $0xA;
	s18 =	simm.s32 $0x12;
	[dreg:$0x4] =	wrdreg s13  }
0x10: {  	s24 =	sadd.s32 s4, s22;
	s9 =	sadd.s32 s2, s9;
	[dreg:$0xd] =	wrdreg s0  }
0x11: {  	s0 =	simm.s32 $0x1;
	s12 =	sadd.s32 s2, s12;
	[dreg:$0x8] =	wrdreg s24  }
0x12: {  	s13 =	simm.s32 $0x6;
	s1 =	sadd.s32 s2, s19;
	[dreg:$0x5] =	wrdreg s12  }
0x13: {  	s20 =	simm.s32 $0xF;
	s23 =	sadd.s32 s2, s21;
	[dreg:$0x6] =	wrdreg s1  }
.Ltmp0:
0x14: {  	s25 =	sadd.s32 $0xC0600, s9;
	[dreg:$0x7] =	wrdreg s23;
	(pc) =	sbr.rel .LBB2_1-.Ltmp0, $4  }
0x15: {  	s26 =	sadd.s32 $0x180600, s9;
	s28 =	sadd.s32 $0x240600, s9;
	[dreg:$0xa] =	wrdreg s25  }
0x16: {  	s21 =	simm.s32 $0x3;
	s9 =	simm.s32 $0x4;
	[dreg:$0xb] =	wrdreg s26  }
0x17: {  	s1 =	sadd.s32 s2, s22;
	[dreg:$0xc] =	wrdreg s28;
	s12 =	simm.s32 $0x5  }
0x18: {  	s22 =	simm.s32 $0x0;
	[dreg:$0x9] =	wrdreg s1;
	s1 =	simm.s32 $0x2  }
.LBB2_20:
0x19: {  	s19 =	simm.s32 $0xB  }
0x1a: {  	_ =	swait.ge [sflag:s19], $0x3000  }
0x1b: {  	[sflag:s19] =	ssyncset.done $0x0  }
0x1c: {  	s24 =	simm.s32 $0xC;
	[sflag:s19] =	ssyncadd.s32 $0xFFFFD000  }
0x1d: {  	_ =	swait.ge [sflag:s24], $0x3000  }
0x1e: {  	[sflag:s24] =	ssyncset.done $0x0  }
0x1f: {  	s25 =	simm.s32 $0xD;
	[sflag:s24] =	ssyncadd.s32 $0xFFFFD000  }
0x20: {  	_ =	swait.ge [sflag:s25], $0x3000  }
0x21: {  	[sflag:s25] =	ssyncset.done $0x0  }
0x22: {  	s26 =	simm.s32 $0xE;
	[sflag:s25] =	ssyncadd.s32 $0xFFFFD000  }
0x23: {  	_ =	swait.ge [sflag:s26], $0x3000  }
0x24: {  	[sflag:s26] =	ssyncset.done $0x0  }
0x25: {  	[sflag:s26] =	ssyncadd.s32 $0xFFFFD000  }
0x26: {  	_ =	swait.ge [sflag:s20], $0x3000  }
0x27: {  	[sflag:s20] =	ssyncset.done $0x0  }
0x28: {  	[sflag:s20] =	ssyncadd.s32 $0xFFFFD000  }
0x29: {  	_ =	swait.ge [sflag:s16], $0x3000  }
0x2a: {  	[sflag:s16] =	ssyncset.done $0x0  }
0x2b: {  	[sflag:s16] =	ssyncadd.s32 $0xFFFFD000  }
0x2c: {  	_ =	swait.ge [sflag:s17], $0x3000  }
0x2d: {  	[sflag:s17] =	ssyncset.done $0x0  }
0x2e: {  	[sflag:s17] =	ssyncadd.s32 $0xFFFFD000  }
0x2f: {  	_ =	swait.ge [sflag:s18], $0x3000  }
0x30: {  	s22 =	rddreg [dreg:$0xe]  }
0x31: {  	s28 =	rddreg [dreg:$0xd];
	s22 =	sadd.s32 $0x1, s22  }
0x32: {  	p0 =	sne.s32 s22, s28  }
.Ltmp1:
0x33: {  	_ = 	snop;
	(pc) =	sbr.rel @!p0 .LBB2_21-.Ltmp1, $3  }
0x34: {  	_ =	sdelay $0x1  }
0x35: {  	[sflag:s18] =	ssyncset.done $0x0  }
0x36: {  	[sflag:s18] =	ssyncadd.s32 $0xFFFFD000  }
.LBB2_1:
0x37: {  	[dreg:$0xe] =	wrdreg s22  }
0x38: {  	s19 =	rddreg [dreg:$0x3];
	s24 =	simm.s32 $0x18000  }
0x39: {  	[tilespmem:s24], [sflag:$0x9] =	stream.linear.gather [hbm4b:s19+s3], $0x3000, $0x38;
	[tilespmem:$0x1E000] =	vst v63  }
0x3a: {  	s25 =	rddreg [dreg:$0x4]  }
0x3b: {  	[tilespmem:s3], [sflag:$0x1] =	stream.linear.gather [hbm4b:s25+s3], $0x3000, $0x38;
	[tilespmem:$0x1E000] =	vst v63  }
0x3c: {  	s26 =	rddreg [dreg:$0x5];
	s28 =	simm.s32 $0x3000  }
0x3d: {  	[tilespmem:s28], [sflag:$0x2] =	stream.linear.gather [hbm4b:s26+s3], $0x3000, $0x38;
	[tilespmem:$0x1E000] =	vst v63  }
0x3e: {  	s22 =	rddreg [dreg:$0x6];
	s23 =	simm.s32 $0x6000  }
0x3f: {  	[tilespmem:s23], [sflag:$0x3] =	stream.linear.gather [hbm4b:s22+s3], $0x3000, $0x38;
	[tilespmem:$0x1E000] =	vst v63  }
0x40: {  	s24 =	rddreg [dreg:$0x7];
	s25 =	simm.s32 $0x9000  }
0x41: {  	[tilespmem:s25], [sflag:$0x4] =	stream.linear.gather [hbm4b:s24+s3], $0x3000, $0x38;
	[tilespmem:$0x1E000] =	vst v63  }
0x42: {  	s26 =	rddreg [dreg:$0x8];
	s28 =	simm.s32 $0x1B000  }
0x43: {  	[tilespmem:s28], [sflag:$0xA] =	stream.linear.gather [hbm4b:s26+s3], $0x3000, $0x38;
	[tilespmem:$0x1E000] =	vst v63  }
0x44: {  	s22 =	rddreg [dreg:$0x9];
	s23 =	simm.s32 $0xC000  }
0x45: {  	[tilespmem:s23], [sflag:$0x5] =	stream.linear.gather [hbm4b:s22+s3], $0x3000, $0x38;
	[tilespmem:$0x1E000] =	vst v63  }
0x46: {  	s24 =	rddreg [dreg:$0xa];
	s25 =	simm.s32 $0xF000  }
0x47: {  	[tilespmem:s25], [sflag:$0x6] =	stream.linear.gather [hbm4b:s24+s3], $0x3000, $0x38;
	[tilespmem:$0x1E000] =	vst v63  }
0x48: {  	s26 =	rddreg [dreg:$0xb]  }
0x49: {  	[tilespmem:s29], [sflag:$0x7] =	stream.linear.gather [hbm4b:s26+s3], $0x3000, $0x38;
	[tilespmem:$0x1E000] =	vst v63  }
0x4a: {  	s19 =	simm.s32 $0x0;
	s28 =	rddreg [dreg:$0xc]  }
0x4b: {  	[tilespmem:s30], [sflag:$0x8] =	stream.linear.gather [hbm4b:s28+s3], $0x3000, $0x38;
	[tilespmem:$0x1E000] =	vst v63  }
.LBB2_2:
0x4c: {  	_ =	swait.ge [sflag:s31], $0x3000  }
0x4d: {  	[sflag:s31] =	ssyncset.done $0x0  }
0x4e: {  	[sflag:s31] =	ssyncadd.s32 $0xFFFFD000  }
0x4f: {  	_ =	swait.ge [sflag:s0], $0x3000  }
0x50: {  	[sflag:s0] =	ssyncset.done $0x0  }
0x51: {  	s22 =	simm.s32 $0x40;
	[sflag:s0] =	ssyncadd.s32 $0xFFFFD000  }
0x52: {  	s25 =	simm.s32 $0x18040;
	v0 =	vld [tilespmem:s22+$0xFFFFFFC0]  }
0x53: {  	v1 =	vld [tilespmem:s25+$0xFFFFFFC0];
	_ =	sdelay $0x4  }
0x54: {  	v0 =	vadd.f32 v1, v0;
	_ =	sdelay $0x1  }
0x55: {  	[tilespmem:s22+$0xFFFFFFC0] =	vst v0;
	v0 =	vld [tilespmem:s22+$0xFFFFFFD0]  }
0x56: {  	v1 =	vld [tilespmem:s25+$0xFFFFFFD0];
	_ =	sdelay $0x4  }
0x57: {  	v0 =	vadd.f32 v1, v0;
	_ =	sdelay $0x1  }
0x58: {  	[tilespmem:s22+$0xFFFFFFD0] =	vst v0;
	v0 =	vld [tilespmem:s22+$0xFFFFFFE0]  }
0x59: {  	v1 =	vld [tilespmem:s25+$0xFFFFFFE0];
	_ =	sdelay $0x4  }
0x5a: {  	v0 =	vadd.f32 v1, v0;
	_ =	sdelay $0x1  }
0x5b: {  	[tilespmem:s22+$0xFFFFFFE0] =	vst v0;
	v0 =	vld [tilespmem:s22+$0xFFFFFFF0]  }
0x5c: {  	v1 =	vld [tilespmem:s25+$0xFFFFFFF0];
	_ =	sdelay $0x4  }
0x5d: {  	v0 =	vadd.f32 v1, v0;
	_ =	sdelay $0x1  }
0x5e: {  	[tilespmem:s22+$0xFFFFFFF0] =	vst v0;
	v0 =	vld [tilespmem:s22+$0x0]  }
0x5f: {  	v1 =	vld [tilespmem:s25+$0x0];
	_ =	sdelay $0x4  }
0x60: {  	v0 =	vadd.f32 v1, v0;
	_ =	sdelay $0x1  }
0x61: {  	[tilespmem:s22+$0x0] =	vst v0;
	v0 =	vld [tilespmem:s22+$0x10]  }
0x62: {  	v1 =	vld [tilespmem:s25+$0x10];
	_ =	sdelay $0x4  }
0x63: {  	v0 =	vadd.f32 v1, v0;
	_ =	sdelay $0x1  }
0x64: {  	[tilespmem:s22+$0x10] =	vst v0;
	v0 =	vld [tilespmem:s22+$0x20]  }
0x65: {  	v1 =	vld [tilespmem:s25+$0x20];
	_ =	sdelay $0x4  }
0x66: {  	v0 =	vadd.f32 v1, v0;
	_ =	sdelay $0x1  }
0x67: {  	[tilespmem:s22+$0x20] =	vst v0;
	v0 =	vld [tilespmem:s22+$0x30]  }
0x68: {  	v1 =	vld [tilespmem:s25+$0x30];
	_ =	sdelay $0x4  }
0x69: {  	v0 =	vadd.f32 v1, v0  }
0x6a: {  	s23 =	simm.s32 $0x0;
	s24 =	simm.s32 $0xC0  }
.LBB2_3:
0x6b: {  	v1 =	vld [tilespmem:s24+$0xFFFFFFC0];
	[tilespmem:s22+$0x30] =	vst v0;
	s25 =	sadd.s32 $0x80, s25;
	s22 =	smov.u32 s24  }
0x6c: {  	s23 =	sadd.s32 $0x8, s23;
	v0 =	vld [tilespmem:s25+$0xFFFFFFC0]  }
0x6d: {  	p0 =	slt.u32 s23, $0x2F8;
	_ =	sdelay $0x3  }
0x6e: {  	v0 =	vadd.f32 v0, v1;
	_ =	sdelay $0x1  }
0x6f: {  	[tilespmem:s24+$0xFFFFFFC0] =	vst v0;
	v0 =	vld [tilespmem:s24+$0xFFFFFFD0]  }
0x70: {  	v1 =	vld [tilespmem:s25+$0xFFFFFFD0];
	_ =	sdelay $0x4  }
0x71: {  	v0 =	vadd.f32 v1, v0;
	_ =	sdelay $0x1  }
0x72: {  	[tilespmem:s24+$0xFFFFFFD0] =	vst v0;
	v0 =	vld [tilespmem:s24+$0xFFFFFFE0]  }
0x73: {  	v1 =	vld [tilespmem:s25+$0xFFFFFFE0];
	_ =	sdelay $0x4  }
0x74: {  	v0 =	vadd.f32 v1, v0;
	_ =	sdelay $0x1  }
0x75: {  	[tilespmem:s24+$0xFFFFFFE0] =	vst v0;
	v0 =	vld [tilespmem:s24+$0xFFFFFFF0]  }
0x76: {  	v1 =	vld [tilespmem:s25+$0xFFFFFFF0];
	_ =	sdelay $0x4  }
0x77: {  	v0 =	vadd.f32 v1, v0;
	_ =	sdelay $0x1  }
0x78: {  	[tilespmem:s24+$0xFFFFFFF0] =	vst v0;
	v0 =	vld [tilespmem:s24+$0x0]  }
0x79: {  	v1 =	vld [tilespmem:s25+$0x0];
	_ =	sdelay $0x4  }
0x7a: {  	v0 =	vadd.f32 v1, v0;
	_ =	sdelay $0x1  }
0x7b: {  	[tilespmem:s24+$0x0] =	vst v0;
	v0 =	vld [tilespmem:s24+$0x10]  }
0x7c: {  	v1 =	vld [tilespmem:s25+$0x10];
	_ =	sdelay $0x4  }
0x7d: {  	v0 =	vadd.f32 v1, v0;
	_ =	sdelay $0x1  }
0x7e: {  	[tilespmem:s24+$0x10] =	vst v0;
	v0 =	vld [tilespmem:s24+$0x20]  }
0x7f: {  	v1 =	vld [tilespmem:s25+$0x20];
	_ =	sdelay $0x4  }
0x80: {  	v0 =	vadd.f32 v1, v0;
	_ =	sdelay $0x1  }
0x81: {  	[tilespmem:s24+$0x20] =	vst v0;
	v0 =	vld [tilespmem:s24+$0x30]  }
0x82: {  	v1 =	vld [tilespmem:s25+$0x30];
	_ =	sdelay $0x1  }
.Ltmp2:
0x83: {  	(pc) =	sbr.rel @p0 .LBB2_3-.Ltmp2, $3  }
0x84: {  	_ =	sdelay $0x1  }
0x85: {  	v0 =	vadd.f32 v1, v0  }
0x86: {  	s24 =	sadd.s32 $0x80, s24  }
0x87: {  	s25 =	sshll.u32 s19, $0x5  }
0x88: {  	s23 =	sadd.s32 s5, s25  }
0x89: {  	s23 =	smul.u32 $0x60, s23;
	_ =	sdelay $0x1  }
0x8a: {  	[tilespmem:s22+$0x30] =	vst v0;
	s28 =	sadd.s32 s8, s23  }
0x8b: {  	[hbm4b:s28+s3] =	stream.linear.scatter [tilespmem:s3], [sflag:$0xB], $0x3000, $0x38;
	[tilespmem:$0x1E000] =	vst v63  }
0x8c: {  	_ =	swait.ge [sflag:s1], $0x3000  }
0x8d: {  	[sflag:s1] =	ssyncset.done $0x0  }
0x8e: {  	s22 =	simm.s32 $0x3070;
	[sflag:s1] =	ssyncadd.s32 $0xFFFFD000  }
0x8f: {  	s23 =	simm.s32 $0x18040;
	v0 =	vld [tilespmem:s22+$0xFFFFFF90]  }
0x90: {  	v1 =	vld [tilespmem:s23+$0xFFFFFFC0];
	_ =	sdelay $0x4  }
0x91: {  	v0 =	vadd.f32 v1, v0;
	_ =	sdelay $0x1  }
0x92: {  	[tilespmem:s22+$0xFFFFFF90] =	vst v0;
	v0 =	vld [tilespmem:s22+$0xFFFFFFA0]  }
0x93: {  	v1 =	vld [tilespmem:s23+$0xFFFFFFD0];
	_ =	sdelay $0x4  }
0x94: {  	v0 =	vadd.f32 v1, v0;
	_ =	sdelay $0x1  }
0x95: {  	[tilespmem:s22+$0xFFFFFFA0] =	vst v0;
	v0 =	vld [tilespmem:s22+$0xFFFFFFB0]  }
0x96: {  	v1 =	vld [tilespmem:s23+$0xFFFFFFE0];
	_ =	sdelay $0x4  }
0x97: {  	v0 =	vadd.f32 v1, v0;
	_ =	sdelay $0x1  }
0x98: {  	[tilespmem:s22+$0xFFFFFFB0] =	vst v0;
	v0 =	vld [tilespmem:s22+$0xFFFFFFC0]  }
0x99: {  	v1 =	vld [tilespmem:s23+$0xFFFFFFF0];
	_ =	sdelay $0x4  }
0x9a: {  	v0 =	vadd.f32 v1, v0;
	_ =	sdelay $0x1  }
0x9b: {  	[tilespmem:s22+$0xFFFFFFC0] =	vst v0;
	v0 =	vld [tilespmem:s22+$0xFFFFFFD0]  }
0x9c: {  	v1 =	vld [tilespmem:s23+$0x0];
	_ =	sdelay $0x4  }
0x9d: {  	v0 =	vadd.f32 v1, v0;
	_ =	sdelay $0x1  }
0x9e: {  	[tilespmem:s22+$0xFFFFFFD0] =	vst v0;
	v0 =	vld [tilespmem:s22+$0xFFFFFFE0]  }
0x9f: {  	v1 =	vld [tilespmem:s23+$0x10];
	_ =	sdelay $0x4  }
0xa0: {  	v0 =	vadd.f32 v1, v0;
	_ =	sdelay $0x1  }
0xa1: {  	[tilespmem:s22+$0xFFFFFFE0] =	vst v0;
	v0 =	vld [tilespmem:s22+$0xFFFFFFF0]  }
0xa2: {  	v1 =	vld [tilespmem:s23+$0x20];
	_ =	sdelay $0x4  }
0xa3: {  	v0 =	vadd.f32 v1, v0;
	_ =	sdelay $0x1  }
0xa4: {  	[tilespmem:s22+$0xFFFFFFF0] =	vst v0;
	v0 =	vld [tilespmem:s22+$0x0]  }
0xa5: {  	v1 =	vld [tilespmem:s23+$0x30];
	_ =	sdelay $0x4  }
0xa6: {  	v0 =	vadd.f32 v1, v0  }
0xa7: {  	s24 =	simm.s32 $0x0;
	s26 =	simm.s32 $0x30F0  }
.LBB2_5:
0xa8: {  	v1 =	vld [tilespmem:s26+$0xFFFFFF90];
	[tilespmem:s22+$0x0] =	vst v0;
	s23 =	sadd.s32 $0x80, s23;
	s22 =	smov.u32 s26  }
0xa9: {  	s24 =	sadd.s32 $0x8, s24;
	v0 =	vld [tilespmem:s23+$0xFFFFFFC0]  }
0xaa: {  	p0 =	slt.u32 s24, $0x2F8;
	_ =	sdelay $0x3  }
0xab: {  	v0 =	vadd.f32 v0, v1;
	_ =	sdelay $0x1  }
0xac: {  	[tilespmem:s26+$0xFFFFFF90] =	vst v0;
	v0 =	vld [tilespmem:s26+$0xFFFFFFA0]  }
0xad: {  	v1 =	vld [tilespmem:s23+$0xFFFFFFD0];
	_ =	sdelay $0x4  }
0xae: {  	v0 =	vadd.f32 v1, v0;
	_ =	sdelay $0x1  }
0xaf: {  	[tilespmem:s26+$0xFFFFFFA0] =	vst v0;
	v0 =	vld [tilespmem:s26+$0xFFFFFFB0]  }
0xb0: {  	v1 =	vld [tilespmem:s23+$0xFFFFFFE0];
	_ =	sdelay $0x4  }
0xb1: {  	v0 =	vadd.f32 v1, v0;
	_ =	sdelay $0x1  }
0xb2: {  	[tilespmem:s26+$0xFFFFFFB0] =	vst v0;
	v0 =	vld [tilespmem:s26+$0xFFFFFFC0]  }
0xb3: {  	v1 =	vld [tilespmem:s23+$0xFFFFFFF0];
	_ =	sdelay $0x4  }
0xb4: {  	v0 =	vadd.f32 v1, v0;
	_ =	sdelay $0x1  }
0xb5: {  	[tilespmem:s26+$0xFFFFFFC0] =	vst v0;
	v0 =	vld [tilespmem:s26+$0xFFFFFFD0]  }
0xb6: {  	v1 =	vld [tilespmem:s23+$0x0];
	_ =	sdelay $0x4  }
0xb7: {  	v0 =	vadd.f32 v1, v0;
	_ =	sdelay $0x1  }
0xb8: {  	[tilespmem:s26+$0xFFFFFFD0] =	vst v0;
	v0 =	vld [tilespmem:s26+$0xFFFFFFE0]  }
0xb9: {  	v1 =	vld [tilespmem:s23+$0x10];
	_ =	sdelay $0x4  }
0xba: {  	v0 =	vadd.f32 v1, v0;
	_ =	sdelay $0x1  }
0xbb: {  	[tilespmem:s26+$0xFFFFFFE0] =	vst v0;
	v0 =	vld [tilespmem:s26+$0xFFFFFFF0]  }
0xbc: {  	v1 =	vld [tilespmem:s23+$0x20];
	_ =	sdelay $0x4  }
0xbd: {  	v0 =	vadd.f32 v1, v0;
	_ =	sdelay $0x1  }
0xbe: {  	[tilespmem:s26+$0xFFFFFFF0] =	vst v0;
	v0 =	vld [tilespmem:s26+$0x0]  }
0xbf: {  	v1 =	vld [tilespmem:s23+$0x30];
	_ =	sdelay $0x1  }
.Ltmp3:
0xc0: {  	(pc) =	sbr.rel @p0 .LBB2_5-.Ltmp3, $3  }
0xc1: {  	_ =	sdelay $0x1  }
0xc2: {  	v0 =	vadd.f32 v1, v0  }
0xc3: {  	s26 =	sadd.s32 $0x80, s26  }
0xc4: {  	s23 =	sadd.s32 s6, s25  }
0xc5: {  	s23 =	smul.u32 $0x60, s23;
	_ =	sdelay $0x1  }
0xc6: {  	[tilespmem:s22+$0x0] =	vst v0;
	s28 =	simm.s32 $0x0;
	s24 =	simm.s32 $0x3000;
	s26 =	sadd.s32 s8, s23  }
0xc7: {  	[hbm4b:s26+s28] =	stream.linear.scatter [tilespmem:s24], [sflag:$0xC], $0x3000, $0x38;
	[tilespmem:$0x1E000] =	vst v63  }
0xc8: {  	_ =	swait.ge [sflag:s21], $0x3000  }
0xc9: {  	[sflag:s21] =	ssyncset.done $0x0  }
0xca: {  	s22 =	simm.s32 $0x0;
	[sflag:s21] =	ssyncadd.s32 $0xFFFFD000  }
0xcb: {  	v3 =	vld [tilespmem:s22+$0x6050]  }
0xcc: {  	v1 =	vld [tilespmem:s22+$0x18070]  }
0xcd: {  	v2 =	vld [tilespmem:s22+$0x6070]  }
0xce: {  	v4 =	vld [tilespmem:s22+$0x18060]  }
0xcf: {  	v5 =	vld [tilespmem:s22+$0x6060]  }
0xd0: {  	v6 =	vld [tilespmem:s22+$0x18050]  }
0xd1: {  	v0 =	vld [tilespmem:s22+$0x6040]  }
0xd2: {  	v7 =	vld [tilespmem:s22+$0x18030]  }
0xd3: {  	v8 =	vld [tilespmem:s22+$0x6030]  }
0xd4: {  	v2 =	vadd.f32 v1, v2;
	v1 =	vld [tilespmem:s22+$0x18020]  }
0xd5: {  	v5 =	vadd.f32 v4, v5;
	v4 =	vld [tilespmem:s22+$0x18010]  }
0xd6: {  	v6 =	vadd.f32 v6, v3;
	v3 =	vld [tilespmem:s22+$0x18000]  }
0xd7: {  	[tilespmem:s22+$0x6070] =	vst v2;
	v2 =	vld [tilespmem:s22+$0x6020]  }
0xd8: {  	[tilespmem:s22+$0x6050] =	vst v6;
	v6 =	vld [tilespmem:s22+$0x6010]  }
0xd9: {  	s23 =	simm.s32 $0x0;
	s24 =	simm.s32 $0x200;
	v7 =	vadd.f32 v7, v8;
	[tilespmem:s22+$0x6060] =	vst v5;
	v5 =	vld [tilespmem:s22+$0x18040]  }
.LBB2_7:
0xda: {  	s26 =	sshra.s32 s24, $0x2;
	s23 =	sadd.s32 $0x8, s23;
	v8 =	vld [tilespmem:s22+$0x6000]  }
0xdb: {  	v9 =	vld [tilespmem:s26+$0x6050];
	p0 =	slt.u32 s23, $0x2F8  }
0xdc: {  	v10 =	vld [tilespmem:s26+$0x18070]  }
0xdd: {  	v11 =	vld [tilespmem:s26+$0x6070];
	v4 =	vadd.f32 v4, v6;
	[tilespmem:s22+$0x6030] =	vst v7  }
0xde: {  	v1 =	vadd.f32 v1, v2;
	v6 =	vld [tilespmem:s26+$0x18060];
	v0 =	vadd.f32 v5, v0  }
0xdf: {  	v2 =	vld [tilespmem:s26+$0x6060];
	v3 =	vadd.f32 v3, v8;
	[tilespmem:s22+$0x6010] =	vst v4  }
0xe0: {  	v4 =	vld [tilespmem:s26+$0x18050];
	[tilespmem:s22+$0x6040] =	vst v0  }
0xe1: {  	v0 =	vld [tilespmem:s26+$0x6040];
	[tilespmem:s22+$0x6020] =	vst v1  }
0xe2: {  	v5 =	vld [tilespmem:s26+$0x18030];
	v7 =	vadd.f32 v10, v11;
	[tilespmem:s22+$0x6000] =	vst v3;
	s22 =	smov.u32 s26  }
0xe3: {  	v8 =	vld [tilespmem:s22+$0x6030]  }
0xe4: {  	v1 =	vld [tilespmem:s22+$0x18020];
	v3 =	vadd.f32 v6, v2;
	[tilespmem:s22+$0x6070] =	vst v7  }
.Ltmp4:
0xe5: {  	v2 =	vld [tilespmem:s22+$0x6020];
	v6 =	vadd.f32 v4, v9;
	(pc) =	sbr.rel @p0 .LBB2_7-.Ltmp4, $4  }
0xe6: {  	v4 =	vld [tilespmem:s22+$0x18010];
	[tilespmem:s22+$0x6060] =	vst v3  }
0xe7: {  	v3 =	vld [tilespmem:s22+$0x18000];
	[tilespmem:s22+$0x6050] =	vst v6  }
0xe8: {  	v6 =	vld [tilespmem:s22+$0x6010];
	v7 =	vadd.f32 v5, v8  }
0xe9: {  	s24 =	sadd.s32 $0x200, s24;
	v5 =	vld [tilespmem:s22+$0x18040]  }
0xea: {  	v8 =	vld [tilespmem:s22+$0x6000];
	_ =	sdelay $0x1  }
0xeb: {  	v1 =	vadd.f32 v1, v2  }
0xec: {  	[tilespmem:s22+$0x6030] =	vst v7;
	v4 =	vadd.f32 v4, v6  }
0xed: {  	s23 =	sadd.s32 s7, s25;
	[tilespmem:s22+$0x6020] =	vst v1;
	v0 =	vadd.f32 v5, v0  }
0xee: {  	s23 =	smul.u32 $0x60, s23;
	[tilespmem:s22+$0x6010] =	vst v4;
	v2 =	vadd.f32 v3, v8  }
0xef: {  	[tilespmem:s22+$0x6040] =	vst v0  }
0xf0: {  	s28 =	simm.s32 $0x0;
	s24 =	simm.s32 $0x6000;
	s26 =	sadd.s32 s8, s23;
	[tilespmem:s22+$0x6000] =	vst v2  }
0xf1: {  	[hbm4b:s26+s28] =	stream.linear.scatter [tilespmem:s24], [sflag:$0xD], $0x3000, $0x38;
	[tilespmem:$0x1E000] =	vst v63  }
0xf2: {  	_ =	swait.ge [sflag:s9], $0x3000  }
0xf3: {  	[sflag:s9] =	ssyncset.done $0x0  }
0xf4: {  	s22 =	simm.s32 $0x0;
	[sflag:s9] =	ssyncadd.s32 $0xFFFFD000  }
0xf5: {  	v3 =	vld [tilespmem:s22+$0x9050]  }
0xf6: {  	v1 =	vld [tilespmem:s22+$0x18070]  }
0xf7: {  	v2 =	vld [tilespmem:s22+$0x9070]  }
0xf8: {  	v4 =	vld [tilespmem:s22+$0x18060]  }
0xf9: {  	v5 =	vld [tilespmem:s22+$0x9060]  }
0xfa: {  	v6 =	vld [tilespmem:s22+$0x18050]  }
0xfb: {  	v0 =	vld [tilespmem:s22+$0x9040]  }
0xfc: {  	v7 =	vld [tilespmem:s22+$0x18030]  }
0xfd: {  	v8 =	vld [tilespmem:s22+$0x9030]  }
0xfe: {  	v2 =	vadd.f32 v1, v2;
	v1 =	vld [tilespmem:s22+$0x18020]  }
0xff: {  	v5 =	vadd.f32 v4, v5;
	v4 =	vld [tilespmem:s22+$0x18010]  }
0x100: {  	v6 =	vadd.f32 v6, v3;
	v3 =	vld [tilespmem:s22+$0x18000]  }
0x101: {  	[tilespmem:s22+$0x9070] =	vst v2;
	v2 =	vld [tilespmem:s22+$0x9020]  }
0x102: {  	[tilespmem:s22+$0x9050] =	vst v6;
	v6 =	vld [tilespmem:s22+$0x9010]  }
0x103: {  	s23 =	simm.s32 $0x0;
	s24 =	simm.s32 $0x200;
	v7 =	vadd.f32 v7, v8;
	[tilespmem:s22+$0x9060] =	vst v5;
	v5 =	vld [tilespmem:s22+$0x18040]  }
.LBB2_9:
0x104: {  	s26 =	sshra.s32 s24, $0x2;
	s23 =	sadd.s32 $0x8, s23;
	v8 =	vld [tilespmem:s22+$0x9000]  }
0x105: {  	v9 =	vld [tilespmem:s26+$0x9050];
	p0 =	slt.u32 s23, $0x2F8  }
0x106: {  	v10 =	vld [tilespmem:s26+$0x18070]  }
0x107: {  	v11 =	vld [tilespmem:s26+$0x9070];
	v4 =	vadd.f32 v4, v6;
	[tilespmem:s22+$0x9030] =	vst v7  }
0x108: {  	v1 =	vadd.f32 v1, v2;
	v6 =	vld [tilespmem:s26+$0x18060];
	v0 =	vadd.f32 v5, v0  }
0x109: {  	v2 =	vld [tilespmem:s26+$0x9060];
	v3 =	vadd.f32 v3, v8;
	[tilespmem:s22+$0x9010] =	vst v4  }
0x10a: {  	v4 =	vld [tilespmem:s26+$0x18050];
	[tilespmem:s22+$0x9040] =	vst v0  }
0x10b: {  	v0 =	vld [tilespmem:s26+$0x9040];
	[tilespmem:s22+$0x9020] =	vst v1  }
0x10c: {  	v5 =	vld [tilespmem:s26+$0x18030];
	v7 =	vadd.f32 v10, v11;
	[tilespmem:s22+$0x9000] =	vst v3;
	s22 =	smov.u32 s26  }
0x10d: {  	v8 =	vld [tilespmem:s22+$0x9030]  }
0x10e: {  	v1 =	vld [tilespmem:s22+$0x18020];
	v3 =	vadd.f32 v6, v2;
	[tilespmem:s22+$0x9070] =	vst v7  }
.Ltmp5:
0x10f: {  	v2 =	vld [tilespmem:s22+$0x9020];
	v6 =	vadd.f32 v4, v9;
	(pc) =	sbr.rel @p0 .LBB2_9-.Ltmp5, $4  }
0x110: {  	v4 =	vld [tilespmem:s22+$0x18010];
	[tilespmem:s22+$0x9060] =	vst v3  }
0x111: {  	v3 =	vld [tilespmem:s22+$0x18000];
	[tilespmem:s22+$0x9050] =	vst v6  }
0x112: {  	v6 =	vld [tilespmem:s22+$0x9010];
	v7 =	vadd.f32 v5, v8  }
0x113: {  	s24 =	sadd.s32 $0x200, s24;
	v5 =	vld [tilespmem:s22+$0x18040]  }
0x114: {  	v8 =	vld [tilespmem:s22+$0x9000];
	_ =	sdelay $0x1  }
0x115: {  	v1 =	vadd.f32 v1, v2  }
0x116: {  	[tilespmem:s22+$0x9030] =	vst v7;
	v4 =	vadd.f32 v4, v6  }
0x117: {  	s23 =	sadd.s32 s10, s25;
	[tilespmem:s22+$0x9020] =	vst v1;
	v0 =	vadd.f32 v5, v0  }
0x118: {  	s23 =	smul.u32 $0x60, s23;
	[tilespmem:s22+$0x9010] =	vst v4;
	v2 =	vadd.f32 v3, v8  }
0x119: {  	p0 =	seq.s32 s19, $0x7;
	[tilespmem:s22+$0x9040] =	vst v0  }
0x11a: {  	s28 =	simm.s32 $0x9000;
	s26 =	sadd.s32 s8, s23;
	[tilespmem:s22+$0x9000] =	vst v2;
	s22 =	sadd.s32 @!p0 $0x20, s25  }
0x11b: {  	[hbm4b:s26+s3] =	stream.linear.scatter [tilespmem:s28], [sflag:$0xE], $0x3000, $0x38;
	[tilespmem:$0x1E000] =	vst v63  }
0x11c: {  	s23 =	simm.s32 @!p0 $0xB;
	s24 =	sadd.s32 @!p0 s5, s22  }
0x11d: {  	_ =	swait.ge @!p0 [sflag:s23], $0x3000;
	s24 =	smul.u32 @!p0 $0x60, s24  }
0x11e: {  	[sflag:s23] =	ssyncset.done @!p0 $0x0  }
0x11f: {  	s26 =	simm.s32 @!p0 $0x0;
	[sflag:s23] =	ssyncadd.s32 @!p0 $0xFFFFD000;
	s23 =	sadd.s32 @!p0 s2, s24  }
0x120: {  	[tilespmem:s26], [sflag:$0x1] =	stream.linear.gather @!p0 [hbm4b:s23+s26], $0x3000, $0x38;
	[tilespmem:$0x1E000] =	vst v63  }
0x121: {  	s28 =	sadd.s32 @!p0 s6, s22;
	s23 =	simm.s32 @!p0 $0xC  }
0x122: {  	s28 =	smul.u32 @!p0 $0x60, s28;
	_ =	swait.ge @!p0 [sflag:s23], $0x3000  }
0x123: {  	[sflag:s23] =	ssyncset.done @!p0 $0x0  }
0x124: {  	[sflag:s23] =	ssyncadd.s32 @!p0 $0xFFFFD000;
	s23 =	sadd.s32 @!p0 s2, s28;
	s28 =	simm.s32 @!p0 $0x3000  }
0x125: {  	[tilespmem:s28], [sflag:$0x2] =	stream.linear.gather @!p0 [hbm4b:s23+s26], $0x3000, $0x38;
	[tilespmem:$0x1E000] =	vst v63  }
0x126: {  	s23 =	simm.s32 @!p0 $0xD;
	s28 =	sadd.s32 @!p0 s7, s22  }
0x127: {  	_ =	swait.ge @!p0 [sflag:s23], $0x3000;
	s28 =	smul.u32 @!p0 $0x60, s28  }
0x128: {  	[sflag:s23] =	ssyncset.done @!p0 $0x0  }
0x129: {  	[sflag:s23] =	ssyncadd.s32 @!p0 $0xFFFFD000;
	s23 =	sadd.s32 @!p0 s2, s28;
	s28 =	simm.s32 @!p0 $0x6000  }
0x12a: {  	[tilespmem:s28], [sflag:$0x3] =	stream.linear.gather @!p0 [hbm4b:s23+s26], $0x3000, $0x38;
	[tilespmem:$0x1E000] =	vst v63  }
0x12b: {  	s22 =	sadd.s32 @!p0 s10, s22;
	s23 =	simm.s32 @!p0 $0xE  }
0x12c: {  	s22 =	smul.u32 @!p0 $0x60, s22;
	_ =	swait.ge @!p0 [sflag:s23], $0x3000  }
0x12d: {  	[sflag:s23] =	ssyncset.done @!p0 $0x0  }
0x12e: {  	s22 =	sadd.s32 @!p0 s2, s22;
	[sflag:s23] =	ssyncadd.s32 @!p0 $0xFFFFD000;
	s23 =	simm.s32 @!p0 $0x9000  }
0x12f: {  	[tilespmem:s23], [sflag:$0x4] =	stream.linear.gather @!p0 [hbm4b:s22+s26], $0x3000, $0x38;
	[tilespmem:$0x1E000] =	vst v63  }
0x130: {  	s22 =	sadd.s32 @!p0 s4, s24;
	s23 =	simm.s32 @!p0 $0x18000  }
0x131: {  	[tilespmem:s23], [sflag:$0x9] =	stream.linear.gather @!p0 [hbm4b:s22+s26], $0x3000, $0x38;
	[tilespmem:$0x1E000] =	vst v63  }
0x132: {  	_ =	swait.ge [sflag:s11], $0x3000  }
0x133: {  	[sflag:s11] =	ssyncset.done $0x0  }
0x134: {  	[sflag:s11] =	ssyncadd.s32 $0xFFFFD000  }
0x135: {  	_ =	swait.ge [sflag:s12], $0x3000  }
0x136: {  	[sflag:s12] =	ssyncset.done $0x0  }
0x137: {  	s23 =	simm.s32 $0x0;
	[sflag:s12] =	ssyncadd.s32 $0xFFFFD000  }
0x138: {  	v3 =	vld [tilespmem:s23+$0xC050]  }
0x139: {  	v1 =	vld [tilespmem:s23+$0x1B070]  }
0x13a: {  	v2 =	vld [tilespmem:s23+$0xC070]  }
0x13b: {  	v4 =	vld [tilespmem:s23+$0x1B060]  }
0x13c: {  	v5 =	vld [tilespmem:s23+$0xC060]  }
0x13d: {  	v6 =	vld [tilespmem:s23+$0x1B050]  }
0x13e: {  	v0 =	vld [tilespmem:s23+$0xC040]  }
0x13f: {  	v7 =	vld [tilespmem:s23+$0x1B030]  }
0x140: {  	v8 =	vld [tilespmem:s23+$0xC030]  }
0x141: {  	v2 =	vadd.f32 v1, v2;
	v1 =	vld [tilespmem:s23+$0x1B020]  }
0x142: {  	v5 =	vadd.f32 v4, v5;
	v4 =	vld [tilespmem:s23+$0x1B010]  }
0x143: {  	v6 =	vadd.f32 v6, v3;
	v3 =	vld [tilespmem:s23+$0x1B000]  }
0x144: {  	[tilespmem:s23+$0xC070] =	vst v2;
	v2 =	vld [tilespmem:s23+$0xC020]  }
0x145: {  	[tilespmem:s23+$0xC050] =	vst v6;
	v6 =	vld [tilespmem:s23+$0xC010]  }
0x146: {  	s24 =	simm.s32 $0x200;
	s22 =	simm.s32 $0x0;
	v7 =	vadd.f32 v7, v8;
	[tilespmem:s23+$0xC060] =	vst v5;
	v5 =	vld [tilespmem:s23+$0x1B040]  }
.LBB2_11:
0x147: {  	s26 =	sshra.s32 s24, $0x2;
	s22 =	sadd.s32 $0x8, s22;
	v8 =	vld [tilespmem:s23+$0xC000]  }
0x148: {  	v9 =	vld [tilespmem:s26+$0xC050];
	p1 =	slt.u32 s22, $0x2F8  }
0x149: {  	v10 =	vld [tilespmem:s26+$0x1B070]  }
0x14a: {  	v11 =	vld [tilespmem:s26+$0xC070];
	v4 =	vadd.f32 v4, v6;
	[tilespmem:s23+$0xC030] =	vst v7  }
0x14b: {  	v1 =	vadd.f32 v1, v2;
	v6 =	vld [tilespmem:s26+$0x1B060];
	v0 =	vadd.f32 v5, v0  }
0x14c: {  	v2 =	vld [tilespmem:s26+$0xC060];
	v3 =	vadd.f32 v3, v8;
	[tilespmem:s23+$0xC010] =	vst v4  }
0x14d: {  	v4 =	vld [tilespmem:s26+$0x1B050];
	[tilespmem:s23+$0xC040] =	vst v0  }
0x14e: {  	v0 =	vld [tilespmem:s26+$0xC040];
	[tilespmem:s23+$0xC020] =	vst v1  }
0x14f: {  	v5 =	vld [tilespmem:s26+$0x1B030];
	v7 =	vadd.f32 v10, v11;
	[tilespmem:s23+$0xC000] =	vst v3;
	s23 =	smov.u32 s26  }
0x150: {  	v8 =	vld [tilespmem:s23+$0xC030]  }
0x151: {  	v1 =	vld [tilespmem:s23+$0x1B020];
	v3 =	vadd.f32 v6, v2;
	[tilespmem:s23+$0xC070] =	vst v7  }
.Ltmp6:
0x152: {  	v2 =	vld [tilespmem:s23+$0xC020];
	v6 =	vadd.f32 v4, v9;
	(pc) =	sbr.rel @p1 .LBB2_11-.Ltmp6, $4  }
0x153: {  	v4 =	vld [tilespmem:s23+$0x1B010];
	[tilespmem:s23+$0xC060] =	vst v3  }
0x154: {  	v3 =	vld [tilespmem:s23+$0x1B000];
	[tilespmem:s23+$0xC050] =	vst v6  }
0x155: {  	v6 =	vld [tilespmem:s23+$0xC010];
	v7 =	vadd.f32 v5, v8  }
0x156: {  	s24 =	sadd.s32 $0x200, s24;
	v5 =	vld [tilespmem:s23+$0x1B040]  }
0x157: {  	v8 =	vld [tilespmem:s23+$0xC000];
	_ =	sdelay $0x1  }
0x158: {  	v1 =	vadd.f32 v1, v2  }
0x159: {  	[tilespmem:s23+$0xC030] =	vst v7;
	s22 =	sor.u32 $0x10, s25;
	v4 =	vadd.f32 v4, v6  }
0x15a: {  	s24 =	sadd.s32 s5, s22;
	[tilespmem:s23+$0xC020] =	vst v1;
	v0 =	vadd.f32 v5, v0  }
0x15b: {  	s24 =	smul.u32 $0x60, s24;
	[tilespmem:s23+$0xC010] =	vst v4;
	v2 =	vadd.f32 v3, v8  }
0x15c: {  	[tilespmem:s23+$0xC040] =	vst v0  }
0x15d: {  	s28 =	simm.s32 $0x0;
	s26 =	simm.s32 $0xC000;
	s24 =	sadd.s32 s8, s24;
	[tilespmem:s23+$0xC000] =	vst v2  }
0x15e: {  	[hbm4b:s24+s28] =	stream.linear.scatter [tilespmem:s26], [sflag:$0xF], $0x3000, $0x38;
	[tilespmem:$0x1E000] =	vst v63  }
0x15f: {  	_ =	swait.ge [sflag:s13], $0x3000  }
0x160: {  	[sflag:s13] =	ssyncset.done $0x0  }
0x161: {  	s23 =	simm.s32 $0x0;
	[sflag:s13] =	ssyncadd.s32 $0xFFFFD000  }
0x162: {  	v3 =	vld [tilespmem:s23+$0xF050]  }
0x163: {  	v1 =	vld [tilespmem:s23+$0x1B070]  }
0x164: {  	v2 =	vld [tilespmem:s23+$0xF070]  }
0x165: {  	v4 =	vld [tilespmem:s23+$0x1B060]  }
0x166: {  	v5 =	vld [tilespmem:s23+$0xF060]  }
0x167: {  	v6 =	vld [tilespmem:s23+$0x1B050]  }
0x168: {  	v0 =	vld [tilespmem:s23+$0xF040]  }
0x169: {  	v7 =	vld [tilespmem:s23+$0x1B030]  }
0x16a: {  	v8 =	vld [tilespmem:s23+$0xF030]  }
0x16b: {  	v2 =	vadd.f32 v1, v2;
	v1 =	vld [tilespmem:s23+$0x1B020]  }
0x16c: {  	v5 =	vadd.f32 v4, v5;
	v4 =	vld [tilespmem:s23+$0x1B010]  }
0x16d: {  	v6 =	vadd.f32 v6, v3;
	v3 =	vld [tilespmem:s23+$0x1B000]  }
0x16e: {  	[tilespmem:s23+$0xF070] =	vst v2;
	v2 =	vld [tilespmem:s23+$0xF020]  }
0x16f: {  	[tilespmem:s23+$0xF050] =	vst v6;
	v6 =	vld [tilespmem:s23+$0xF010]  }
0x170: {  	s24 =	simm.s32 $0x0;
	s26 =	simm.s32 $0x200;
	v7 =	vadd.f32 v7, v8;
	[tilespmem:s23+$0xF060] =	vst v5;
	v5 =	vld [tilespmem:s23+$0x1B040]  }
.LBB2_13:
0x171: {  	s28 =	sshra.s32 s26, $0x2;
	s24 =	sadd.s32 $0x8, s24;
	v8 =	vld [tilespmem:s23+$0xF000]  }
0x172: {  	v9 =	vld [tilespmem:s28+$0xF050];
	p1 =	slt.u32 s24, $0x2F8  }
0x173: {  	v10 =	vld [tilespmem:s28+$0x1B070]  }
0x174: {  	v11 =	vld [tilespmem:s28+$0xF070];
	v4 =	vadd.f32 v4, v6;
	[tilespmem:s23+$0xF030] =	vst v7  }
0x175: {  	v1 =	vadd.f32 v1, v2;
	v6 =	vld [tilespmem:s28+$0x1B060];
	v0 =	vadd.f32 v5, v0  }
0x176: {  	v2 =	vld [tilespmem:s28+$0xF060];
	v3 =	vadd.f32 v3, v8;
	[tilespmem:s23+$0xF010] =	vst v4  }
0x177: {  	v4 =	vld [tilespmem:s28+$0x1B050];
	[tilespmem:s23+$0xF040] =	vst v0  }
0x178: {  	v0 =	vld [tilespmem:s28+$0xF040];
	[tilespmem:s23+$0xF020] =	vst v1  }
0x179: {  	v5 =	vld [tilespmem:s28+$0x1B030];
	v7 =	vadd.f32 v10, v11;
	[tilespmem:s23+$0xF000] =	vst v3;
	s23 =	smov.u32 s28  }
0x17a: {  	v8 =	vld [tilespmem:s23+$0xF030]  }
0x17b: {  	v1 =	vld [tilespmem:s23+$0x1B020];
	v3 =	vadd.f32 v6, v2;
	[tilespmem:s23+$0xF070] =	vst v7  }
.Ltmp7:
0x17c: {  	v2 =	vld [tilespmem:s23+$0xF020];
	v6 =	vadd.f32 v4, v9;
	(pc) =	sbr.rel @p1 .LBB2_13-.Ltmp7, $4  }
0x17d: {  	v4 =	vld [tilespmem:s23+$0x1B010];
	[tilespmem:s23+$0xF060] =	vst v3  }
0x17e: {  	v3 =	vld [tilespmem:s23+$0x1B000];
	[tilespmem:s23+$0xF050] =	vst v6  }
0x17f: {  	v6 =	vld [tilespmem:s23+$0xF010];
	v7 =	vadd.f32 v5, v8  }
0x180: {  	s26 =	sadd.s32 $0x200, s26;
	v5 =	vld [tilespmem:s23+$0x1B040]  }
0x181: {  	v8 =	vld [tilespmem:s23+$0xF000];
	_ =	sdelay $0x1  }
0x182: {  	v1 =	vadd.f32 v1, v2  }
0x183: {  	[tilespmem:s23+$0xF030] =	vst v7;
	v4 =	vadd.f32 v4, v6  }
0x184: {  	s24 =	sadd.s32 s6, s22;
	[tilespmem:s23+$0xF020] =	vst v1;
	v0 =	vadd.f32 v5, v0  }
0x185: {  	s24 =	smul.u32 $0x60, s24;
	[tilespmem:s23+$0xF010] =	vst v4;
	v2 =	vadd.f32 v3, v8  }
0x186: {  	[tilespmem:s23+$0xF040] =	vst v0  }
0x187: {  	s28 =	simm.s32 $0x0;
	s26 =	simm.s32 $0xF000;
	s24 =	sadd.s32 s8, s24;
	[tilespmem:s23+$0xF000] =	vst v2  }
0x188: {  	[hbm4b:s24+s28] =	stream.linear.scatter [tilespmem:s26], [sflag:$0x10], $0x3000, $0x38;
	[tilespmem:$0x1E000] =	vst v63  }
0x189: {  	_ =	swait.ge [sflag:s14], $0x3000  }
0x18a: {  	[sflag:s14] =	ssyncset.done $0x0  }
0x18b: {  	s23 =	simm.s32 $0x0;
	[sflag:s14] =	ssyncadd.s32 $0xFFFFD000  }
0x18c: {  	v3 =	vld [tilespmem:s23+$0x12050]  }
0x18d: {  	v1 =	vld [tilespmem:s23+$0x1B070]  }
0x18e: {  	v2 =	vld [tilespmem:s23+$0x12070]  }
0x18f: {  	v4 =	vld [tilespmem:s23+$0x1B060]  }
0x190: {  	v5 =	vld [tilespmem:s23+$0x12060]  }
0x191: {  	v6 =	vld [tilespmem:s23+$0x1B050]  }
0x192: {  	v0 =	vld [tilespmem:s23+$0x12040]  }
0x193: {  	v7 =	vld [tilespmem:s23+$0x1B030]  }
0x194: {  	v8 =	vld [tilespmem:s23+$0x12030]  }
0x195: {  	v2 =	vadd.f32 v1, v2;
	v1 =	vld [tilespmem:s23+$0x1B020]  }
0x196: {  	v5 =	vadd.f32 v4, v5;
	v4 =	vld [tilespmem:s23+$0x1B010]  }
0x197: {  	v6 =	vadd.f32 v6, v3;
	v3 =	vld [tilespmem:s23+$0x1B000]  }
0x198: {  	[tilespmem:s23+$0x12070] =	vst v2;
	v2 =	vld [tilespmem:s23+$0x12020]  }
0x199: {  	[tilespmem:s23+$0x12050] =	vst v6;
	v6 =	vld [tilespmem:s23+$0x12010]  }
0x19a: {  	s24 =	simm.s32 $0x0;
	s26 =	simm.s32 $0x200;
	v7 =	vadd.f32 v7, v8;
	[tilespmem:s23+$0x12060] =	vst v5;
	v5 =	vld [tilespmem:s23+$0x1B040]  }
.LBB2_15:
0x19b: {  	s28 =	sshra.s32 s26, $0x2;
	s24 =	sadd.s32 $0x8, s24;
	v8 =	vld [tilespmem:s23+$0x12000]  }
0x19c: {  	v9 =	vld [tilespmem:s28+$0x12050];
	p1 =	slt.u32 s24, $0x2F8  }
0x19d: {  	v10 =	vld [tilespmem:s28+$0x1B070]  }
0x19e: {  	v11 =	vld [tilespmem:s28+$0x12070];
	v4 =	vadd.f32 v4, v6;
	[tilespmem:s23+$0x12030] =	vst v7  }
0x19f: {  	v1 =	vadd.f32 v1, v2;
	v6 =	vld [tilespmem:s28+$0x1B060];
	v0 =	vadd.f32 v5, v0  }
0x1a0: {  	v2 =	vld [tilespmem:s28+$0x12060];
	v3 =	vadd.f32 v3, v8;
	[tilespmem:s23+$0x12010] =	vst v4  }
0x1a1: {  	v4 =	vld [tilespmem:s28+$0x1B050];
	[tilespmem:s23+$0x12040] =	vst v0  }
0x1a2: {  	v0 =	vld [tilespmem:s28+$0x12040];
	[tilespmem:s23+$0x12020] =	vst v1  }
0x1a3: {  	v5 =	vld [tilespmem:s28+$0x1B030];
	v7 =	vadd.f32 v10, v11;
	[tilespmem:s23+$0x12000] =	vst v3;
	s23 =	smov.u32 s28  }
0x1a4: {  	v8 =	vld [tilespmem:s23+$0x12030]  }
0x1a5: {  	v1 =	vld [tilespmem:s23+$0x1B020];
	v3 =	vadd.f32 v6, v2;
	[tilespmem:s23+$0x12070] =	vst v7  }
.Ltmp8:
0x1a6: {  	v2 =	vld [tilespmem:s23+$0x12020];
	v6 =	vadd.f32 v4, v9;
	(pc) =	sbr.rel @p1 .LBB2_15-.Ltmp8, $4  }
0x1a7: {  	v4 =	vld [tilespmem:s23+$0x1B010];
	[tilespmem:s23+$0x12060] =	vst v3  }
0x1a8: {  	v3 =	vld [tilespmem:s23+$0x1B000];
	[tilespmem:s23+$0x12050] =	vst v6  }
0x1a9: {  	v6 =	vld [tilespmem:s23+$0x12010];
	v7 =	vadd.f32 v5, v8  }
0x1aa: {  	s26 =	sadd.s32 $0x200, s26;
	v5 =	vld [tilespmem:s23+$0x1B040]  }
0x1ab: {  	v8 =	vld [tilespmem:s23+$0x12000];
	_ =	sdelay $0x1  }
0x1ac: {  	v1 =	vadd.f32 v1, v2  }
0x1ad: {  	[tilespmem:s23+$0x12030] =	vst v7;
	v4 =	vadd.f32 v4, v6  }
0x1ae: {  	s24 =	sadd.s32 s7, s22;
	[tilespmem:s23+$0x12020] =	vst v1;
	v0 =	vadd.f32 v5, v0  }
0x1af: {  	s24 =	smul.u32 $0x60, s24;
	[tilespmem:s23+$0x12010] =	vst v4;
	v2 =	vadd.f32 v3, v8  }
0x1b0: {  	[tilespmem:s23+$0x12040] =	vst v0  }
0x1b1: {  	s28 =	simm.s32 $0x0;
	s26 =	sadd.s32 s8, s24;
	[tilespmem:s23+$0x12000] =	vst v2  }
0x1b2: {  	[hbm4b:s26+s28] =	stream.linear.scatter [tilespmem:s29], [sflag:$0x11], $0x3000, $0x38;
	[tilespmem:$0x1E000] =	vst v63  }
0x1b3: {  	_ =	swait.ge [sflag:s15], $0x3000  }
0x1b4: {  	[sflag:s15] =	ssyncset.done $0x0  }
0x1b5: {  	s23 =	simm.s32 $0x0;
	[sflag:s15] =	ssyncadd.s32 $0xFFFFD000  }
0x1b6: {  	v3 =	vld [tilespmem:s23+$0x15050]  }
0x1b7: {  	v1 =	vld [tilespmem:s23+$0x1B070]  }
0x1b8: {  	v2 =	vld [tilespmem:s23+$0x15070]  }
0x1b9: {  	v4 =	vld [tilespmem:s23+$0x1B060]  }
0x1ba: {  	v5 =	vld [tilespmem:s23+$0x15060]  }
0x1bb: {  	v6 =	vld [tilespmem:s23+$0x1B050]  }
0x1bc: {  	v0 =	vld [tilespmem:s23+$0x15040]  }
0x1bd: {  	v7 =	vld [tilespmem:s23+$0x1B030]  }
0x1be: {  	v8 =	vld [tilespmem:s23+$0x15030]  }
0x1bf: {  	v2 =	vadd.f32 v1, v2;
	v1 =	vld [tilespmem:s23+$0x1B020]  }
0x1c0: {  	v5 =	vadd.f32 v4, v5;
	v4 =	vld [tilespmem:s23+$0x1B010]  }
0x1c1: {  	v6 =	vadd.f32 v6, v3;
	v3 =	vld [tilespmem:s23+$0x1B000]  }
0x1c2: {  	[tilespmem:s23+$0x15070] =	vst v2;
	v2 =	vld [tilespmem:s23+$0x15020]  }
0x1c3: {  	[tilespmem:s23+$0x15050] =	vst v6;
	v6 =	vld [tilespmem:s23+$0x15010]  }
0x1c4: {  	s24 =	simm.s32 $0x0;
	s26 =	simm.s32 $0x200;
	v7 =	vadd.f32 v7, v8;
	[tilespmem:s23+$0x15060] =	vst v5;
	v5 =	vld [tilespmem:s23+$0x1B040]  }
.LBB2_17:
0x1c5: {  	s28 =	sshra.s32 s26, $0x2;
	s24 =	sadd.s32 $0x8, s24;
	v8 =	vld [tilespmem:s23+$0x15000]  }
0x1c6: {  	v9 =	vld [tilespmem:s28+$0x15050];
	p1 =	slt.u32 s24, $0x2F8  }
0x1c7: {  	v10 =	vld [tilespmem:s28+$0x1B070]  }
0x1c8: {  	v11 =	vld [tilespmem:s28+$0x15070];
	v4 =	vadd.f32 v4, v6;
	[tilespmem:s23+$0x15030] =	vst v7  }
0x1c9: {  	v1 =	vadd.f32 v1, v2;
	v6 =	vld [tilespmem:s28+$0x1B060];
	v0 =	vadd.f32 v5, v0  }
0x1ca: {  	v2 =	vld [tilespmem:s28+$0x15060];
	v3 =	vadd.f32 v3, v8;
	[tilespmem:s23+$0x15010] =	vst v4  }
0x1cb: {  	v4 =	vld [tilespmem:s28+$0x1B050];
	[tilespmem:s23+$0x15040] =	vst v0  }
0x1cc: {  	v0 =	vld [tilespmem:s28+$0x15040];
	[tilespmem:s23+$0x15020] =	vst v1  }
0x1cd: {  	v5 =	vld [tilespmem:s28+$0x1B030];
	v7 =	vadd.f32 v10, v11;
	[tilespmem:s23+$0x15000] =	vst v3;
	s23 =	smov.u32 s28  }
0x1ce: {  	v8 =	vld [tilespmem:s23+$0x15030]  }
0x1cf: {  	v1 =	vld [tilespmem:s23+$0x1B020];
	v3 =	vadd.f32 v6, v2;
	[tilespmem:s23+$0x15070] =	vst v7  }
.Ltmp9:
0x1d0: {  	v2 =	vld [tilespmem:s23+$0x15020];
	v6 =	vadd.f32 v4, v9;
	(pc) =	sbr.rel @p1 .LBB2_17-.Ltmp9, $4  }
0x1d1: {  	v4 =	vld [tilespmem:s23+$0x1B010];
	[tilespmem:s23+$0x15060] =	vst v3  }
0x1d2: {  	v3 =	vld [tilespmem:s23+$0x1B000];
	[tilespmem:s23+$0x15050] =	vst v6  }
0x1d3: {  	v6 =	vld [tilespmem:s23+$0x15010];
	v7 =	vadd.f32 v5, v8  }
0x1d4: {  	s26 =	sadd.s32 $0x200, s26;
	v5 =	vld [tilespmem:s23+$0x1B040]  }
0x1d5: {  	v8 =	vld [tilespmem:s23+$0x15000];
	_ =	sdelay $0x1  }
0x1d6: {  	v1 =	vadd.f32 v1, v2  }
0x1d7: {  	[tilespmem:s23+$0x15030] =	vst v7;
	v4 =	vadd.f32 v4, v6  }
.Ltmp10:
0x1d8: {  	s22 =	sadd.s32 s10, s22;
	[tilespmem:s23+$0x15020] =	vst v1;
	v0 =	vadd.f32 v5, v0;
	(pc) =	sbr.rel @p0 .LBB2_20-.Ltmp10, $4  }
0x1d9: {  	s22 =	smul.u32 $0x60, s22;
	[tilespmem:s23+$0x15010] =	vst v4;
	v63 =	vadd.f32 v3, v8  }
0x1da: {  	[tilespmem:s23+$0x15040] =	vst v0  }
0x1db: {  	s22 =	sadd.s32 s8, s22;
	[tilespmem:s23+$0x15000] =	vst v63  }
0x1dc: {  	[hbm4b:s22+s3] =	stream.linear.scatter [tilespmem:s30], [sflag:$0x12], $0x3000, $0x38;
	[tilespmem:$0x1E000] =	vst v63  }
0x1dd: {  	s22 =	sadd.s32 $0x30, s25  }
0x1de: {  	s23 =	sadd.s32 s5, s22  }
0x1df: {  	_ =	swait.ge [sflag:s20], $0x3000;
	s23 =	smul.u32 $0x60, s23  }
0x1e0: {  	s28 =	simm.s32 $0xC000;
	[sflag:s20] =	ssyncset.done $0x0  }
0x1e1: {  	s26 =	sadd.s32 s6, s22;
	[sflag:s20] =	ssyncadd.s32 $0xFFFFD000;
	s24 =	sadd.s32 s2, s23  }
0x1e2: {  	[tilespmem:s28], [sflag:$0x5] =	stream.linear.gather [hbm4b:s24+s3], $0x3000, $0x38;
	[tilespmem:$0x1E000] =	vst v63  }
0x1e3: {  	s24 =	smul.u32 $0x60, s26;
	_ =	swait.ge [sflag:s16], $0x3000  }
0x1e4: {  	s25 =	sadd.s32 s7, s22;
	[sflag:s16] =	ssyncset.done $0x0  }
0x1e5: {  	s28 =	simm.s32 $0xF000;
	s24 =	sadd.s32 s2, s24;
	[sflag:s16] =	ssyncadd.s32 $0xFFFFD000  }
0x1e6: {  	[tilespmem:s28], [sflag:$0x6] =	stream.linear.gather [hbm4b:s24+s3], $0x3000, $0x38;
	[tilespmem:$0x1E000] =	vst v63  }
0x1e7: {  	s24 =	smul.u32 $0x60, s25;
	_ =	swait.ge [sflag:s17], $0x3000  }
0x1e8: {  	[sflag:s17] =	ssyncset.done $0x0  }
0x1e9: {  	s22 =	sadd.s32 s10, s22;
	s24 =	sadd.s32 s2, s24;
	[sflag:s17] =	ssyncadd.s32 $0xFFFFD000  }
0x1ea: {  	[tilespmem:s29], [sflag:$0x7] =	stream.linear.gather [hbm4b:s24+s3], $0x3000, $0x38;
	[tilespmem:$0x1E000] =	vst v63  }
0x1eb: {  	s22 =	smul.u32 $0x60, s22;
	_ =	swait.ge [sflag:s18], $0x3000  }
.Ltmp11:
0x1ec: {  	[sflag:s18] =	ssyncset.done $0x0;
	(pc) =	sbr.rel .LBB2_2-.Ltmp11, $4  }
0x1ed: {  	s22 =	sadd.s32 s2, s22;
	[sflag:s18] =	ssyncadd.s32 $0xFFFFD000  }
0x1ee: {  	[tilespmem:s30], [sflag:$0x8] =	stream.linear.gather [hbm4b:s22+s3], $0x3000, $0x38;
	[tilespmem:$0x1E000] =	vst v63  }
0x1ef: {  	s19 =	sadd.s32 $0x1, s19;
	s26 =	sadd.s32 s4, s23;
	s28 =	simm.s32 $0x1B000  }
0x1f0: {  	[tilespmem:s28], [sflag:$0xA] =	stream.linear.gather [hbm4b:s26+s3], $0x3000, $0x38;
	[tilespmem:$0x1E000] =	vst v63  }
.LBB2_21:
0x1f1: {  	_ =	sfence.sel $0x180000  }
0x1f2: {  	[bflag:$0x0] =	sbarrier.arrive $0xFFFF  }
0x1f3: {  	_ =	strace $0x90000047  }
0x1f4: {  	s0 =	stileid.u32;
	[bflag:$0x2] =	sbarrier.arrive $0xFFFF  }
0x1f5: {  	p0 =	sne.s32 s0, $0x0;
	s0 =	rddreg [dreg:$0x2]  }
0x1f6: {  	s0 =	sadd.s32 @!p0 $0x100000, s0  }
0x1f7: {  	[sflag:s0] =	ssyncadd.tile.s32 @!p0 $0x1;
	_ =	shalt  }
.Lfunc_end2:
_tile_overlayer_lowered:
.L_overlay_start_2:
0x1f8: {  	(tag) =	ssettag $0x2  }
0x1f9: {  	s0 =	rddreg [dreg:$0x0];
	s2 =	stileid.u32  }
0x1fa: {  	s1 =	rddreg [dreg:$0x1];
	p0 =	sne.s32 s2, $0x0  }
0x1fb: {  	s3 =	rddreg [dreg:$0x2];
	[bflag:$0x3] =	sbarrier.arrive $0xFFFF;
	s2 =	simm.s32 @!p0 $0x1C13  }
0x1fc: {  	[timem:s3], [sflag:s2] =	dma.local @!p0 [hbm:s0], s1  }
0x1fd: {  	s0 =	simm.s32 @!p0 $0x13  }
0x1fe: {  	_ =	swait.ge @!p0 [sflag:s0], s1  }
0x1ff: {  	s1 =	ssub.s32 @!p0 $0x0, s1;
	[sflag:s0] =	ssyncset.done @!p0 $0x0  }
0x200: {  	[sflag:s0] =	ssyncadd.s32 @!p0 s1  }
0x201: {  	[bflag:$0x3] =	sbarrier.arrive $0xFFFF  }
0x202: {  	_ =	shalt  }

</sc_bundles>
